<compile_context>
chip_gen: v7x
topology: tpu7x:2x2x1
jax: 0.10.2.dev20260603
libtpu: 0.0.44.dev20260713+nightly
codegen_flags: <defaults>
</compile_context>

<pallas_src>
import functools

import jax
import jax.numpy as jnp
from jax import lax
from jax.experimental import pallas as pl
from jax.experimental.pallas import tpu as pltpu
from jax.experimental.pallas import tpu_sc as plsc

N = 10000
D = 128
E = 320000
NS = 16
NB = 128
GRP = 8
NGRP = 20
NCHUNK = NGRP * GRP
EPT = NCHUNK * NB
EP = EPT * NS
ACC_ROWS = 10112
DUMMY = N
NZCH = ACC_ROWS // NB
FROWS = 624

_mesh = plsc.VectorSubcoreMesh(core_axis_name="c", subcore_axis_name="s")


@functools.partial(
    pl.kernel,
    mesh=_mesh,
    out_type=jax.ShapeDtypeStruct((2, 2, N, D), jnp.float32),
    scratch_types=[
        pltpu.VMEM((3 * GRP, NB), jnp.int32),
        pltpu.VMEM((3 * GRP, NB), jnp.int32),
        pltpu.VMEM((2, NB, D), jnp.float32),
        pltpu.VMEM_SHARED((ACC_ROWS, D), jnp.float32),
        pltpu.SemaphoreType.DMA,
        pltpu.SemaphoreType.DMA,
        pltpu.SemaphoreType.DMA,
        pltpu.SemaphoreType.DMA,
        pltpu.SemaphoreType.DMA,
    ],
)
def _sc_scatter(x_a_hbm, x_b_hbm, src_hbm, dst_hbm, out_hbm,
                src_v, dst_v, rows_v, accum, gsem0, gsem1, ssem0, ssem1, isem):
    cid = lax.axis_index("c")
    tid = lax.axis_index("s")
    gsem = (gsem0, gsem1)
    ssem = (ssem0, ssem1)

    def _stage_idx(p, g, buf):
        pltpu.async_copy(src_hbm.at[p, cid, tid, pl.ds(g * GRP, GRP)],
                         src_v.at[pl.ds(buf * GRP, GRP)], isem)
        pltpu.async_copy(dst_hbm.at[p, cid, tid, pl.ds(g * GRP, GRP)],
                         dst_v.at[pl.ds(buf * GRP, GRP)], isem)

    def _wait_idx(p, g, buf):
        pltpu.make_async_copy(src_hbm.at[p, cid, tid, pl.ds(g * GRP, GRP)],
                              src_v.at[pl.ds(buf * GRP, GRP)], isem).wait()
        pltpu.make_async_copy(dst_hbm.at[p, cid, tid, pl.ds(g * GRP, GRP)],
                              dst_v.at[pl.ds(buf * GRP, GRP)], isem).wait()

    for p in range(2):
        x_hbm = x_a_hbm if p == 0 else x_b_hbm

        def _zrow(i, carry):
            for j in range(8):
                rows_v[0, i, pl.ds(j * 16, 16)] = jnp.zeros((16,), jnp.float32)
            return carry

        lax.fori_loop(0, NB, _zrow, 0)
        for k in range((NZCH + NS - 1) // NS):
            c = tid + k * NS
            if (k + 1) * NS <= NZCH:
                pltpu.sync_copy(rows_v.at[0], accum.at[pl.ds(c * NB, NB)])
            else:
                @pl.when(c < NZCH)
                def _ztail():
                    pltpu.sync_copy(rows_v.at[0], accum.at[pl.ds(c * NB, NB)])
        plsc.subcore_barrier()

        pltpu.sync_copy(src_hbm.at[p, cid, tid, pl.ds(0, GRP)],
                        src_v.at[pl.ds(0, GRP)])
        pltpu.sync_copy(dst_hbm.at[p, cid, tid, pl.ds(0, GRP)],
                        dst_v.at[pl.ds(0, GRP)])
        _stage_idx(p, 1, 1)
        pltpu.async_copy(x_hbm.at[src_v.at[0]], rows_v.at[0], gsem0)

        def _group(g, carry):
            base = lax.rem(g, 3) * GRP
            nxt = lax.rem(g + 1, 3) * GRP
            stage = lax.rem(g + 2, 3)
            for j in range(GRP):
                b = j % 2
                r = base + j
                pltpu.make_async_copy(x_hbm.at[src_v.at[r]], rows_v.at[b],
                                      gsem[b]).wait()
                pltpu.async_copy(rows_v.at[b], accum.at[dst_v.at[r]], ssem[b],
                                 add=True)
                if j == 0:
                    @pl.when(g > 0)
                    def _w0():
                        pltpu.make_async_copy(rows_v.at[1],
                                              accum.at[dst_v.at[r]],
                                              ssem[1]).wait()
                    pltpu.async_copy(x_hbm.at[src_v.at[r + 1]], rows_v.at[1],
                                     gsem[1])
                elif j < GRP - 1:
                    pltpu.make_async_copy(rows_v.at[1 - b],
                                          accum.at[dst_v.at[r]],
                                          ssem[1 - b]).wait()
                    pltpu.async_copy(x_hbm.at[src_v.at[r + 1]],
                                     rows_v.at[1 - b], gsem[1 - b])
                else:
                    pltpu.make_async_copy(rows_v.at[0],
                                          accum.at[dst_v.at[r]],
                                          ssem[0]).wait()

                    @pl.when(g + 1 < NGRP)
                    def _next_group():
                        _wait_idx(p, g + 1, lax.rem(g + 1, 3))
                        pltpu.async_copy(x_hbm.at[src_v.at[nxt]],
                                         rows_v.at[0], gsem[0])
                        @pl.when(g + 2 < NGRP)
                        def _stage_ahead():
                            _stage_idx(p, g + 2, stage)
            return carry

        lax.fori_loop(0, NGRP, _group, 0)
        pltpu.make_async_copy(rows_v.at[1], accum.at[dst_v.at[0]], ssem1).wait()
        plsc.subcore_barrier()
        pltpu.sync_copy(accum.at[pl.ds(tid * FROWS, FROWS)],
                        out_hbm.at[p, cid, pl.ds(tid * FROWS, FROWS)])

        @pl.when(tid == NS - 1)
        def _tail():
            pltpu.sync_copy(accum.at[pl.ds(NS * FROWS, N - NS * FROWS)],
                            out_hbm.at[p, cid, pl.ds(NS * FROWS, N - NS * FROWS)])

        plsc.subcore_barrier()


def _mm_body(a0_ref, a1_ref, w0_ref, w1_ref, o_ref):
    acc = jnp.dot(a0_ref[0, 0], w0_ref[...],
                  preferred_element_type=jnp.float32,
                  precision=lax.Precision.HIGHEST)
    acc += jnp.dot(a1_ref[0, 0], w1_ref[...],
                   preferred_element_type=jnp.float32,
                   precision=lax.Precision.HIGHEST)
    o_ref[...] = acc


def _combine(A, c, w0, w1):
    blk = 1000
    return pl.pallas_call(
        _mm_body,
        grid=(N // blk,),
        in_specs=[
            pl.BlockSpec((1, 1, blk, D), lambda i: (0, c, i, 0)),
            pl.BlockSpec((1, 1, blk, D), lambda i: (1, c, i, 0)),
            pl.BlockSpec((D, D), lambda i: (0, 0)),
            pl.BlockSpec((D, D), lambda i: (0, 0)),
        ],
        out_specs=pl.BlockSpec((blk, D), lambda i: (i, 0)),
        out_shape=jax.ShapeDtypeStruct((N, D), jnp.float32),
    )(A, A, w0, w1)


def _prep(edge_index):
    pad = EP - E
    src = jnp.concatenate([edge_index[0], jnp.zeros((pad,), jnp.int32)])
    dst = jnp.concatenate([edge_index[1], jnp.full((pad,), DUMMY, jnp.int32)])
    return src.reshape(NS, NCHUNK, NB), dst.reshape(NS, NCHUNK, NB)


def kernel(x_a, x_b, edge_index_aa, edge_index_ab, edge_index_ba,
           edge_index_bb, W_aa, W_ab, W_ba, W_bb):
    s_aa, d_aa = _prep(edge_index_aa)
    s_ab, d_ab = _prep(edge_index_ab)
    s_ba, d_ba = _prep(edge_index_ba)
    s_bb, d_bb = _prep(edge_index_bb)
    src_all = jnp.stack([jnp.stack([s_aa, s_ab]), jnp.stack([s_ba, s_bb])])
    dst_all = jnp.stack([jnp.stack([d_aa, d_ab]), jnp.stack([d_ba, d_bb])])
    A = _sc_scatter(x_a, x_b, src_all, dst_all)
    out_a = _combine(A, 0, W_aa, W_ba)
    out_b = _combine(A, 1, W_ab, W_bb)
    return out_a, out_b

# --- scband reference (transcript-rebuilt; emitter-appended) ---
"""Pipeline reference for scband-hetero-graph-conv-506806141217 (READ-ONLY COPY).

The authoritative reference and input builder live on the scoring server;
editing this copy changes nothing except your own understanding.
"""

import jax, jax.numpy as jnp
import numpy as np

N_A = 10000
N_B = 10000
D = 128
E = 320000


def setup_inputs(seed: int = 0) -> dict:
    key = jax.random.key(seed)
    ks = jax.random.split(key, 10)
    x_a = jax.random.normal(ks[0], (N_A, D), dtype=jnp.float32)
    x_b = jax.random.normal(ks[1], (N_B, D), dtype=jnp.float32)
    edge_index_aa = jax.random.randint(ks[2], (2, E), 0, N_A, dtype=jnp.int32)
    edge_index_ab = jax.random.randint(ks[3], (2, E), 0, N_A, dtype=jnp.int32)
    edge_index_ba = jax.random.randint(ks[4], (2, E), 0, N_B, dtype=jnp.int32)
    edge_index_bb = jax.random.randint(ks[5], (2, E), 0, N_B, dtype=jnp.int32)
    scale = 1.0 / np.sqrt(D)
    W_aa = jax.random.normal(ks[6], (D, D), dtype=jnp.float32) * scale
    W_ab = jax.random.normal(ks[7], (D, D), dtype=jnp.float32) * scale
    W_ba = jax.random.normal(ks[8], (D, D), dtype=jnp.float32) * scale
    W_bb = jax.random.normal(ks[9], (D, D), dtype=jnp.float32) * scale
    return {
        "x_a": x_a, "x_b": x_b,
        "edge_index_aa": edge_index_aa, "edge_index_ab": edge_index_ab,
        "edge_index_ba": edge_index_ba, "edge_index_bb": edge_index_bb,
        "W_aa": W_aa, "W_ab": W_ab, "W_ba": W_ba, "W_bb": W_bb,
    }


def _rel_graph_conv(x_src, W, edge_index, n_dst):
    # GraphConv-style per-edge-type module: transform src feats, gather over
    # src indices, scatter-sum messages into dst nodes.
    h = x_src @ W
    msg = jnp.take(h, edge_index[0], axis=0)
    return jax.ops.segment_sum(msg, edge_index[1], num_segments=n_dst)


def reference(x_a, x_b, edge_index_aa, edge_index_ab, edge_index_ba, edge_index_bb,
              W_aa, W_ab, W_ba, W_bb):
    # HeteroGraphConv with canonical etypes:
    #   ('a','aa','a'), ('a','ab','b'), ('b','ba','a'), ('b','bb','b')
    # Each dst ntype aggregates contributions from its incoming etypes with sum.
    h_aa = _rel_graph_conv(x_a, W_aa, edge_index_aa, N_A)  # a -> a
    h_ba = _rel_graph_conv(x_b, W_ba, edge_index_ba, N_A)  # b -> a
    h_ab = _rel_graph_conv(x_a, W_ab, edge_index_ab, N_B)  # a -> b
    h_bb = _rel_graph_conv(x_b, W_bb, edge_index_bb, N_B)  # b -> b
    out_a = jnp.stack([h_aa, h_ba], axis=0).sum(axis=0)  # _sum_agg
    out_b = jnp.stack([h_ab, h_bb], axis=0).sum(axis=0)  # _sum_agg
    return out_a, out_b

if __name__ == "__main__":
    import jax
    _d = setup_inputs()
    print(jax.jit(kernel)(*tuple(_d.values())))

</pallas_src>

<mosaic_0001>
#map = affine_map<(d0, d1) -> (0, 0)>
#map1 = affine_map<(d0, d1) -> (0, 0, 0, 0, 0)>
#map2 = affine_map<(d0, d1) -> (0, 0, 0, 0)>
module attributes {stable_mosaic.version = 14 : i64} {
  func.func @_sc_scatter(%arg0: i32, %arg1: i32, %arg2: memref<10000x128xf32, #tpu.memory_space<hbm>>, %arg3: memref<10000x128xf32, #tpu.memory_space<hbm>>, %arg4: memref<2x2x16x160x128xi32, #tpu.memory_space<hbm>>, %arg5: memref<2x2x16x160x128xi32, #tpu.memory_space<hbm>>, %arg6: memref<2x2x10000x128xf32, #tpu.memory_space<hbm>>, %arg7: memref<24x128xi32, #tpu.memory_space<vmem>>, %arg8: memref<24x128xi32, #tpu.memory_space<vmem>>, %arg9: memref<2x128x128xf32, #tpu.memory_space<vmem>>, %arg10: memref<10112x128xf32, #tpu.memory_space<vmem_shared>>, %arg11: memref<!tpu.dma_semaphore, #tpu.memory_space<semaphore_mem>>, %arg12: memref<!tpu.dma_semaphore, #tpu.memory_space<semaphore_mem>>, %arg13: memref<!tpu.dma_semaphore, #tpu.memory_space<semaphore_mem>>, %arg14: memref<!tpu.dma_semaphore, #tpu.memory_space<semaphore_mem>>, %arg15: memref<!tpu.dma_semaphore, #tpu.memory_space<semaphore_mem>>) attributes {dimension_semantics = [#tpu.dimension_semantics<core_parallel>, #tpu.dimension_semantics<subcore_parallel>], iteration_bounds = array<i64: 2, 16>, scalar_prefetch = 0 : i64, scratch_operands = 9 : i64, tpu.core_type = #tpu.core_type<sc_vector_subcore>, window_params = [{transform_indices = #map}, {transform_indices = #map}, {transform_indices = #map1}, {transform_indices = #map1}, {transform_indices = #map2}]} {
    %scan3A = arith.constant 0 : i32
    %scan3A_0 = arith.constant 0 : i32
    %scan3A_1 = arith.constant 128 : i32
    %scan3A_2 = arith.addi %scan3A_0, %scan3A_1 : i32
    %scan3A_3 = arith.constant 1 : i32
    scf.for %scan3A_205 = %scan3A_0 to %scan3A_2 step %scan3A_3  : i32 {
      %broadcast_in_dim3A = arith.constant 0.000000e+00 : f32
      %broadcast_in_dim3A_206 = vector.broadcast %broadcast_in_dim3A : f32 to vector<16xf32>
      %swap3A = arith.constant 0 : i32
      %swap3A_207 = arith.index_cast %swap3A : i32 to index
      %swap3A_208 = arith.index_cast %scan3A_205 : i32 to index
      %swap3A_209 = arith.constant 0 : index
      %swap3A_210 = tpu.vector_load %arg9[%swap3A_207, %swap3A_208, %swap3A_209] {strides = array<i32>} : memref<2x128x128xf32, #tpu.memory_space<vmem>>, vector<1x1x16xf32>,
      %swap3A_211 = vector.shape_cast %swap3A_210 : vector<1x1x16xf32> to vector<16xf32>
      %swap3A_212 = vector.shape_cast %broadcast_in_dim3A_206 : vector<16xf32> to vector<1x1x16xf32>
      tpu.vector_store %arg9[%swap3A_207, %swap3A_208, %swap3A_209], %swap3A_212 {strides = array<i32>} : memref<2x128x128xf32, #tpu.memory_space<vmem>>, vector<1x1x16xf32>,
      %broadcast_in_dim3A_213 = arith.constant 0.000000e+00 : f32
      %broadcast_in_dim3A_214 = vector.broadcast %broadcast_in_dim3A_213 : f32 to vector<16xf32>
      %swap3A_215 = arith.constant 0 : i32
      %swap3A_216 = arith.index_cast %swap3A_215 : i32 to index
      %swap3A_217 = arith.index_cast %scan3A_205 : i32 to index
      %swap3A_218 = arith.constant 16 : index
      %swap3A_219 = tpu.vector_load %arg9[%swap3A_216, %swap3A_217, %swap3A_218] {strides = array<i32>} : memref<2x128x128xf32, #tpu.memory_space<vmem>>, vector<1x1x16xf32>,
      %swap3A_220 = vector.shape_cast %swap3A_219 : vector<1x1x16xf32> to vector<16xf32>
      %swap3A_221 = vector.shape_cast %broadcast_in_dim3A_214 : vector<16xf32> to vector<1x1x16xf32>
      tpu.vector_store %arg9[%swap3A_216, %swap3A_217, %swap3A_218], %swap3A_221 {strides = array<i32>} : memref<2x128x128xf32, #tpu.memory_space<vmem>>, vector<1x1x16xf32>,
      %broadcast_in_dim3A_222 = arith.constant 0.000000e+00 : f32
      %broadcast_in_dim3A_223 = vector.broadcast %broadcast_in_dim3A_222 : f32 to vector<16xf32>
      %swap3A_224 = arith.constant 0 : i32
      %swap3A_225 = arith.index_cast %swap3A_224 : i32 to index
      %swap3A_226 = arith.index_cast %scan3A_205 : i32 to index
      %swap3A_227 = arith.constant 32 : index
      %swap3A_228 = tpu.vector_load %arg9[%swap3A_225, %swap3A_226, %swap3A_227] {strides = array<i32>} : memref<2x128x128xf32, #tpu.memory_space<vmem>>, vector<1x1x16xf32>,
      %swap3A_229 = vector.shape_cast %swap3A_228 : vector<1x1x16xf32> to vector<16xf32>
      %swap3A_230 = vector.shape_cast %broadcast_in_dim3A_223 : vector<16xf32> to vector<1x1x16xf32>
      tpu.vector_store %arg9[%swap3A_225, %swap3A_226, %swap3A_227], %swap3A_230 {strides = array<i32>} : memref<2x128x128xf32, #tpu.memory_space<vmem>>, vector<1x1x16xf32>,
      %broadcast_in_dim3A_231 = arith.constant 0.000000e+00 : f32
      %broadcast_in_dim3A_232 = vector.broadcast %broadcast_in_dim3A_231 : f32 to vector<16xf32>
      %swap3A_233 = arith.constant 0 : i32
      %swap3A_234 = arith.index_cast %swap3A_233 : i32 to index
      %swap3A_235 = arith.index_cast %scan3A_205 : i32 to index
      %swap3A_236 = arith.constant 48 : index
      %swap3A_237 = tpu.vector_load %arg9[%swap3A_234, %swap3A_235, %swap3A_236] {strides = array<i32>} : memref<2x128x128xf32, #tpu.memory_space<vmem>>, vector<1x1x16xf32>,
      %swap3A_238 = vector.shape_cast %swap3A_237 : vector<1x1x16xf32> to vector<16xf32>
      %swap3A_239 = vector.shape_cast %broadcast_in_dim3A_232 : vector<16xf32> to vector<1x1x16xf32>
      tpu.vector_store %arg9[%swap3A_234, %swap3A_235, %swap3A_236], %swap3A_239 {strides = array<i32>} : memref<2x128x128xf32, #tpu.memory_space<vmem>>, vector<1x1x16xf32>,
      %broadcast_in_dim3A_240 = arith.constant 0.000000e+00 : f32
      %broadcast_in_dim3A_241 = vector.broadcast %broadcast_in_dim3A_240 : f32 to vector<16xf32>
      %swap3A_242 = arith.constant 0 : i32
      %swap3A_243 = arith.index_cast %swap3A_242 : i32 to index
      %swap3A_244 = arith.index_cast %scan3A_205 : i32 to index
      %swap3A_245 = arith.constant 64 : index
      %swap3A_246 = tpu.vector_load %arg9[%swap3A_243, %swap3A_244, %swap3A_245] {strides = array<i32>} : memref<2x128x128xf32, #tpu.memory_space<vmem>>, vector<1x1x16xf32>,
      %swap3A_247 = vector.shape_cast %swap3A_246 : vector<1x1x16xf32> to vector<16xf32>
      %swap3A_248 = vector.shape_cast %broadcast_in_dim3A_241 : vector<16xf32> to vector<1x1x16xf32>
      tpu.vector_store %arg9[%swap3A_243, %swap3A_244, %swap3A_245], %swap3A_248 {strides = array<i32>} : memref<2x128x128xf32, #tpu.memory_space<vmem>>, vector<1x1x16xf32>,
      %broadcast_in_dim3A_249 = arith.constant 0.000000e+00 : f32
      %broadcast_in_dim3A_250 = vector.broadcast %broadcast_in_dim3A_249 : f32 to vector<16xf32>
      %swap3A_251 = arith.constant 0 : i32
      %swap3A_252 = arith.index_cast %swap3A_251 : i32 to index
      %swap3A_253 = arith.index_cast %scan3A_205 : i32 to index
      %swap3A_254 = arith.constant 80 : index
      %swap3A_255 = tpu.vector_load %arg9[%swap3A_252, %swap3A_253, %swap3A_254] {strides = array<i32>} : memref<2x128x128xf32, #tpu.memory_space<vmem>>, vector<1x1x16xf32>,
      %swap3A_256 = vector.shape_cast %swap3A_255 : vector<1x1x16xf32> to vector<16xf32>
      %swap3A_257 = vector.shape_cast %broadcast_in_dim3A_250 : vector<16xf32> to vector<1x1x16xf32>
      tpu.vector_store %arg9[%swap3A_252, %swap3A_253, %swap3A_254], %swap3A_257 {strides = array<i32>} : memref<2x128x128xf32, #tpu.memory_space<vmem>>, vector<1x1x16xf32>,
      %broadcast_in_dim3A_258 = arith.constant 0.000000e+00 : f32
      %broadcast_in_dim3A_259 = vector.broadcast %broadcast_in_dim3A_258 : f32 to vector<16xf32>
      %swap3A_260 = arith.constant 0 : i32
      %swap3A_261 = arith.index_cast %swap3A_260 : i32 to index
      %swap3A_262 = arith.index_cast %scan3A_205 : i32 to index
      %swap3A_263 = arith.constant 96 : index
      %swap3A_264 = tpu.vector_load %arg9[%swap3A_261, %swap3A_262, %swap3A_263] {strides = array<i32>} : memref<2x128x128xf32, #tpu.memory_space<vmem>>, vector<1x1x16xf32>,
      %swap3A_265 = vector.shape_cast %swap3A_264 : vector<1x1x16xf32> to vector<16xf32>
      %swap3A_266 = vector.shape_cast %broadcast_in_dim3A_259 : vector<16xf32> to vector<1x1x16xf32>
      tpu.vector_store %arg9[%swap3A_261, %swap3A_262, %swap3A_263], %swap3A_266 {strides = array<i32>} : memref<2x128x128xf32, #tpu.memory_space<vmem>>, vector<1x1x16xf32>,
      %broadcast_in_dim3A_267 = arith.constant 0.000000e+00 : f32
      %broadcast_in_dim3A_268 = vector.broadcast %broadcast_in_dim3A_267 : f32 to vector<16xf32>
      %swap3A_269 = arith.constant 0 : i32
      %swap3A_270 = arith.index_cast %swap3A_269 : i32 to index
      %swap3A_271 = arith.index_cast %scan3A_205 : i32 to index
      %swap3A_272 = arith.constant 112 : index
      %swap3A_273 = tpu.vector_load %arg9[%swap3A_270, %swap3A_271, %swap3A_272] {strides = array<i32>} : memref<2x128x128xf32, #tpu.memory_space<vmem>>, vector<1x1x16xf32>,
      %swap3A_274 = vector.shape_cast %swap3A_273 : vector<1x1x16xf32> to vector<16xf32>
      %swap3A_275 = vector.shape_cast %broadcast_in_dim3A_268 : vector<16xf32> to vector<1x1x16xf32>
      tpu.vector_store %arg9[%swap3A_270, %swap3A_271, %swap3A_272], %swap3A_275 {strides = array<i32>} : memref<2x128x128xf32, #tpu.memory_space<vmem>>, vector<1x1x16xf32>,
    }
    %scan3A_4 = arith.constant 128 : i32
    %add3A = arith.constant 0 : i32
    %add3A_5 = arith.addi %arg1, %add3A : i32
    %mul3A = arith.constant 128 : i32
    %mul3A_6 = arith.muli %add3A_5, %mul3A : i32
    %run_scoped3A = arith.constant 0 : i32
    "tpu.region"() ({
      %run_scoped3A_205 = tpu.sem_alloc : memref<!tpu.dma_semaphore, #tpu.memory_space<semaphore_mem>>
      %dma_start3A_206 = arith.constant 0 : i32
      %dma_start3A_207 = arith.constant 0 : i32
      %dma_start3A_208 = tpu.memref_slice %arg9[%run_scoped3A, %dma_start3A_206, %dma_start3A_207] : memref<2x128x128xf32, #tpu.memory_space<vmem>> -> memref<1x128x128xf32, #tpu.memory_space<vmem>>
      %dma_start3A_209 = tpu.memref_squeeze %dma_start3A_208 : memref<1x128x128xf32, #tpu.memory_space<vmem>> -> memref<128x128xf32, #tpu.memory_space<vmem>>
      %dma_start3A_210 = arith.constant 0 : i32
      %dma_start3A_211 = tpu.memref_slice %arg10[%mul3A_6, %dma_start3A_210] : memref<10112x128xf32, #tpu.memory_space<vmem_shared>> -> memref<128x128xf32, #tpu.memory_space<vmem_shared>>
      %dma_start3A_212 = arith.constant 0 : i32
      %dma_start3A_213 = tpu.memref_slice %arg10[%mul3A_6, %dma_start3A_212] : memref<10112x128xf32, #tpu.memory_space<vmem_shared>> -> memref<128x128xf32, #tpu.memory_space<vmem_shared>>
      %dma_start3A_214 = arith.constant 0 : i32
      %dma_start3A_215 = arith.constant 0 : i32
      %dma_start3A_216 = tpu.memref_slice %arg9[%run_scoped3A, %dma_start3A_214, %dma_start3A_215] : memref<2x128x128xf32, #tpu.memory_space<vmem>> -> memref<1x128x128xf32, #tpu.memory_space<vmem>>
      %dma_start3A_217 = tpu.memref_squeeze %dma_start3A_216 : memref<1x128x128xf32, #tpu.memory_space<vmem>> -> memref<128x128xf32, #tpu.memory_space<vmem>>
      tpu.enqueue_dma source(%dma_start3A_217 : memref<128x128xf32, #tpu.memory_space<vmem>>) target(%dma_start3A_213 : memref<128x128xf32, #tpu.memory_space<vmem_shared>>) target_semaphore(%run_scoped3A_205 : memref<!tpu.dma_semaphore, #tpu.memory_space<semaphore_mem>>)
      %dma_wait3A_218 = arith.constant 0 : i32
      %dma_wait3A_219 = arith.constant 0 : i32
      %dma_wait3A_220 = tpu.memref_slice %arg9[%run_scoped3A, %dma_wait3A_218, %dma_wait3A_219] : memref<2x128x128xf32, #tpu.memory_space<vmem>> -> memref<1x128x128xf32, #tpu.memory_space<vmem>>
      %dma_wait3A_221 = tpu.memref_squeeze %dma_wait3A_220 : memref<1x128x128xf32, #tpu.memory_space<vmem>> -> memref<128x128xf32, #tpu.memory_space<vmem>>
      %dma_wait3A_222 = arith.constant 0 : i32
      %dma_wait3A_223 = tpu.memref_slice %arg10[%mul3A_6, %dma_wait3A_222] : memref<10112x128xf32, #tpu.memory_space<vmem_shared>> -> memref<128x128xf32, #tpu.memory_space<vmem_shared>>
      %dma_wait3A_224 = arith.constant 0 : i32
      %dma_wait3A_225 = tpu.memref_slice %arg10[%mul3A_6, %dma_wait3A_224] : memref<10112x128xf32, #tpu.memory_space<vmem_shared>> -> memref<128x128xf32, #tpu.memory_space<vmem_shared>>
      %dma_wait3A_226 = arith.constant 0 : i32
      %dma_wait3A_227 = arith.constant 0 : i32
      %dma_wait3A_228 = tpu.memref_slice %arg9[%run_scoped3A, %dma_wait3A_226, %dma_wait3A_227] : memref<2x128x128xf32, #tpu.memory_space<vmem>> -> memref<1x128x128xf32, #tpu.memory_space<vmem>>
      %dma_wait3A_229 = tpu.memref_squeeze %dma_wait3A_228 : memref<1x128x128xf32, #tpu.memory_space<vmem>> -> memref<128x128xf32, #tpu.memory_space<vmem>>
      tpu.wait_dma2 semaphore(%run_scoped3A_205 : memref<!tpu.dma_semaphore, #tpu.memory_space<semaphore_mem>>) src(%dma_wait3A_229 : memref<128x128xf32, #tpu.memory_space<vmem>>) dst(%dma_wait3A_225 : memref<128x128xf32, #tpu.memory_space<vmem_shared>>)
      tpu.yield
    }) : () -> ()
    %add3A_7 = arith.constant 16 : i32
    %add3A_8 = arith.addi %arg1, %add3A_7 : i32
    %mul3A_9 = arith.constant 128 : i32
    %mul3A_10 = arith.muli %add3A_8, %mul3A_9 : i32
    %run_scoped3A_11 = arith.constant 0 : i32
    "tpu.region"() ({
      %run_scoped3A_205 = tpu.sem_alloc : memref<!tpu.dma_semaphore, #tpu.memory_space<semaphore_mem>>
      %dma_start3A_206 = arith.constant 0 : i32
      %dma_start3A_207 = arith.constant 0 : i32
      %dma_start3A_208 = tpu.memref_slice %arg9[%run_scoped3A_11, %dma_start3A_206, %dma_start3A_207] : memref<2x128x128xf32, #tpu.memory_space<vmem>> -> memref<1x128x128xf32, #tpu.memory_space<vmem>>
      %dma_start3A_209 = tpu.memref_squeeze %dma_start3A_208 : memref<1x128x128xf32, #tpu.memory_space<vmem>> -> memref<128x128xf32, #tpu.memory_space<vmem>>
      %dma_start3A_210 = arith.constant 0 : i32
      %dma_start3A_211 = tpu.memref_slice %arg10[%mul3A_10, %dma_start3A_210] : memref<10112x128xf32, #tpu.memory_space<vmem_shared>> -> memref<128x128xf32, #tpu.memory_space<vmem_shared>>
      %dma_start3A_212 = arith.constant 0 : i32
      %dma_start3A_213 = tpu.memref_slice %arg10[%mul3A_10, %dma_start3A_212] : memref<10112x128xf32, #tpu.memory_space<vmem_shared>> -> memref<128x128xf32, #tpu.memory_space<vmem_shared>>
      %dma_start3A_214 = arith.constant 0 : i32
      %dma_start3A_215 = arith.constant 0 : i32
      %dma_start3A_216 = tpu.memref_slice %arg9[%run_scoped3A_11, %dma_start3A_214, %dma_start3A_215] : memref<2x128x128xf32, #tpu.memory_space<vmem>> -> memref<1x128x128xf32, #tpu.memory_space<vmem>>
      %dma_start3A_217 = tpu.memref_squeeze %dma_start3A_216 : memref<1x128x128xf32, #tpu.memory_space<vmem>> -> memref<128x128xf32, #tpu.memory_space<vmem>>
      tpu.enqueue_dma source(%dma_start3A_217 : memref<128x128xf32, #tpu.memory_space<vmem>>) target(%dma_start3A_213 : memref<128x128xf32, #tpu.memory_space<vmem_shared>>) target_semaphore(%run_scoped3A_205 : memref<!tpu.dma_semaphore, #tpu.memory_space<semaphore_mem>>)
      %dma_wait3A_218 = arith.constant 0 : i32
      %dma_wait3A_219 = arith.constant 0 : i32
      %dma_wait3A_220 = tpu.memref_slice %arg9[%run_scoped3A_11, %dma_wait3A_218, %dma_wait3A_219] : memref<2x128x128xf32, #tpu.memory_space<vmem>> -> memref<1x128x128xf32, #tpu.memory_space<vmem>>
      %dma_wait3A_221 = tpu.memref_squeeze %dma_wait3A_220 : memref<1x128x128xf32, #tpu.memory_space<vmem>> -> memref<128x128xf32, #tpu.memory_space<vmem>>
      %dma_wait3A_222 = arith.constant 0 : i32
      %dma_wait3A_223 = tpu.memref_slice %arg10[%mul3A_10, %dma_wait3A_222] : memref<10112x128xf32, #tpu.memory_space<vmem_shared>> -> memref<128x128xf32, #tpu.memory_space<vmem_shared>>
      %dma_wait3A_224 = arith.constant 0 : i32
      %dma_wait3A_225 = tpu.memref_slice %arg10[%mul3A_10, %dma_wait3A_224] : memref<10112x128xf32, #tpu.memory_space<vmem_shared>> -> memref<128x128xf32, #tpu.memory_space<vmem_shared>>
      %dma_wait3A_226 = arith.constant 0 : i32
      %dma_wait3A_227 = arith.constant 0 : i32
      %dma_wait3A_228 = tpu.memref_slice %arg9[%run_scoped3A_11, %dma_wait3A_226, %dma_wait3A_227] : memref<2x128x128xf32, #tpu.memory_space<vmem>> -> memref<1x128x128xf32, #tpu.memory_space<vmem>>
      %dma_wait3A_229 = tpu.memref_squeeze %dma_wait3A_228 : memref<1x128x128xf32, #tpu.memory_space<vmem>> -> memref<128x128xf32, #tpu.memory_space<vmem>>
      tpu.wait_dma2 semaphore(%run_scoped3A_205 : memref<!tpu.dma_semaphore, #tpu.memory_space<semaphore_mem>>) src(%dma_wait3A_229 : memref<128x128xf32, #tpu.memory_space<vmem>>) dst(%dma_wait3A_225 : memref<128x128xf32, #tpu.memory_space<vmem_shared>>)
      tpu.yield
    }) : () -> ()
    %add3A_12 = arith.constant 32 : i32
    %add3A_13 = arith.addi %arg1, %add3A_12 : i32
    %mul3A_14 = arith.constant 128 : i32
    %mul3A_15 = arith.muli %add3A_13, %mul3A_14 : i32
    %run_scoped3A_16 = arith.constant 0 : i32
    "tpu.region"() ({
      %run_scoped3A_205 = tpu.sem_alloc : memref<!tpu.dma_semaphore, #tpu.memory_space<semaphore_mem>>
      %dma_start3A_206 = arith.constant 0 : i32
      %dma_start3A_207 = arith.constant 0 : i32
      %dma_start3A_208 = tpu.memref_slice %arg9[%run_scoped3A_16, %dma_start3A_206, %dma_start3A_207] : memref<2x128x128xf32, #tpu.memory_space<vmem>> -> memref<1x128x128xf32, #tpu.memory_space<vmem>>
      %dma_start3A_209 = tpu.memref_squeeze %dma_start3A_208 : memref<1x128x128xf32, #tpu.memory_space<vmem>> -> memref<128x128xf32, #tpu.memory_space<vmem>>
      %dma_start3A_210 = arith.constant 0 : i32
      %dma_start3A_211 = tpu.memref_slice %arg10[%mul3A_15, %dma_start3A_210] : memref<10112x128xf32, #tpu.memory_space<vmem_shared>> -> memref<128x128xf32, #tpu.memory_space<vmem_shared>>
      %dma_start3A_212 = arith.constant 0 : i32
      %dma_start3A_213 = tpu.memref_slice %arg10[%mul3A_15, %dma_start3A_212] : memref<10112x128xf32, #tpu.memory_space<vmem_shared>> -> memref<128x128xf32, #tpu.memory_space<vmem_shared>>
      %dma_start3A_214 = arith.constant 0 : i32
      %dma_start3A_215 = arith.constant 0 : i32
      %dma_start3A_216 = tpu.memref_slice %arg9[%run_scoped3A_16, %dma_start3A_214, %dma_start3A_215] : memref<2x128x128xf32, #tpu.memory_space<vmem>> -> memref<1x128x128xf32, #tpu.memory_space<vmem>>
      %dma_start3A_217 = tpu.memref_squeeze %dma_start3A_216 : memref<1x128x128xf32, #tpu.memory_space<vmem>> -> memref<128x128xf32, #tpu.memory_space<vmem>>
      tpu.enqueue_dma source(%dma_start3A_217 : memref<128x128xf32, #tpu.memory_space<vmem>>) target(%dma_start3A_213 : memref<128x128xf32, #tpu.memory_space<vmem_shared>>) target_semaphore(%run_scoped3A_205 : memref<!tpu.dma_semaphore, #tpu.memory_space<semaphore_mem>>)
      %dma_wait3A_218 = arith.constant 0 : i32
      %dma_wait3A_219 = arith.constant 0 : i32
      %dma_wait3A_220 = tpu.memref_slice %arg9[%run_scoped3A_16, %dma_wait3A_218, %dma_wait3A_219] : memref<2x128x128xf32, #tpu.memory_space<vmem>> -> memref<1x128x128xf32, #tpu.memory_space<vmem>>
      %dma_wait3A_221 = tpu.memref_squeeze %dma_wait3A_220 : memref<1x128x128xf32, #tpu.memory_space<vmem>> -> memref<128x128xf32, #tpu.memory_space<vmem>>
      %dma_wait3A_222 = arith.constant 0 : i32
      %dma_wait3A_223 = tpu.memref_slice %arg10[%mul3A_15, %dma_wait3A_222] : memref<10112x128xf32, #tpu.memory_space<vmem_shared>> -> memref<128x128xf32, #tpu.memory_space<vmem_shared>>
      %dma_wait3A_224 = arith.constant 0 : i32
      %dma_wait3A_225 = tpu.memref_slice %arg10[%mul3A_15, %dma_wait3A_224] : memref<10112x128xf32, #tpu.memory_space<vmem_shared>> -> memref<128x128xf32, #tpu.memory_space<vmem_shared>>
      %dma_wait3A_226 = arith.constant 0 : i32
      %dma_wait3A_227 = arith.constant 0 : i32
      %dma_wait3A_228 = tpu.memref_slice %arg9[%run_scoped3A_16, %dma_wait3A_226, %dma_wait3A_227] : memref<2x128x128xf32, #tpu.memory_space<vmem>> -> memref<1x128x128xf32, #tpu.memory_space<vmem>>
      %dma_wait3A_229 = tpu.memref_squeeze %dma_wait3A_228 : memref<1x128x128xf32, #tpu.memory_space<vmem>> -> memref<128x128xf32, #tpu.memory_space<vmem>>
      tpu.wait_dma2 semaphore(%run_scoped3A_205 : memref<!tpu.dma_semaphore, #tpu.memory_space<semaphore_mem>>) src(%dma_wait3A_229 : memref<128x128xf32, #tpu.memory_space<vmem>>) dst(%dma_wait3A_225 : memref<128x128xf32, #tpu.memory_space<vmem_shared>>)
      tpu.yield
    }) : () -> ()
    %add3A_17 = arith.constant 48 : i32
    %add3A_18 = arith.addi %arg1, %add3A_17 : i32
    %mul3A_19 = arith.constant 128 : i32
    %mul3A_20 = arith.muli %add3A_18, %mul3A_19 : i32
    %run_scoped3A_21 = arith.constant 0 : i32
    "tpu.region"() ({
      %run_scoped3A_205 = tpu.sem_alloc : memref<!tpu.dma_semaphore, #tpu.memory_space<semaphore_mem>>
      %dma_start3A_206 = arith.constant 0 : i32
      %dma_start3A_207 = arith.constant 0 : i32
      %dma_start3A_208 = tpu.memref_slice %arg9[%run_scoped3A_21, %dma_start3A_206, %dma_start3A_207] : memref<2x128x128xf32, #tpu.memory_space<vmem>> -> memref<1x128x128xf32, #tpu.memory_space<vmem>>
      %dma_start3A_209 = tpu.memref_squeeze %dma_start3A_208 : memref<1x128x128xf32, #tpu.memory_space<vmem>> -> memref<128x128xf32, #tpu.memory_space<vmem>>
      %dma_start3A_210 = arith.constant 0 : i32
      %dma_start3A_211 = tpu.memref_slice %arg10[%mul3A_20, %dma_start3A_210] : memref<10112x128xf32, #tpu.memory_space<vmem_shared>> -> memref<128x128xf32, #tpu.memory_space<vmem_shared>>
      %dma_start3A_212 = arith.constant 0 : i32
      %dma_start3A_213 = tpu.memref_slice %arg10[%mul3A_20, %dma_start3A_212] : memref<10112x128xf32, #tpu.memory_space<vmem_shared>> -> memref<128x128xf32, #tpu.memory_space<vmem_shared>>
      %dma_start3A_214 = arith.constant 0 : i32
      %dma_start3A_215 = arith.constant 0 : i32
      %dma_start3A_216 = tpu.memref_slice %arg9[%run_scoped3A_21, %dma_start3A_214, %dma_start3A_215] : memref<2x128x128xf32, #tpu.memory_space<vmem>> -> memref<1x128x128xf32, #tpu.memory_space<vmem>>
      %dma_start3A_217 = tpu.memref_squeeze %dma_start3A_216 : memref<1x128x128xf32, #tpu.memory_space<vmem>> -> memref<128x128xf32, #tpu.memory_space<vmem>>
      tpu.enqueue_dma source(%dma_start3A_217 : memref<128x128xf32, #tpu.memory_space<vmem>>) target(%dma_start3A_213 : memref<128x128xf32, #tpu.memory_space<vmem_shared>>) target_semaphore(%run_scoped3A_205 : memref<!tpu.dma_semaphore, #tpu.memory_space<semaphore_mem>>)
      %dma_wait3A_218 = arith.constant 0 : i32
      %dma_wait3A_219 = arith.constant 0 : i32
      %dma_wait3A_220 = tpu.memref_slice %arg9[%run_scoped3A_21, %dma_wait3A_218, %dma_wait3A_219] : memref<2x128x128xf32, #tpu.memory_space<vmem>> -> memref<1x128x128xf32, #tpu.memory_space<vmem>>
      %dma_wait3A_221 = tpu.memref_squeeze %dma_wait3A_220 : memref<1x128x128xf32, #tpu.memory_space<vmem>> -> memref<128x128xf32, #tpu.memory_space<vmem>>
      %dma_wait3A_222 = arith.constant 0 : i32
      %dma_wait3A_223 = tpu.memref_slice %arg10[%mul3A_20, %dma_wait3A_222] : memref<10112x128xf32, #tpu.memory_space<vmem_shared>> -> memref<128x128xf32, #tpu.memory_space<vmem_shared>>
      %dma_wait3A_224 = arith.constant 0 : i32
      %dma_wait3A_225 = tpu.memref_slice %arg10[%mul3A_20, %dma_wait3A_224] : memref<10112x128xf32, #tpu.memory_space<vmem_shared>> -> memref<128x128xf32, #tpu.memory_space<vmem_shared>>
      %dma_wait3A_226 = arith.constant 0 : i32
      %dma_wait3A_227 = arith.constant 0 : i32
      %dma_wait3A_228 = tpu.memref_slice %arg9[%run_scoped3A_21, %dma_wait3A_226, %dma_wait3A_227] : memref<2x128x128xf32, #tpu.memory_space<vmem>> -> memref<1x128x128xf32, #tpu.memory_space<vmem>>
      %dma_wait3A_229 = tpu.memref_squeeze %dma_wait3A_228 : memref<1x128x128xf32, #tpu.memory_space<vmem>> -> memref<128x128xf32, #tpu.memory_space<vmem>>
      tpu.wait_dma2 semaphore(%run_scoped3A_205 : memref<!tpu.dma_semaphore, #tpu.memory_space<semaphore_mem>>) src(%dma_wait3A_229 : memref<128x128xf32, #tpu.memory_space<vmem>>) dst(%dma_wait3A_225 : memref<128x128xf32, #tpu.memory_space<vmem_shared>>)
      tpu.yield
    }) : () -> ()
    %add3A_22 = arith.constant 64 : i32
    %add3A_23 = arith.addi %arg1, %add3A_22 : i32
    %lt3A = arith.constant 79 : i32
    %lt3A_24 = arith.cmpi slt, %add3A_23, %lt3A : i32
    %convert_element_type3A = arith.extui %lt3A_24 : i1 to i32
    %cond3A = arith.constant 0 : i32
    %cond3A_25 = arith.cmpi ne, %convert_element_type3A, %cond3A : i32
    scf.if %cond3A_25 {
      %mul3A_205 = arith.constant 128 : i32
      %mul3A_206 = arith.muli %add3A_23, %mul3A_205 : i32
      %run_scoped3A_207 = arith.constant 0 : i32
      "tpu.region"() ({
        %run_scoped3A_208 = tpu.sem_alloc : memref<!tpu.dma_semaphore, #tpu.memory_space<semaphore_mem>>
        %dma_start3A_209 = arith.constant 0 : i32
        %dma_start3A_210 = arith.constant 0 : i32
        %dma_start3A_211 = tpu.memref_slice %arg9[%run_scoped3A_207, %dma_start3A_209, %dma_start3A_210] : memref<2x128x128xf32, #tpu.memory_space<vmem>> -> memref<1x128x128xf32, #tpu.memory_space<vmem>>
        %dma_start3A_212 = tpu.memref_squeeze %dma_start3A_211 : memref<1x128x128xf32, #tpu.memory_space<vmem>> -> memref<128x128xf32, #tpu.memory_space<vmem>>
        %dma_start3A_213 = arith.constant 0 : i32
        %dma_start3A_214 = tpu.memref_slice %arg10[%mul3A_206, %dma_start3A_213] : memref<10112x128xf32, #tpu.memory_space<vmem_shared>> -> memref<128x128xf32, #tpu.memory_space<vmem_shared>>
        %dma_start3A_215 = arith.constant 0 : i32
        %dma_start3A_216 = tpu.memref_slice %arg10[%mul3A_206, %dma_start3A_215] : memref<10112x128xf32, #tpu.memory_space<vmem_shared>> -> memref<128x128xf32, #tpu.memory_space<vmem_shared>>
        %dma_start3A_217 = arith.constant 0 : i32
        %dma_start3A_218 = arith.constant 0 : i32
        %dma_start3A_219 = tpu.memref_slice %arg9[%run_scoped3A_207, %dma_start3A_217, %dma_start3A_218] : memref<2x128x128xf32, #tpu.memory_space<vmem>> -> memref<1x128x128xf32, #tpu.memory_space<vmem>>
        %dma_start3A_220 = tpu.memref_squeeze %dma_start3A_219 : memref<1x128x128xf32, #tpu.memory_space<vmem>> -> memref<128x128xf32, #tpu.memory_space<vmem>>
        tpu.enqueue_dma source(%dma_start3A_220 : memref<128x128xf32, #tpu.memory_space<vmem>>) target(%dma_start3A_216 : memref<128x128xf32, #tpu.memory_space<vmem_shared>>) target_semaphore(%run_scoped3A_208 : memref<!tpu.dma_semaphore, #tpu.memory_space<semaphore_mem>>)
        %dma_wait3A_221 = arith.constant 0 : i32
        %dma_wait3A_222 = arith.constant 0 : i32
        %dma_wait3A_223 = tpu.memref_slice %arg9[%run_scoped3A_207, %dma_wait3A_221, %dma_wait3A_222] : memref<2x128x128xf32, #tpu.memory_space<vmem>> -> memref<1x128x128xf32, #tpu.memory_space<vmem>>
        %dma_wait3A_224 = tpu.memref_squeeze %dma_wait3A_223 : memref<1x128x128xf32, #tpu.memory_space<vmem>> -> memref<128x128xf32, #tpu.memory_space<vmem>>
        %dma_wait3A_225 = arith.constant 0 : i32
        %dma_wait3A_226 = tpu.memref_slice %arg10[%mul3A_206, %dma_wait3A_225] : memref<10112x128xf32, #tpu.memory_space<vmem_shared>> -> memref<128x128xf32, #tpu.memory_space<vmem_shared>>
        %dma_wait3A_227 = arith.constant 0 : i32
        %dma_wait3A_228 = tpu.memref_slice %arg10[%mul3A_206, %dma_wait3A_227] : memref<10112x128xf32, #tpu.memory_space<vmem_shared>> -> memref<128x128xf32, #tpu.memory_space<vmem_shared>>
        %dma_wait3A_229 = arith.constant 0 : i32
        %dma_wait3A_230 = arith.constant 0 : i32
        %dma_wait3A_231 = tpu.memref_slice %arg9[%run_scoped3A_207, %dma_wait3A_229, %dma_wait3A_230] : memref<2x128x128xf32, #tpu.memory_space<vmem>> -> memref<1x128x128xf32, #tpu.memory_space<vmem>>
        %dma_wait3A_232 = tpu.memref_squeeze %dma_wait3A_231 : memref<1x128x128xf32, #tpu.memory_space<vmem>> -> memref<128x128xf32, #tpu.memory_space<vmem>>
        tpu.wait_dma2 semaphore(%run_scoped3A_208 : memref<!tpu.dma_semaphore, #tpu.memory_space<semaphore_mem>>) src(%dma_wait3A_232 : memref<128x128xf32, #tpu.memory_space<vmem>>) dst(%dma_wait3A_228 : memref<128x128xf32, #tpu.memory_space<vmem_shared>>)
        tpu.yield
      }) : () -> ()
    } else {
    }
    %barrier3A = arith.constant 0 : index
    tpu.barrier barrier_id(%barrier3A)
    %run_scoped3A_26 = arith.constant 0 : i32
    "tpu.region"() ({
      %run_scoped3A_205 = tpu.sem_alloc : memref<!tpu.dma_semaphore, #tpu.memory_space<semaphore_mem>>
      %dma_start3A_206 = arith.constant 0 : i32
      %dma_start3A_207 = arith.constant 0 : i32
      %dma_start3A_208 = tpu.memref_slice %arg7[%dma_start3A_206, %dma_start3A_207] : memref<24x128xi32, #tpu.memory_space<vmem>> -> memref<8x128xi32, #tpu.memory_space<vmem>>
      %dma_start3A_209 = arith.constant 0 : i32
      %dma_start3A_210 = arith.constant 0 : i32
      %dma_start3A_211 = tpu.memref_slice %arg4[%run_scoped3A_26, %arg0, %arg1, %dma_start3A_209, %dma_start3A_210] : memref<2x2x16x160x128xi32, #tpu.memory_space<hbm>> -> memref<1x1x1x8x128xi32, #tpu.memory_space<hbm>>
      %dma_start3A_212 = tpu.memref_squeeze %dma_start3A_211 : memref<1x1x1x8x128xi32, #tpu.memory_space<hbm>> -> memref<8x128xi32, #tpu.memory_space<hbm>>
      %dma_start3A_213 = arith.constant 0 : i32
      %dma_start3A_214 = arith.constant 0 : i32
      %dma_start3A_215 = tpu.memref_slice %arg7[%dma_start3A_213, %dma_start3A_214] : memref<24x128xi32, #tpu.memory_space<vmem>> -> memref<8x128xi32, #tpu.memory_space<vmem>>
      %dma_start3A_216 = arith.constant 0 : i32
      %dma_start3A_217 = arith.constant 0 : i32
      %dma_start3A_218 = tpu.memref_slice %arg4[%run_scoped3A_26, %arg0, %arg1, %dma_start3A_216, %dma_start3A_217] : memref<2x2x16x160x128xi32, #tpu.memory_space<hbm>> -> memref<1x1x1x8x128xi32, #tpu.memory_space<hbm>>
      %dma_start3A_219 = tpu.memref_squeeze %dma_start3A_218 : memref<1x1x1x8x128xi32, #tpu.memory_space<hbm>> -> memref<8x128xi32, #tpu.memory_space<hbm>>
      tpu.enqueue_dma source(%dma_start3A_219 : memref<8x128xi32, #tpu.memory_space<hbm>>) target(%dma_start3A_215 : memref<8x128xi32, #tpu.memory_space<vmem>>) target_semaphore(%run_scoped3A_205 : memref<!tpu.dma_semaphore, #tpu.memory_space<semaphore_mem>>)
      %dma_wait3A_220 = arith.constant 0 : i32
      %dma_wait3A_221 = arith.constant 0 : i32
      %dma_wait3A_222 = tpu.memref_slice %arg7[%dma_wait3A_220, %dma_wait3A_221] : memref<24x128xi32, #tpu.memory_space<vmem>> -> memref<8x128xi32, #tpu.memory_space<vmem>>
      %dma_wait3A_223 = arith.constant 0 : i32
      %dma_wait3A_224 = arith.constant 0 : i32
      %dma_wait3A_225 = tpu.memref_slice %arg4[%run_scoped3A_26, %arg0, %arg1, %dma_wait3A_223, %dma_wait3A_224] : memref<2x2x16x160x128xi32, #tpu.memory_space<hbm>> -> memref<1x1x1x8x128xi32, #tpu.memory_space<hbm>>
      %dma_wait3A_226 = tpu.memref_squeeze %dma_wait3A_225 : memref<1x1x1x8x128xi32, #tpu.memory_space<hbm>> -> memref<8x128xi32, #tpu.memory_space<hbm>>
      %dma_wait3A_227 = arith.constant 0 : i32
      %dma_wait3A_228 = arith.constant 0 : i32
      %dma_wait3A_229 = tpu.memref_slice %arg7[%dma_wait3A_227, %dma_wait3A_228] : memref<24x128xi32, #tpu.memory_space<vmem>> -> memref<8x128xi32, #tpu.memory_space<vmem>>
      %dma_wait3A_230 = arith.constant 0 : i32
      %dma_wait3A_231 = arith.constant 0 : i32
      %dma_wait3A_232 = tpu.memref_slice %arg4[%run_scoped3A_26, %arg0, %arg1, %dma_wait3A_230, %dma_wait3A_231] : memref<2x2x16x160x128xi32, #tpu.memory_space<hbm>> -> memref<1x1x1x8x128xi32, #tpu.memory_space<hbm>>
      %dma_wait3A_233 = tpu.memref_squeeze %dma_wait3A_232 : memref<1x1x1x8x128xi32, #tpu.memory_space<hbm>> -> memref<8x128xi32, #tpu.memory_space<hbm>>
      tpu.wait_dma2 semaphore(%run_scoped3A_205 : memref<!tpu.dma_semaphore, #tpu.memory_space<semaphore_mem>>) src(%dma_wait3A_233 : memref<8x128xi32, #tpu.memory_space<hbm>>) dst(%dma_wait3A_229 : memref<8x128xi32, #tpu.memory_space<vmem>>)
      tpu.yield
    }) : () -> ()
    %run_scoped3A_27 = arith.constant 0 : i32
    "tpu.region"() ({
      %run_scoped3A_205 = tpu.sem_alloc : memref<!tpu.dma_semaphore, #tpu.memory_space<semaphore_mem>>
      %dma_start3A_206 = arith.constant 0 : i32
      %dma_start3A_207 = arith.constant 0 : i32
      %dma_start3A_208 = tpu.memref_slice %arg8[%dma_start3A_206, %dma_start3A_207] : memref<24x128xi32, #tpu.memory_space<vmem>> -> memref<8x128xi32, #tpu.memory_space<vmem>>
      %dma_start3A_209 = arith.constant 0 : i32
      %dma_start3A_210 = arith.constant 0 : i32
      %dma_start3A_211 = tpu.memref_slice %arg5[%run_scoped3A_27, %arg0, %arg1, %dma_start3A_209, %dma_start3A_210] : memref<2x2x16x160x128xi32, #tpu.memory_space<hbm>> -> memref<1x1x1x8x128xi32, #tpu.memory_space<hbm>>
      %dma_start3A_212 = tpu.memref_squeeze %dma_start3A_211 : memref<1x1x1x8x128xi32, #tpu.memory_space<hbm>> -> memref<8x128xi32, #tpu.memory_space<hbm>>
      %dma_start3A_213 = arith.constant 0 : i32
      %dma_start3A_214 = arith.constant 0 : i32
      %dma_start3A_215 = tpu.memref_slice %arg8[%dma_start3A_213, %dma_start3A_214] : memref<24x128xi32, #tpu.memory_space<vmem>> -> memref<8x128xi32, #tpu.memory_space<vmem>>
      %dma_start3A_216 = arith.constant 0 : i32
      %dma_start3A_217 = arith.constant 0 : i32
      %dma_start3A_218 = tpu.memref_slice %arg5[%run_scoped3A_27, %arg0, %arg1, %dma_start3A_216, %dma_start3A_217] : memref<2x2x16x160x128xi32, #tpu.memory_space<hbm>> -> memref<1x1x1x8x128xi32, #tpu.memory_space<hbm>>
      %dma_start3A_219 = tpu.memref_squeeze %dma_start3A_218 : memref<1x1x1x8x128xi32, #tpu.memory_space<hbm>> -> memref<8x128xi32, #tpu.memory_space<hbm>>
      tpu.enqueue_dma source(%dma_start3A_219 : memref<8x128xi32, #tpu.memory_space<hbm>>) target(%dma_start3A_215 : memref<8x128xi32, #tpu.memory_space<vmem>>) target_semaphore(%run_scoped3A_205 : memref<!tpu.dma_semaphore, #tpu.memory_space<semaphore_mem>>)
      %dma_wait3A_220 = arith.constant 0 : i32
      %dma_wait3A_221 = arith.constant 0 : i32
      %dma_wait3A_222 = tpu.memref_slice %arg8[%dma_wait3A_220, %dma_wait3A_221] : memref<24x128xi32, #tpu.memory_space<vmem>> -> memref<8x128xi32, #tpu.memory_space<vmem>>
      %dma_wait3A_223 = arith.constant 0 : i32
      %dma_wait3A_224 = arith.constant 0 : i32
      %dma_wait3A_225 = tpu.memref_slice %arg5[%run_scoped3A_27, %arg0, %arg1, %dma_wait3A_223, %dma_wait3A_224] : memref<2x2x16x160x128xi32, #tpu.memory_space<hbm>> -> memref<1x1x1x8x128xi32, #tpu.memory_space<hbm>>
      %dma_wait3A_226 = tpu.memref_squeeze %dma_wait3A_225 : memref<1x1x1x8x128xi32, #tpu.memory_space<hbm>> -> memref<8x128xi32, #tpu.memory_space<hbm>>
      %dma_wait3A_227 = arith.constant 0 : i32
      %dma_wait3A_228 = arith.constant 0 : i32
      %dma_wait3A_229 = tpu.memref_slice %arg8[%dma_wait3A_227, %dma_wait3A_228] : memref<24x128xi32, #tpu.memory_space<vmem>> -> memref<8x128xi32, #tpu.memory_space<vmem>>
      %dma_wait3A_230 = arith.constant 0 : i32
      %dma_wait3A_231 = arith.constant 0 : i32
      %dma_wait3A_232 = tpu.memref_slice %arg5[%run_scoped3A_27, %arg0, %arg1, %dma_wait3A_230, %dma_wait3A_231] : memref<2x2x16x160x128xi32, #tpu.memory_space<hbm>> -> memref<1x1x1x8x128xi32, #tpu.memory_space<hbm>>
      %dma_wait3A_233 = tpu.memref_squeeze %dma_wait3A_232 : memref<1x1x1x8x128xi32, #tpu.memory_space<hbm>> -> memref<8x128xi32, #tpu.memory_space<hbm>>
      tpu.wait_dma2 semaphore(%run_scoped3A_205 : memref<!tpu.dma_semaphore, #tpu.memory_space<semaphore_mem>>) src(%dma_wait3A_233 : memref<8x128xi32, #tpu.memory_space<hbm>>) dst(%dma_wait3A_229 : memref<8x128xi32, #tpu.memory_space<vmem>>)
      tpu.yield
    }) : () -> ()
    %dma_start3A = arith.constant 0 : i32
    %dma_start3A_28 = arith.constant 8 : i32
    %dma_start3A_29 = arith.constant 0 : i32
    %dma_start3A_30 = tpu.memref_slice %arg7[%dma_start3A_28, %dma_start3A_29] : memref<24x128xi32, #tpu.memory_space<vmem>> -> memref<8x128xi32, #tpu.memory_space<vmem>>
    %dma_start3A_31 = arith.constant 8 : i32
    %dma_start3A_32 = arith.constant 0 : i32
    %dma_start3A_33 = tpu.memref_slice %arg4[%dma_start3A, %arg0, %arg1, %dma_start3A_31, %dma_start3A_32] : memref<2x2x16x160x128xi32, #tpu.memory_space<hbm>> -> memref<1x1x1x8x128xi32, #tpu.memory_space<hbm>>
    %dma_start3A_34 = tpu.memref_squeeze %dma_start3A_33 : memref<1x1x1x8x128xi32, #tpu.memory_space<hbm>> -> memref<8x128xi32, #tpu.memory_space<hbm>>
    %dma_start3A_35 = arith.constant 8 : i32
    %dma_start3A_36 = arith.constant 0 : i32
    %dma_start3A_37 = tpu.memref_slice %arg7[%dma_start3A_35, %dma_start3A_36] : memref<24x128xi32, #tpu.memory_space<vmem>> -> memref<8x128xi32, #tpu.memory_space<vmem>>
    %dma_start3A_38 = arith.constant 8 : i32
    %dma_start3A_39 = arith.constant 0 : i32
    %dma_start3A_40 = tpu.memref_slice %arg4[%dma_start3A, %arg0, %arg1, %dma_start3A_38, %dma_start3A_39] : memref<2x2x16x160x128xi32, #tpu.memory_space<hbm>> -> memref<1x1x1x8x128xi32, #tpu.memory_space<hbm>>
    %dma_start3A_41 = tpu.memref_squeeze %dma_start3A_40 : memref<1x1x1x8x128xi32, #tpu.memory_space<hbm>> -> memref<8x128xi32, #tpu.memory_space<hbm>>
    tpu.enqueue_dma source(%dma_start3A_41 : memref<8x128xi32, #tpu.memory_space<hbm>>) target(%dma_start3A_37 : memref<8x128xi32, #tpu.memory_space<vmem>>) target_semaphore(%arg15 : memref<!tpu.dma_semaphore, #tpu.memory_space<semaphore_mem>>)
    %dma_start3A_42 = arith.constant 0 : i32
    %dma_start3A_43 = arith.constant 8 : i32
    %dma_start3A_44 = arith.constant 0 : i32
    %dma_start3A_45 = tpu.memref_slice %arg8[%dma_start3A_43, %dma_start3A_44] : memref<24x128xi32, #tpu.memory_space<vmem>> -> memref<8x128xi32, #tpu.memory_space<vmem>>
    %dma_start3A_46 = arith.constant 8 : i32
    %dma_start3A_47 = arith.constant 0 : i32
    %dma_start3A_48 = tpu.memref_slice %arg5[%dma_start3A_42, %arg0, %arg1, %dma_start3A_46, %dma_start3A_47] : memref<2x2x16x160x128xi32, #tpu.memory_space<hbm>> -> memref<1x1x1x8x128xi32, #tpu.memory_space<hbm>>
    %dma_start3A_49 = tpu.memref_squeeze %dma_start3A_48 : memref<1x1x1x8x128xi32, #tpu.memory_space<hbm>> -> memref<8x128xi32, #tpu.memory_space<hbm>>
    %dma_start3A_50 = arith.constant 8 : i32
    %dma_start3A_51 = arith.constant 0 : i32
    %dma_start3A_52 = tpu.memref_slice %arg8[%dma_start3A_50, %dma_start3A_51] : memref<24x128xi32, #tpu.memory_space<vmem>> -> memref<8x128xi32, #tpu.memory_space<vmem>>
    %dma_start3A_53 = arith.constant 8 : i32
    %dma_start3A_54 = arith.constant 0 : i32
    %dma_start3A_55 = tpu.memref_slice %arg5[%dma_start3A_42, %arg0, %arg1, %dma_start3A_53, %dma_start3A_54] : memref<2x2x16x160x128xi32, #tpu.memory_space<hbm>> -> memref<1x1x1x8x128xi32, #tpu.memory_space<hbm>>
    %dma_start3A_56 = tpu.memref_squeeze %dma_start3A_55 : memref<1x1x1x8x128xi32, #tpu.memory_space<hbm>> -> memref<8x128xi32, #tpu.memory_space<hbm>>
    tpu.enqueue_dma source(%dma_start3A_56 : memref<8x128xi32, #tpu.memory_space<hbm>>) target(%dma_start3A_52 : memref<8x128xi32, #tpu.memory_space<vmem>>) target_semaphore(%arg15 : memref<!tpu.dma_semaphore, #tpu.memory_space<semaphore_mem>>)
    %dma_start3A_57 = arith.constant 0 : i32
    %dma_start3A_58 = arith.constant 0 : i32
    %dma_start3A_59 = arith.constant 0 : i32
    %dma_start3A_60 = arith.constant 0 : i32
    %dma_start3A_61 = tpu.memref_slice %arg9[%dma_start3A_58, %dma_start3A_59, %dma_start3A_60] : memref<2x128x128xf32, #tpu.memory_space<vmem>> -> memref<1x128x128xf32, #tpu.memory_space<vmem>>
    %dma_start3A_62 = tpu.memref_squeeze %dma_start3A_61 : memref<1x128x128xf32, #tpu.memory_space<vmem>> -> memref<128x128xf32, #tpu.memory_space<vmem>>
    %dma_start3A_63 = arith.constant 0 : i32
    %dma_start3A_64 = tpu.memref_slice %arg7[%dma_start3A_57, %dma_start3A_63] : memref<24x128xi32, #tpu.memory_space<vmem>> -> memref<1x128xi32, #tpu.memory_space<vmem>>
    %dma_start3A_65 = tpu.memref_squeeze %dma_start3A_64 : memref<1x128xi32, #tpu.memory_space<vmem>> -> memref<128xi32, #tpu.memory_space<vmem>>
    %dma_start3A_66 = arith.constant 0 : i32
    %dma_start3A_67 = arith.constant 0 : i32
    %dma_start3A_68 = tpu.memref_slice %arg2[%dma_start3A_66, %dma_start3A_67] : memref<10000x128xf32, #tpu.memory_space<hbm>> -> memref<10000x128xf32, #tpu.memory_space<hbm>>
    tpu.enqueue_indirect_dma source(%dma_start3A_68 : memref<10000x128xf32, #tpu.memory_space<hbm>>) target(%dma_start3A_62 : memref<128x128xf32, #tpu.memory_space<vmem>>) offsets(%dma_start3A_65 : memref<128xi32, #tpu.memory_space<vmem>>) semaphore(%arg11 : memref<!tpu.dma_semaphore, #tpu.memory_space<semaphore_mem>>)
    %scan3A_69 = arith.constant 0 : i32
    %scan3A_70 = arith.constant 0 : i32
    %scan3A_71 = arith.constant 20 : i32
    %scan3A_72 = arith.addi %scan3A_70, %scan3A_71 : i32
    %scan3A_73 = arith.constant 1 : i32
    scf.for %scan3A_205 = %scan3A_70 to %scan3A_72 step %scan3A_73  : i32 {
      %rem3A = arith.constant 3 : i32
      %rem3A_206 = arith.remsi %scan3A_205, %rem3A : i32
      %mul3A_207 = arith.constant 8 : i32
      %mul3A_208 = arith.muli %rem3A_206, %mul3A_207 : i32
      %add3A_209 = arith.constant 1 : i32
      %add3A_210 = arith.addi %scan3A_205, %add3A_209 : i32
      %rem3A_211 = arith.constant 3 : i32
      %rem3A_212 = arith.remsi %add3A_210, %rem3A_211 : i32
      %mul3A_213 = arith.constant 8 : i32
      %mul3A_214 = arith.muli %rem3A_212, %mul3A_213 : i32
      %add3A_215 = arith.constant 2 : i32
      %add3A_216 = arith.addi %scan3A_205, %add3A_215 : i32
      %rem3A_217 = arith.constant 3 : i32
      %rem3A_218 = arith.remsi %add3A_216, %rem3A_217 : i32
      %add3A_219 = arith.constant 0 : i32
      %add3A_220 = arith.addi %mul3A_208, %add3A_219 : i32
      %dma_wait3A_221 = arith.constant 0 : i32
      %dma_wait3A_222 = arith.constant 0 : i32
      %dma_wait3A_223 = arith.constant 0 : i32
      %dma_wait3A_224 = tpu.memref_slice %arg9[%dma_wait3A_221, %dma_wait3A_222, %dma_wait3A_223] : memref<2x128x128xf32, #tpu.memory_space<vmem>> -> memref<1x128x128xf32, #tpu.memory_space<vmem>>
      %dma_wait3A_225 = tpu.memref_squeeze %dma_wait3A_224 : memref<1x128x128xf32, #tpu.memory_space<vmem>> -> memref<128x128xf32, #tpu.memory_space<vmem>>
      %dma_wait3A_226 = arith.constant 0 : i32
      %dma_wait3A_227 = tpu.memref_slice %arg7[%add3A_220, %dma_wait3A_226] : memref<24x128xi32, #tpu.memory_space<vmem>> -> memref<1x128xi32, #tpu.memory_space<vmem>>
      %dma_wait3A_228 = tpu.memref_squeeze %dma_wait3A_227 : memref<1x128xi32, #tpu.memory_space<vmem>> -> memref<128xi32, #tpu.memory_space<vmem>>
      %dma_wait3A_229 = arith.constant 0 : i32
      %dma_wait3A_230 = arith.constant 0 : i32
      %dma_wait3A_231 = tpu.memref_slice %arg2[%dma_wait3A_229, %dma_wait3A_230] : memref<10000x128xf32, #tpu.memory_space<hbm>> -> memref<10000x128xf32, #tpu.memory_space<hbm>>
      tpu.wait_indirect_dma semaphore(%arg11 : memref<!tpu.dma_semaphore, #tpu.memory_space<semaphore_mem>>) src(%dma_wait3A_231 : memref<10000x128xf32, #tpu.memory_space<hbm>>) dst(%dma_wait3A_225 : memref<128x128xf32, #tpu.memory_space<vmem>>)
      %dma_start3A_232 = arith.constant 0 : i32
      %dma_start3A_233 = arith.constant 0 : i32
      %dma_start3A_234 = arith.constant 0 : i32
      %dma_start3A_235 = tpu.memref_slice %arg9[%dma_start3A_232, %dma_start3A_233, %dma_start3A_234] : memref<2x128x128xf32, #tpu.memory_space<vmem>> -> memref<1x128x128xf32, #tpu.memory_space<vmem>>
      %dma_start3A_236 = tpu.memref_squeeze %dma_start3A_235 : memref<1x128x128xf32, #tpu.memory_space<vmem>> -> memref<128x128xf32, #tpu.memory_space<vmem>>
      %dma_start3A_237 = arith.constant 0 : i32
      %dma_start3A_238 = tpu.memref_slice %arg8[%add3A_220, %dma_start3A_237] : memref<24x128xi32, #tpu.memory_space<vmem>> -> memref<1x128xi32, #tpu.memory_space<vmem>>
      %dma_start3A_239 = tpu.memref_squeeze %dma_start3A_238 : memref<1x128xi32, #tpu.memory_space<vmem>> -> memref<128xi32, #tpu.memory_space<vmem>>
      %dma_start3A_240 = arith.constant 0 : i32
      %dma_start3A_241 = arith.constant 0 : i32
      %dma_start3A_242 = tpu.memref_slice %arg10[%dma_start3A_240, %dma_start3A_241] : memref<10112x128xf32, #tpu.memory_space<vmem_shared>> -> memref<10112x128xf32, #tpu.memory_space<vmem_shared>>
      tpu.enqueue_indirect_dma source(%dma_start3A_236 : memref<128x128xf32, #tpu.memory_space<vmem>>) target(%dma_start3A_242 : memref<10112x128xf32, #tpu.memory_space<vmem_shared>>) offsets(%dma_start3A_239 : memref<128xi32, #tpu.memory_space<vmem>>) semaphore(%arg13 : memref<!tpu.dma_semaphore, #tpu.memory_space<semaphore_mem>>) {add = true}
      %gt3A = arith.constant 0 : i32
      %gt3A_243 = arith.cmpi sgt, %scan3A_205, %gt3A : i32
      %convert_element_type3A_244 = arith.extui %gt3A_243 : i1 to i32
      %cond3A_245 = arith.constant 0 : i32
      %cond3A_246 = arith.cmpi ne, %convert_element_type3A_244, %cond3A_245 : i32
      scf.if %cond3A_246 {
        %dma_wait3A_590 = arith.constant 1 : i32
        %dma_wait3A_591 = arith.constant 0 : i32
        %dma_wait3A_592 = arith.constant 0 : i32
        %dma_wait3A_593 = tpu.memref_slice %arg9[%dma_wait3A_590, %dma_wait3A_591, %dma_wait3A_592] : memref<2x128x128xf32, #tpu.memory_space<vmem>> -> memref<1x128x128xf32, #tpu.memory_space<vmem>>
        %dma_wait3A_594 = tpu.memref_squeeze %dma_wait3A_593 : memref<1x128x128xf32, #tpu.memory_space<vmem>> -> memref<128x128xf32, #tpu.memory_space<vmem>>
        %dma_wait3A_595 = arith.constant 0 : i32
        %dma_wait3A_596 = tpu.memref_slice %arg8[%add3A_220, %dma_wait3A_595] : memref<24x128xi32, #tpu.memory_space<vmem>> -> memref<1x128xi32, #tpu.memory_space<vmem>>
        %dma_wait3A_597 = tpu.memref_squeeze %dma_wait3A_596 : memref<1x128xi32, #tpu.memory_space<vmem>> -> memref<128xi32, #tpu.memory_space<vmem>>
        %dma_wait3A_598 = arith.constant 0 : i32
        %dma_wait3A_599 = arith.constant 0 : i32
        %dma_wait3A_600 = tpu.memref_slice %arg10[%dma_wait3A_598, %dma_wait3A_599] : memref<10112x128xf32, #tpu.memory_space<vmem_shared>> -> memref<10112x128xf32, #tpu.memory_space<vmem_shared>>
        tpu.wait_indirect_dma semaphore(%arg14 : memref<!tpu.dma_semaphore, #tpu.memory_space<semaphore_mem>>) src(%dma_wait3A_594 : memref<128x128xf32, #tpu.memory_space<vmem>>) dst(%dma_wait3A_600 : memref<10112x128xf32, #tpu.memory_space<vmem_shared>>)
      } else {
      }
      %add3A_247 = arith.constant 1 : i32
      %add3A_248 = arith.addi %add3A_220, %add3A_247 : i32
      %dma_start3A_249 = arith.constant 1 : i32
      %dma_start3A_250 = arith.constant 0 : i32
      %dma_start3A_251 = arith.constant 0 : i32
      %dma_start3A_252 = tpu.memref_slice %arg9[%dma_start3A_249, %dma_start3A_250, %dma_start3A_251] : memref<2x128x128xf32, #tpu.memory_space<vmem>> -> memref<1x128x128xf32, #tpu.memory_space<vmem>>
      %dma_start3A_253 = tpu.memref_squeeze %dma_start3A_252 : memref<1x128x128xf32, #tpu.memory_space<vmem>> -> memref<128x128xf32, #tpu.memory_space<vmem>>
      %dma_start3A_254 = arith.constant 0 : i32
      %dma_start3A_255 = tpu.memref_slice %arg7[%add3A_248, %dma_start3A_254] : memref<24x128xi32, #tpu.memory_space<vmem>> -> memref<1x128xi32, #tpu.memory_space<vmem>>
      %dma_start3A_256 = tpu.memref_squeeze %dma_start3A_255 : memref<1x128xi32, #tpu.memory_space<vmem>> -> memref<128xi32, #tpu.memory_space<vmem>>
      %dma_start3A_257 = arith.constant 0 : i32
      %dma_start3A_258 = arith.constant 0 : i32
      %dma_start3A_259 = tpu.memref_slice %arg2[%dma_start3A_257, %dma_start3A_258] : memref<10000x128xf32, #tpu.memory_space<hbm>> -> memref<10000x128xf32, #tpu.memory_space<hbm>>
      tpu.enqueue_indirect_dma source(%dma_start3A_259 : memref<10000x128xf32, #tpu.memory_space<hbm>>) target(%dma_start3A_253 : memref<128x128xf32, #tpu.memory_space<vmem>>) offsets(%dma_start3A_256 : memref<128xi32, #tpu.memory_space<vmem>>) semaphore(%arg12 : memref<!tpu.dma_semaphore, #tpu.memory_space<semaphore_mem>>)
      %add3A_260 = arith.constant 1 : i32
      %add3A_261 = arith.addi %mul3A_208, %add3A_260 : i32
      %dma_wait3A_262 = arith.constant 1 : i32
      %dma_wait3A_263 = arith.constant 0 : i32
      %dma_wait3A_264 = arith.constant 0 : i32
      %dma_wait3A_265 = tpu.memref_slice %arg9[%dma_wait3A_262, %dma_wait3A_263, %dma_wait3A_264] : memref<2x128x128xf32, #tpu.memory_space<vmem>> -> memref<1x128x128xf32, #tpu.memory_space<vmem>>
      %dma_wait3A_266 = tpu.memref_squeeze %dma_wait3A_265 : memref<1x128x128xf32, #tpu.memory_space<vmem>> -> memref<128x128xf32, #tpu.memory_space<vmem>>
      %dma_wait3A_267 = arith.constant 0 : i32
      %dma_wait3A_268 = tpu.memref_slice %arg7[%add3A_261, %dma_wait3A_267] : memref<24x128xi32, #tpu.memory_space<vmem>> -> memref<1x128xi32, #tpu.memory_space<vmem>>
      %dma_wait3A_269 = tpu.memref_squeeze %dma_wait3A_268 : memref<1x128xi32, #tpu.memory_space<vmem>> -> memref<128xi32, #tpu.memory_space<vmem>>
      %dma_wait3A_270 = arith.constant 0 : i32
      %dma_wait3A_271 = arith.constant 0 : i32
      %dma_wait3A_272 = tpu.memref_slice %arg2[%dma_wait3A_270, %dma_wait3A_271] : memref<10000x128xf32, #tpu.memory_space<hbm>> -> memref<10000x128xf32, #tpu.memory_space<hbm>>
      tpu.wait_indirect_dma semaphore(%arg12 : memref<!tpu.dma_semaphore, #tpu.memory_space<semaphore_mem>>) src(%dma_wait3A_272 : memref<10000x128xf32, #tpu.memory_space<hbm>>) dst(%dma_wait3A_266 : memref<128x128xf32, #tpu.memory_space<vmem>>)
      %dma_start3A_273 = arith.constant 1 : i32
      %dma_start3A_274 = arith.constant 0 : i32
      %dma_start3A_275 = arith.constant 0 : i32
      %dma_start3A_276 = tpu.memref_slice %arg9[%dma_start3A_273, %dma_start3A_274, %dma_start3A_275] : memref<2x128x128xf32, #tpu.memory_space<vmem>> -> memref<1x128x128xf32, #tpu.memory_space<vmem>>
      %dma_start3A_277 = tpu.memref_squeeze %dma_start3A_276 : memref<1x128x128xf32, #tpu.memory_space<vmem>> -> memref<128x128xf32, #tpu.memory_space<vmem>>
      %dma_start3A_278 = arith.constant 0 : i32
      %dma_start3A_279 = tpu.memref_slice %arg8[%add3A_261, %dma_start3A_278] : memref<24x128xi32, #tpu.memory_space<vmem>> -> memref<1x128xi32, #tpu.memory_space<vmem>>
      %dma_start3A_280 = tpu.memref_squeeze %dma_start3A_279 : memref<1x128xi32, #tpu.memory_space<vmem>> -> memref<128xi32, #tpu.memory_space<vmem>>
      %dma_start3A_281 = arith.constant 0 : i32
      %dma_start3A_282 = arith.constant 0 : i32
      %dma_start3A_283 = tpu.memref_slice %arg10[%dma_start3A_281, %dma_start3A_282] : memref<10112x128xf32, #tpu.memory_space<vmem_shared>> -> memref<10112x128xf32, #tpu.memory_space<vmem_shared>>
      tpu.enqueue_indirect_dma source(%dma_start3A_277 : memref<128x128xf32, #tpu.memory_space<vmem>>) target(%dma_start3A_283 : memref<10112x128xf32, #tpu.memory_space<vmem_shared>>) offsets(%dma_start3A_280 : memref<128xi32, #tpu.memory_space<vmem>>) semaphore(%arg14 : memref<!tpu.dma_semaphore, #tpu.memory_space<semaphore_mem>>) {add = true}
      %dma_wait3A_284 = arith.constant 0 : i32
      %dma_wait3A_285 = arith.constant 0 : i32
      %dma_wait3A_286 = arith.constant 0 : i32
      %dma_wait3A_287 = tpu.memref_slice %arg9[%dma_wait3A_284, %dma_wait3A_285, %dma_wait3A_286] : memref<2x128x128xf32, #tpu.memory_space<vmem>> -> memref<1x128x128xf32, #tpu.memory_space<vmem>>
      %dma_wait3A_288 = tpu.memref_squeeze %dma_wait3A_287 : memref<1x128x128xf32, #tpu.memory_space<vmem>> -> memref<128x128xf32, #tpu.memory_space<vmem>>
      %dma_wait3A_289 = arith.constant 0 : i32
      %dma_wait3A_290 = tpu.memref_slice %arg8[%add3A_261, %dma_wait3A_289] : memref<24x128xi32, #tpu.memory_space<vmem>> -> memref<1x128xi32, #tpu.memory_space<vmem>>
      %dma_wait3A_291 = tpu.memref_squeeze %dma_wait3A_290 : memref<1x128xi32, #tpu.memory_space<vmem>> -> memref<128xi32, #tpu.memory_space<vmem>>
      %dma_wait3A_292 = arith.constant 0 : i32
      %dma_wait3A_293 = arith.constant 0 : i32
      %dma_wait3A_294 = tpu.memref_slice %arg10[%dma_wait3A_292, %dma_wait3A_293] : memref<10112x128xf32, #tpu.memory_space<vmem_shared>> -> memref<10112x128xf32, #tpu.memory_space<vmem_shared>>
      tpu.wait_indirect_dma semaphore(%arg13 : memref<!tpu.dma_semaphore, #tpu.memory_space<semaphore_mem>>) src(%dma_wait3A_288 : memref<128x128xf32, #tpu.memory_space<vmem>>) dst(%dma_wait3A_294 : memref<10112x128xf32, #tpu.memory_space<vmem_shared>>)
      %add3A_295 = arith.constant 1 : i32
      %add3A_296 = arith.addi %add3A_261, %add3A_295 : i32
      %dma_start3A_297 = arith.constant 0 : i32
      %dma_start3A_298 = arith.constant 0 : i32
      %dma_start3A_299 = arith.constant 0 : i32
      %dma_start3A_300 = tpu.memref_slice %arg9[%dma_start3A_297, %dma_start3A_298, %dma_start3A_299] : memref<2x128x128xf32, #tpu.memory_space<vmem>> -> memref<1x128x128xf32, #tpu.memory_space<vmem>>
      %dma_start3A_301 = tpu.memref_squeeze %dma_start3A_300 : memref<1x128x128xf32, #tpu.memory_space<vmem>> -> memref<128x128xf32, #tpu.memory_space<vmem>>
      %dma_start3A_302 = arith.constant 0 : i32
      %dma_start3A_303 = tpu.memref_slice %arg7[%add3A_296, %dma_start3A_302] : memref<24x128xi32, #tpu.memory_space<vmem>> -> memref<1x128xi32, #tpu.memory_space<vmem>>
      %dma_start3A_304 = tpu.memref_squeeze %dma_start3A_303 : memref<1x128xi32, #tpu.memory_space<vmem>> -> memref<128xi32, #tpu.memory_space<vmem>>
      %dma_start3A_305 = arith.constant 0 : i32
      %dma_start3A_306 = arith.constant 0 : i32
      %dma_start3A_307 = tpu.memref_slice %arg2[%dma_start3A_305, %dma_start3A_306] : memref<10000x128xf32, #tpu.memory_space<hbm>> -> memref<10000x128xf32, #tpu.memory_space<hbm>>
      tpu.enqueue_indirect_dma source(%dma_start3A_307 : memref<10000x128xf32, #tpu.memory_space<hbm>>) target(%dma_start3A_301 : memref<128x128xf32, #tpu.memory_space<vmem>>) offsets(%dma_start3A_304 : memref<128xi32, #tpu.memory_space<vmem>>) semaphore(%arg11 : memref<!tpu.dma_semaphore, #tpu.memory_space<semaphore_mem>>)
      %add3A_308 = arith.constant 2 : i32
      %add3A_309 = arith.addi %mul3A_208, %add3A_308 : i32
      %dma_wait3A_310 = arith.constant 0 : i32
      %dma_wait3A_311 = arith.constant 0 : i32
      %dma_wait3A_312 = arith.constant 0 : i32
      %dma_wait3A_313 = tpu.memref_slice %arg9[%dma_wait3A_310, %dma_wait3A_311, %dma_wait3A_312] : memref<2x128x128xf32, #tpu.memory_space<vmem>> -> memref<1x128x128xf32, #tpu.memory_space<vmem>>
      %dma_wait3A_314 = tpu.memref_squeeze %dma_wait3A_313 : memref<1x128x128xf32, #tpu.memory_space<vmem>> -> memref<128x128xf32, #tpu.memory_space<vmem>>
      %dma_wait3A_315 = arith.constant 0 : i32
      %dma_wait3A_316 = tpu.memref_slice %arg7[%add3A_309, %dma_wait3A_315] : memref<24x128xi32, #tpu.memory_space<vmem>> -> memref<1x128xi32, #tpu.memory_space<vmem>>
      %dma_wait3A_317 = tpu.memref_squeeze %dma_wait3A_316 : memref<1x128xi32, #tpu.memory_space<vmem>> -> memref<128xi32, #tpu.memory_space<vmem>>
      %dma_wait3A_318 = arith.constant 0 : i32
      %dma_wait3A_319 = arith.constant 0 : i32
      %dma_wait3A_320 = tpu.memref_slice %arg2[%dma_wait3A_318, %dma_wait3A_319] : memref<10000x128xf32, #tpu.memory_space<hbm>> -> memref<10000x128xf32, #tpu.memory_space<hbm>>
      tpu.wait_indirect_dma semaphore(%arg11 : memref<!tpu.dma_semaphore, #tpu.memory_space<semaphore_mem>>) src(%dma_wait3A_320 : memref<10000x128xf32, #tpu.memory_space<hbm>>) dst(%dma_wait3A_314 : memref<128x128xf32, #tpu.memory_space<vmem>>)
      %dma_start3A_321 = arith.constant 0 : i32
      %dma_start3A_322 = arith.constant 0 : i32
      %dma_start3A_323 = arith.constant 0 : i32
      %dma_start3A_324 = tpu.memref_slice %arg9[%dma_start3A_321, %dma_start3A_322, %dma_start3A_323] : memref<2x128x128xf32, #tpu.memory_space<vmem>> -> memref<1x128x128xf32, #tpu.memory_space<vmem>>
      %dma_start3A_325 = tpu.memref_squeeze %dma_start3A_324 : memref<1x128x128xf32, #tpu.memory_space<vmem>> -> memref<128x128xf32, #tpu.memory_space<vmem>>
      %dma_start3A_326 = arith.constant 0 : i32
      %dma_start3A_327 = tpu.memref_slice %arg8[%add3A_309, %dma_start3A_326] : memref<24x128xi32, #tpu.memory_space<vmem>> -> memref<1x128xi32, #tpu.memory_space<vmem>>
      %dma_start3A_328 = tpu.memref_squeeze %dma_start3A_327 : memref<1x128xi32, #tpu.memory_space<vmem>> -> memref<128xi32, #tpu.memory_space<vmem>>
      %dma_start3A_329 = arith.constant 0 : i32
      %dma_start3A_330 = arith.constant 0 : i32
      %dma_start3A_331 = tpu.memref_slice %arg10[%dma_start3A_329, %dma_start3A_330] : memref<10112x128xf32, #tpu.memory_space<vmem_shared>> -> memref<10112x128xf32, #tpu.memory_space<vmem_shared>>
      tpu.enqueue_indirect_dma source(%dma_start3A_325 : memref<128x128xf32, #tpu.memory_space<vmem>>) target(%dma_start3A_331 : memref<10112x128xf32, #tpu.memory_space<vmem_shared>>) offsets(%dma_start3A_328 : memref<128xi32, #tpu.memory_space<vmem>>) semaphore(%arg13 : memref<!tpu.dma_semaphore, #tpu.memory_space<semaphore_mem>>) {add = true}
      %dma_wait3A_332 = arith.constant 1 : i32
      %dma_wait3A_333 = arith.constant 0 : i32
      %dma_wait3A_334 = arith.constant 0 : i32
      %dma_wait3A_335 = tpu.memref_slice %arg9[%dma_wait3A_332, %dma_wait3A_333, %dma_wait3A_334] : memref<2x128x128xf32, #tpu.memory_space<vmem>> -> memref<1x128x128xf32, #tpu.memory_space<vmem>>
      %dma_wait3A_336 = tpu.memref_squeeze %dma_wait3A_335 : memref<1x128x128xf32, #tpu.memory_space<vmem>> -> memref<128x128xf32, #tpu.memory_space<vmem>>
      %dma_wait3A_337 = arith.constant 0 : i32
      %dma_wait3A_338 = tpu.memref_slice %arg8[%add3A_309, %dma_wait3A_337] : memref<24x128xi32, #tpu.memory_space<vmem>> -> memref<1x128xi32, #tpu.memory_space<vmem>>
      %dma_wait3A_339 = tpu.memref_squeeze %dma_wait3A_338 : memref<1x128xi32, #tpu.memory_space<vmem>> -> memref<128xi32, #tpu.memory_space<vmem>>
      %dma_wait3A_340 = arith.constant 0 : i32
      %dma_wait3A_341 = arith.constant 0 : i32
      %dma_wait3A_342 = tpu.memref_slice %arg10[%dma_wait3A_340, %dma_wait3A_341] : memref<10112x128xf32, #tpu.memory_space<vmem_shared>> -> memref<10112x128xf32, #tpu.memory_space<vmem_shared>>
      tpu.wait_indirect_dma semaphore(%arg14 : memref<!tpu.dma_semaphore, #tpu.memory_space<semaphore_mem>>) src(%dma_wait3A_336 : memref<128x128xf32, #tpu.memory_space<vmem>>) dst(%dma_wait3A_342 : memref<10112x128xf32, #tpu.memory_space<vmem_shared>>)
      %add3A_343 = arith.constant 1 : i32
      %add3A_344 = arith.addi %add3A_309, %add3A_343 : i32
      %dma_start3A_345 = arith.constant 1 : i32
      %dma_start3A_346 = arith.constant 0 : i32
      %dma_start3A_347 = arith.constant 0 : i32
      %dma_start3A_348 = tpu.memref_slice %arg9[%dma_start3A_345, %dma_start3A_346, %dma_start3A_347] : memref<2x128x128xf32, #tpu.memory_space<vmem>> -> memref<1x128x128xf32, #tpu.memory_space<vmem>>
      %dma_start3A_349 = tpu.memref_squeeze %dma_start3A_348 : memref<1x128x128xf32, #tpu.memory_space<vmem>> -> memref<128x128xf32, #tpu.memory_space<vmem>>
      %dma_start3A_350 = arith.constant 0 : i32
      %dma_start3A_351 = tpu.memref_slice %arg7[%add3A_344, %dma_start3A_350] : memref<24x128xi32, #tpu.memory_space<vmem>> -> memref<1x128xi32, #tpu.memory_space<vmem>>
      %dma_start3A_352 = tpu.memref_squeeze %dma_start3A_351 : memref<1x128xi32, #tpu.memory_space<vmem>> -> memref<128xi32, #tpu.memory_space<vmem>>
      %dma_start3A_353 = arith.constant 0 : i32
      %dma_start3A_354 = arith.constant 0 : i32
      %dma_start3A_355 = tpu.memref_slice %arg2[%dma_start3A_353, %dma_start3A_354] : memref<10000x128xf32, #tpu.memory_space<hbm>> -> memref<10000x128xf32, #tpu.memory_space<hbm>>
      tpu.enqueue_indirect_dma source(%dma_start3A_355 : memref<10000x128xf32, #tpu.memory_space<hbm>>) target(%dma_start3A_349 : memref<128x128xf32, #tpu.memory_space<vmem>>) offsets(%dma_start3A_352 : memref<128xi32, #tpu.memory_space<vmem>>) semaphore(%arg12 : memref<!tpu.dma_semaphore, #tpu.memory_space<semaphore_mem>>)
      %add3A_356 = arith.constant 3 : i32
      %add3A_357 = arith.addi %mul3A_208, %add3A_356 : i32
      %dma_wait3A_358 = arith.constant 1 : i32
      %dma_wait3A_359 = arith.constant 0 : i32
      %dma_wait3A_360 = arith.constant 0 : i32
      %dma_wait3A_361 = tpu.memref_slice %arg9[%dma_wait3A_358, %dma_wait3A_359, %dma_wait3A_360] : memref<2x128x128xf32, #tpu.memory_space<vmem>> -> memref<1x128x128xf32, #tpu.memory_space<vmem>>
      %dma_wait3A_362 = tpu.memref_squeeze %dma_wait3A_361 : memref<1x128x128xf32, #tpu.memory_space<vmem>> -> memref<128x128xf32, #tpu.memory_space<vmem>>
      %dma_wait3A_363 = arith.constant 0 : i32
      %dma_wait3A_364 = tpu.memref_slice %arg7[%add3A_357, %dma_wait3A_363] : memref<24x128xi32, #tpu.memory_space<vmem>> -> memref<1x128xi32, #tpu.memory_space<vmem>>
      %dma_wait3A_365 = tpu.memref_squeeze %dma_wait3A_364 : memref<1x128xi32, #tpu.memory_space<vmem>> -> memref<128xi32, #tpu.memory_space<vmem>>
      %dma_wait3A_366 = arith.constant 0 : i32
      %dma_wait3A_367 = arith.constant 0 : i32
      %dma_wait3A_368 = tpu.memref_slice %arg2[%dma_wait3A_366, %dma_wait3A_367] : memref<10000x128xf32, #tpu.memory_space<hbm>> -> memref<10000x128xf32, #tpu.memory_space<hbm>>
      tpu.wait_indirect_dma semaphore(%arg12 : memref<!tpu.dma_semaphore, #tpu.memory_space<semaphore_mem>>) src(%dma_wait3A_368 : memref<10000x128xf32, #tpu.memory_space<hbm>>) dst(%dma_wait3A_362 : memref<128x128xf32, #tpu.memory_space<vmem>>)
      %dma_start3A_369 = arith.constant 1 : i32
      %dma_start3A_370 = arith.constant 0 : i32
      %dma_start3A_371 = arith.constant 0 : i32
      %dma_start3A_372 = tpu.memref_slice %arg9[%dma_start3A_369, %dma_start3A_370, %dma_start3A_371] : memref<2x128x128xf32, #tpu.memory_space<vmem>> -> memref<1x128x128xf32, #tpu.memory_space<vmem>>
      %dma_start3A_373 = tpu.memref_squeeze %dma_start3A_372 : memref<1x128x128xf32, #tpu.memory_space<vmem>> -> memref<128x128xf32, #tpu.memory_space<vmem>>
      %dma_start3A_374 = arith.constant 0 : i32
      %dma_start3A_375 = tpu.memref_slice %arg8[%add3A_357, %dma_start3A_374] : memref<24x128xi32, #tpu.memory_space<vmem>> -> memref<1x128xi32, #tpu.memory_space<vmem>>
      %dma_start3A_376 = tpu.memref_squeeze %dma_start3A_375 : memref<1x128xi32, #tpu.memory_space<vmem>> -> memref<128xi32, #tpu.memory_space<vmem>>
      %dma_start3A_377 = arith.constant 0 : i32
      %dma_start3A_378 = arith.constant 0 : i32
      %dma_start3A_379 = tpu.memref_slice %arg10[%dma_start3A_377, %dma_start3A_378] : memref<10112x128xf32, #tpu.memory_space<vmem_shared>> -> memref<10112x128xf32, #tpu.memory_space<vmem_shared>>
      tpu.enqueue_indirect_dma source(%dma_start3A_373 : memref<128x128xf32, #tpu.memory_space<vmem>>) target(%dma_start3A_379 : memref<10112x128xf32, #tpu.memory_space<vmem_shared>>) offsets(%dma_start3A_376 : memref<128xi32, #tpu.memory_space<vmem>>) semaphore(%arg14 : memref<!tpu.dma_semaphore, #tpu.memory_space<semaphore_mem>>) {add = true}
      %dma_wait3A_380 = arith.constant 0 : i32
      %dma_wait3A_381 = arith.constant 0 : i32
      %dma_wait3A_382 = arith.constant 0 : i32
      %dma_wait3A_383 = tpu.memref_slice %arg9[%dma_wait3A_380, %dma_wait3A_381, %dma_wait3A_382] : memref<2x128x128xf32, #tpu.memory_space<vmem>> -> memref<1x128x128xf32, #tpu.memory_space<vmem>>
      %dma_wait3A_384 = tpu.memref_squeeze %dma_wait3A_383 : memref<1x128x128xf32, #tpu.memory_space<vmem>> -> memref<128x128xf32, #tpu.memory_space<vmem>>
      %dma_wait3A_385 = arith.constant 0 : i32
      %dma_wait3A_386 = tpu.memref_slice %arg8[%add3A_357, %dma_wait3A_385] : memref<24x128xi32, #tpu.memory_space<vmem>> -> memref<1x128xi32, #tpu.memory_space<vmem>>
      %dma_wait3A_387 = tpu.memref_squeeze %dma_wait3A_386 : memref<1x128xi32, #tpu.memory_space<vmem>> -> memref<128xi32, #tpu.memory_space<vmem>>
      %dma_wait3A_388 = arith.constant 0 : i32
      %dma_wait3A_389 = arith.constant 0 : i32
      %dma_wait3A_390 = tpu.memref_slice %arg10[%dma_wait3A_388, %dma_wait3A_389] : memref<10112x128xf32, #tpu.memory_space<vmem_shared>> -> memref<10112x128xf32, #tpu.memory_space<vmem_shared>>
      tpu.wait_indirect_dma semaphore(%arg13 : memref<!tpu.dma_semaphore, #tpu.memory_space<semaphore_mem>>) src(%dma_wait3A_384 : memref<128x128xf32, #tpu.memory_space<vmem>>) dst(%dma_wait3A_390 : memref<10112x128xf32, #tpu.memory_space<vmem_shared>>)
      %add3A_391 = arith.constant 1 : i32
      %add3A_392 = arith.addi %add3A_357, %add3A_391 : i32
      %dma_start3A_393 = arith.constant 0 : i32
      %dma_start3A_394 = arith.constant 0 : i32
      %dma_start3A_395 = arith.constant 0 : i32
      %dma_start3A_396 = tpu.memref_slice %arg9[%dma_start3A_393, %dma_start3A_394, %dma_start3A_395] : memref<2x128x128xf32, #tpu.memory_space<vmem>> -> memref<1x128x128xf32, #tpu.memory_space<vmem>>
      %dma_start3A_397 = tpu.memref_squeeze %dma_start3A_396 : memref<1x128x128xf32, #tpu.memory_space<vmem>> -> memref<128x128xf32, #tpu.memory_space<vmem>>
      %dma_start3A_398 = arith.constant 0 : i32
      %dma_start3A_399 = tpu.memref_slice %arg7[%add3A_392, %dma_start3A_398] : memref<24x128xi32, #tpu.memory_space<vmem>> -> memref<1x128xi32, #tpu.memory_space<vmem>>
      %dma_start3A_400 = tpu.memref_squeeze %dma_start3A_399 : memref<1x128xi32, #tpu.memory_space<vmem>> -> memref<128xi32, #tpu.memory_space<vmem>>
      %dma_start3A_401 = arith.constant 0 : i32
      %dma_start3A_402 = arith.constant 0 : i32
      %dma_start3A_403 = tpu.memref_slice %arg2[%dma_start3A_401, %dma_start3A_402] : memref<10000x128xf32, #tpu.memory_space<hbm>> -> memref<10000x128xf32, #tpu.memory_space<hbm>>
      tpu.enqueue_indirect_dma source(%dma_start3A_403 : memref<10000x128xf32, #tpu.memory_space<hbm>>) target(%dma_start3A_397 : memref<128x128xf32, #tpu.memory_space<vmem>>) offsets(%dma_start3A_400 : memref<128xi32, #tpu.memory_space<vmem>>) semaphore(%arg11 : memref<!tpu.dma_semaphore, #tpu.memory_space<semaphore_mem>>)
      %add3A_404 = arith.constant 4 : i32
      %add3A_405 = arith.addi %mul3A_208, %add3A_404 : i32
      %dma_wait3A_406 = arith.constant 0 : i32
      %dma_wait3A_407 = arith.constant 0 : i32
      %dma_wait3A_408 = arith.constant 0 : i32
      %dma_wait3A_409 = tpu.memref_slice %arg9[%dma_wait3A_406, %dma_wait3A_407, %dma_wait3A_408] : memref<2x128x128xf32, #tpu.memory_space<vmem>> -> memref<1x128x128xf32, #tpu.memory_space<vmem>>
      %dma_wait3A_410 = tpu.memref_squeeze %dma_wait3A_409 : memref<1x128x128xf32, #tpu.memory_space<vmem>> -> memref<128x128xf32, #tpu.memory_space<vmem>>
      %dma_wait3A_411 = arith.constant 0 : i32
      %dma_wait3A_412 = tpu.memref_slice %arg7[%add3A_405, %dma_wait3A_411] : memref<24x128xi32, #tpu.memory_space<vmem>> -> memref<1x128xi32, #tpu.memory_space<vmem>>
      %dma_wait3A_413 = tpu.memref_squeeze %dma_wait3A_412 : memref<1x128xi32, #tpu.memory_space<vmem>> -> memref<128xi32, #tpu.memory_space<vmem>>
      %dma_wait3A_414 = arith.constant 0 : i32
      %dma_wait3A_415 = arith.constant 0 : i32
      %dma_wait3A_416 = tpu.memref_slice %arg2[%dma_wait3A_414, %dma_wait3A_415] : memref<10000x128xf32, #tpu.memory_space<hbm>> -> memref<10000x128xf32, #tpu.memory_space<hbm>>
      tpu.wait_indirect_dma semaphore(%arg11 : memref<!tpu.dma_semaphore, #tpu.memory_space<semaphore_mem>>) src(%dma_wait3A_416 : memref<10000x128xf32, #tpu.memory_space<hbm>>) dst(%dma_wait3A_410 : memref<128x128xf32, #tpu.memory_space<vmem>>)
      %dma_start3A_417 = arith.constant 0 : i32
      %dma_start3A_418 = arith.constant 0 : i32
      %dma_start3A_419 = arith.constant 0 : i32
      %dma_start3A_420 = tpu.memref_slice %arg9[%dma_start3A_417, %dma_start3A_418, %dma_start3A_419] : memref<2x128x128xf32, #tpu.memory_space<vmem>> -> memref<1x128x128xf32, #tpu.memory_space<vmem>>
      %dma_start3A_421 = tpu.memref_squeeze %dma_start3A_420 : memref<1x128x128xf32, #tpu.memory_space<vmem>> -> memref<128x128xf32, #tpu.memory_space<vmem>>
      %dma_start3A_422 = arith.constant 0 : i32
      %dma_start3A_423 = tpu.memref_slice %arg8[%add3A_405, %dma_start3A_422] : memref<24x128xi32, #tpu.memory_space<vmem>> -> memref<1x128xi32, #tpu.memory_space<vmem>>
      %dma_start3A_424 = tpu.memref_squeeze %dma_start3A_423 : memref<1x128xi32, #tpu.memory_space<vmem>> -> memref<128xi32, #tpu.memory_space<vmem>>
      %dma_start3A_425 = arith.constant 0 : i32
      %dma_start3A_426 = arith.constant 0 : i32
      %dma_start3A_427 = tpu.memref_slice %arg10[%dma_start3A_425, %dma_start3A_426] : memref<10112x128xf32, #tpu.memory_space<vmem_shared>> -> memref<10112x128xf32, #tpu.memory_space<vmem_shared>>
      tpu.enqueue_indirect_dma source(%dma_start3A_421 : memref<128x128xf32, #tpu.memory_space<vmem>>) target(%dma_start3A_427 : memref<10112x128xf32, #tpu.memory_space<vmem_shared>>) offsets(%dma_start3A_424 : memref<128xi32, #tpu.memory_space<vmem>>) semaphore(%arg13 : memref<!tpu.dma_semaphore, #tpu.memory_space<semaphore_mem>>) {add = true}
      %dma_wait3A_428 = arith.constant 1 : i32
      %dma_wait3A_429 = arith.constant 0 : i32
      %dma_wait3A_430 = arith.constant 0 : i32
      %dma_wait3A_431 = tpu.memref_slice %arg9[%dma_wait3A_428, %dma_wait3A_429, %dma_wait3A_430] : memref<2x128x128xf32, #tpu.memory_space<vmem>> -> memref<1x128x128xf32, #tpu.memory_space<vmem>>
      %dma_wait3A_432 = tpu.memref_squeeze %dma_wait3A_431 : memref<1x128x128xf32, #tpu.memory_space<vmem>> -> memref<128x128xf32, #tpu.memory_space<vmem>>
      %dma_wait3A_433 = arith.constant 0 : i32
      %dma_wait3A_434 = tpu.memref_slice %arg8[%add3A_405, %dma_wait3A_433] : memref<24x128xi32, #tpu.memory_space<vmem>> -> memref<1x128xi32, #tpu.memory_space<vmem>>
      %dma_wait3A_435 = tpu.memref_squeeze %dma_wait3A_434 : memref<1x128xi32, #tpu.memory_space<vmem>> -> memref<128xi32, #tpu.memory_space<vmem>>
      %dma_wait3A_436 = arith.constant 0 : i32
      %dma_wait3A_437 = arith.constant 0 : i32
      %dma_wait3A_438 = tpu.memref_slice %arg10[%dma_wait3A_436, %dma_wait3A_437] : memref<10112x128xf32, #tpu.memory_space<vmem_shared>> -> memref<10112x128xf32, #tpu.memory_space<vmem_shared>>
      tpu.wait_indirect_dma semaphore(%arg14 : memref<!tpu.dma_semaphore, #tpu.memory_space<semaphore_mem>>) src(%dma_wait3A_432 : memref<128x128xf32, #tpu.memory_space<vmem>>) dst(%dma_wait3A_438 : memref<10112x128xf32, #tpu.memory_space<vmem_shared>>)
      %add3A_439 = arith.constant 1 : i32
      %add3A_440 = arith.addi %add3A_405, %add3A_439 : i32
      %dma_start3A_441 = arith.constant 1 : i32
      %dma_start3A_442 = arith.constant 0 : i32
      %dma_start3A_443 = arith.constant 0 : i32
      %dma_start3A_444 = tpu.memref_slice %arg9[%dma_start3A_441, %dma_start3A_442, %dma_start3A_443] : memref<2x128x128xf32, #tpu.memory_space<vmem>> -> memref<1x128x128xf32, #tpu.memory_space<vmem>>
      %dma_start3A_445 = tpu.memref_squeeze %dma_start3A_444 : memref<1x128x128xf32, #tpu.memory_space<vmem>> -> memref<128x128xf32, #tpu.memory_space<vmem>>
      %dma_start3A_446 = arith.constant 0 : i32
      %dma_start3A_447 = tpu.memref_slice %arg7[%add3A_440, %dma_start3A_446] : memref<24x128xi32, #tpu.memory_space<vmem>> -> memref<1x128xi32, #tpu.memory_space<vmem>>
      %dma_start3A_448 = tpu.memref_squeeze %dma_start3A_447 : memref<1x128xi32, #tpu.memory_space<vmem>> -> memref<128xi32, #tpu.memory_space<vmem>>
      %dma_start3A_449 = arith.constant 0 : i32
      %dma_start3A_450 = arith.constant 0 : i32
      %dma_start3A_451 = tpu.memref_slice %arg2[%dma_start3A_449, %dma_start3A_450] : memref<10000x128xf32, #tpu.memory_space<hbm>> -> memref<10000x128xf32, #tpu.memory_space<hbm>>
      tpu.enqueue_indirect_dma source(%dma_start3A_451 : memref<10000x128xf32, #tpu.memory_space<hbm>>) target(%dma_start3A_445 : memref<128x128xf32, #tpu.memory_space<vmem>>) offsets(%dma_start3A_448 : memref<128xi32, #tpu.memory_space<vmem>>) semaphore(%arg12 : memref<!tpu.dma_semaphore, #tpu.memory_space<semaphore_mem>>)
      %add3A_452 = arith.constant 5 : i32
      %add3A_453 = arith.addi %mul3A_208, %add3A_452 : i32
      %dma_wait3A_454 = arith.constant 1 : i32
      %dma_wait3A_455 = arith.constant 0 : i32
      %dma_wait3A_456 = arith.constant 0 : i32
      %dma_wait3A_457 = tpu.memref_slice %arg9[%dma_wait3A_454, %dma_wait3A_455, %dma_wait3A_456] : memref<2x128x128xf32, #tpu.memory_space<vmem>> -> memref<1x128x128xf32, #tpu.memory_space<vmem>>
      %dma_wait3A_458 = tpu.memref_squeeze %dma_wait3A_457 : memref<1x128x128xf32, #tpu.memory_space<vmem>> -> memref<128x128xf32, #tpu.memory_space<vmem>>
      %dma_wait3A_459 = arith.constant 0 : i32
      %dma_wait3A_460 = tpu.memref_slice %arg7[%add3A_453, %dma_wait3A_459] : memref<24x128xi32, #tpu.memory_space<vmem>> -> memref<1x128xi32, #tpu.memory_space<vmem>>
      %dma_wait3A_461 = tpu.memref_squeeze %dma_wait3A_460 : memref<1x128xi32, #tpu.memory_space<vmem>> -> memref<128xi32, #tpu.memory_space<vmem>>
      %dma_wait3A_462 = arith.constant 0 : i32
      %dma_wait3A_463 = arith.constant 0 : i32
      %dma_wait3A_464 = tpu.memref_slice %arg2[%dma_wait3A_462, %dma_wait3A_463] : memref<10000x128xf32, #tpu.memory_space<hbm>> -> memref<10000x128xf32, #tpu.memory_space<hbm>>
      tpu.wait_indirect_dma semaphore(%arg12 : memref<!tpu.dma_semaphore, #tpu.memory_space<semaphore_mem>>) src(%dma_wait3A_464 : memref<10000x128xf32, #tpu.memory_space<hbm>>) dst(%dma_wait3A_458 : memref<128x128xf32, #tpu.memory_space<vmem>>)
      %dma_start3A_465 = arith.constant 1 : i32
      %dma_start3A_466 = arith.constant 0 : i32
      %dma_start3A_467 = arith.constant 0 : i32
      %dma_start3A_468 = tpu.memref_slice %arg9[%dma_start3A_465, %dma_start3A_466, %dma_start3A_467] : memref<2x128x128xf32, #tpu.memory_space<vmem>> -> memref<1x128x128xf32, #tpu.memory_space<vmem>>
      %dma_start3A_469 = tpu.memref_squeeze %dma_start3A_468 : memref<1x128x128xf32, #tpu.memory_space<vmem>> -> memref<128x128xf32, #tpu.memory_space<vmem>>
      %dma_start3A_470 = arith.constant 0 : i32
      %dma_start3A_471 = tpu.memref_slice %arg8[%add3A_453, %dma_start3A_470] : memref<24x128xi32, #tpu.memory_space<vmem>> -> memref<1x128xi32, #tpu.memory_space<vmem>>
      %dma_start3A_472 = tpu.memref_squeeze %dma_start3A_471 : memref<1x128xi32, #tpu.memory_space<vmem>> -> memref<128xi32, #tpu.memory_space<vmem>>
      %dma_start3A_473 = arith.constant 0 : i32
      %dma_start3A_474 = arith.constant 0 : i32
      %dma_start3A_475 = tpu.memref_slice %arg10[%dma_start3A_473, %dma_start3A_474] : memref<10112x128xf32, #tpu.memory_space<vmem_shared>> -> memref<10112x128xf32, #tpu.memory_space<vmem_shared>>
      tpu.enqueue_indirect_dma source(%dma_start3A_469 : memref<128x128xf32, #tpu.memory_space<vmem>>) target(%dma_start3A_475 : memref<10112x128xf32, #tpu.memory_space<vmem_shared>>) offsets(%dma_start3A_472 : memref<128xi32, #tpu.memory_space<vmem>>) semaphore(%arg14 : memref<!tpu.dma_semaphore, #tpu.memory_space<semaphore_mem>>) {add = true}
      %dma_wait3A_476 = arith.constant 0 : i32
      %dma_wait3A_477 = arith.constant 0 : i32
      %dma_wait3A_478 = arith.constant 0 : i32
      %dma_wait3A_479 = tpu.memref_slice %arg9[%dma_wait3A_476, %dma_wait3A_477, %dma_wait3A_478] : memref<2x128x128xf32, #tpu.memory_space<vmem>> -> memref<1x128x128xf32, #tpu.memory_space<vmem>>
      %dma_wait3A_480 = tpu.memref_squeeze %dma_wait3A_479 : memref<1x128x128xf32, #tpu.memory_space<vmem>> -> memref<128x128xf32, #tpu.memory_space<vmem>>
      %dma_wait3A_481 = arith.constant 0 : i32
      %dma_wait3A_482 = tpu.memref_slice %arg8[%add3A_453, %dma_wait3A_481] : memref<24x128xi32, #tpu.memory_space<vmem>> -> memref<1x128xi32, #tpu.memory_space<vmem>>
      %dma_wait3A_483 = tpu.memref_squeeze %dma_wait3A_482 : memref<1x128xi32, #tpu.memory_space<vmem>> -> memref<128xi32, #tpu.memory_space<vmem>>
      %dma_wait3A_484 = arith.constant 0 : i32
      %dma_wait3A_485 = arith.constant 0 : i32
      %dma_wait3A_486 = tpu.memref_slice %arg10[%dma_wait3A_484, %dma_wait3A_485] : memref<10112x128xf32, #tpu.memory_space<vmem_shared>> -> memref<10112x128xf32, #tpu.memory_space<vmem_shared>>
      tpu.wait_indirect_dma semaphore(%arg13 : memref<!tpu.dma_semaphore, #tpu.memory_space<semaphore_mem>>) src(%dma_wait3A_480 : memref<128x128xf32, #tpu.memory_space<vmem>>) dst(%dma_wait3A_486 : memref<10112x128xf32, #tpu.memory_space<vmem_shared>>)
      %add3A_487 = arith.constant 1 : i32
      %add3A_488 = arith.addi %add3A_453, %add3A_487 : i32
      %dma_start3A_489 = arith.constant 0 : i32
      %dma_start3A_490 = arith.constant 0 : i32
      %dma_start3A_491 = arith.constant 0 : i32
      %dma_start3A_492 = tpu.memref_slice %arg9[%dma_start3A_489, %dma_start3A_490, %dma_start3A_491] : memref<2x128x128xf32, #tpu.memory_space<vmem>> -> memref<1x128x128xf32, #tpu.memory_space<vmem>>
      %dma_start3A_493 = tpu.memref_squeeze %dma_start3A_492 : memref<1x128x128xf32, #tpu.memory_space<vmem>> -> memref<128x128xf32, #tpu.memory_space<vmem>>
      %dma_start3A_494 = arith.constant 0 : i32
      %dma_start3A_495 = tpu.memref_slice %arg7[%add3A_488, %dma_start3A_494] : memref<24x128xi32, #tpu.memory_space<vmem>> -> memref<1x128xi32, #tpu.memory_space<vmem>>
      %dma_start3A_496 = tpu.memref_squeeze %dma_start3A_495 : memref<1x128xi32, #tpu.memory_space<vmem>> -> memref<128xi32, #tpu.memory_space<vmem>>
      %dma_start3A_497 = arith.constant 0 : i32
      %dma_start3A_498 = arith.constant 0 : i32
      %dma_start3A_499 = tpu.memref_slice %arg2[%dma_start3A_497, %dma_start3A_498] : memref<10000x128xf32, #tpu.memory_space<hbm>> -> memref<10000x128xf32, #tpu.memory_space<hbm>>
      tpu.enqueue_indirect_dma source(%dma_start3A_499 : memref<10000x128xf32, #tpu.memory_space<hbm>>) target(%dma_start3A_493 : memref<128x128xf32, #tpu.memory_space<vmem>>) offsets(%dma_start3A_496 : memref<128xi32, #tpu.memory_space<vmem>>) semaphore(%arg11 : memref<!tpu.dma_semaphore, #tpu.memory_space<semaphore_mem>>)
      %add3A_500 = arith.constant 6 : i32
      %add3A_501 = arith.addi %mul3A_208, %add3A_500 : i32
      %dma_wait3A_502 = arith.constant 0 : i32
      %dma_wait3A_503 = arith.constant 0 : i32
      %dma_wait3A_504 = arith.constant 0 : i32
      %dma_wait3A_505 = tpu.memref_slice %arg9[%dma_wait3A_502, %dma_wait3A_503, %dma_wait3A_504] : memref<2x128x128xf32, #tpu.memory_space<vmem>> -> memref<1x128x128xf32, #tpu.memory_space<vmem>>
      %dma_wait3A_506 = tpu.memref_squeeze %dma_wait3A_505 : memref<1x128x128xf32, #tpu.memory_space<vmem>> -> memref<128x128xf32, #tpu.memory_space<vmem>>
      %dma_wait3A_507 = arith.constant 0 : i32
      %dma_wait3A_508 = tpu.memref_slice %arg7[%add3A_501, %dma_wait3A_507] : memref<24x128xi32, #tpu.memory_space<vmem>> -> memref<1x128xi32, #tpu.memory_space<vmem>>
      %dma_wait3A_509 = tpu.memref_squeeze %dma_wait3A_508 : memref<1x128xi32, #tpu.memory_space<vmem>> -> memref<128xi32, #tpu.memory_space<vmem>>
      %dma_wait3A_510 = arith.constant 0 : i32
      %dma_wait3A_511 = arith.constant 0 : i32
      %dma_wait3A_512 = tpu.memref_slice %arg2[%dma_wait3A_510, %dma_wait3A_511] : memref<10000x128xf32, #tpu.memory_space<hbm>> -> memref<10000x128xf32, #tpu.memory_space<hbm>>
      tpu.wait_indirect_dma semaphore(%arg11 : memref<!tpu.dma_semaphore, #tpu.memory_space<semaphore_mem>>) src(%dma_wait3A_512 : memref<10000x128xf32, #tpu.memory_space<hbm>>) dst(%dma_wait3A_506 : memref<128x128xf32, #tpu.memory_space<vmem>>)
      %dma_start3A_513 = arith.constant 0 : i32
      %dma_start3A_514 = arith.constant 0 : i32
      %dma_start3A_515 = arith.constant 0 : i32
      %dma_start3A_516 = tpu.memref_slice %arg9[%dma_start3A_513, %dma_start3A_514, %dma_start3A_515] : memref<2x128x128xf32, #tpu.memory_space<vmem>> -> memref<1x128x128xf32, #tpu.memory_space<vmem>>
      %dma_start3A_517 = tpu.memref_squeeze %dma_start3A_516 : memref<1x128x128xf32, #tpu.memory_space<vmem>> -> memref<128x128xf32, #tpu.memory_space<vmem>>
      %dma_start3A_518 = arith.constant 0 : i32
      %dma_start3A_519 = tpu.memref_slice %arg8[%add3A_501, %dma_start3A_518] : memref<24x128xi32, #tpu.memory_space<vmem>> -> memref<1x128xi32, #tpu.memory_space<vmem>>
      %dma_start3A_520 = tpu.memref_squeeze %dma_start3A_519 : memref<1x128xi32, #tpu.memory_space<vmem>> -> memref<128xi32, #tpu.memory_space<vmem>>
      %dma_start3A_521 = arith.constant 0 : i32
      %dma_start3A_522 = arith.constant 0 : i32
      %dma_start3A_523 = tpu.memref_slice %arg10[%dma_start3A_521, %dma_start3A_522] : memref<10112x128xf32, #tpu.memory_space<vmem_shared>> -> memref<10112x128xf32, #tpu.memory_space<vmem_shared>>
      tpu.enqueue_indirect_dma source(%dma_start3A_517 : memref<128x128xf32, #tpu.memory_space<vmem>>) target(%dma_start3A_523 : memref<10112x128xf32, #tpu.memory_space<vmem_shared>>) offsets(%dma_start3A_520 : memref<128xi32, #tpu.memory_space<vmem>>) semaphore(%arg13 : memref<!tpu.dma_semaphore, #tpu.memory_space<semaphore_mem>>) {add = true}
      %dma_wait3A_524 = arith.constant 1 : i32
      %dma_wait3A_525 = arith.constant 0 : i32
      %dma_wait3A_526 = arith.constant 0 : i32
      %dma_wait3A_527 = tpu.memref_slice %arg9[%dma_wait3A_524, %dma_wait3A_525, %dma_wait3A_526] : memref<2x128x128xf32, #tpu.memory_space<vmem>> -> memref<1x128x128xf32, #tpu.memory_space<vmem>>
      %dma_wait3A_528 = tpu.memref_squeeze %dma_wait3A_527 : memref<1x128x128xf32, #tpu.memory_space<vmem>> -> memref<128x128xf32, #tpu.memory_space<vmem>>
      %dma_wait3A_529 = arith.constant 0 : i32
      %dma_wait3A_530 = tpu.memref_slice %arg8[%add3A_501, %dma_wait3A_529] : memref<24x128xi32, #tpu.memory_space<vmem>> -> memref<1x128xi32, #tpu.memory_space<vmem>>
      %dma_wait3A_531 = tpu.memref_squeeze %dma_wait3A_530 : memref<1x128xi32, #tpu.memory_space<vmem>> -> memref<128xi32, #tpu.memory_space<vmem>>
      %dma_wait3A_532 = arith.constant 0 : i32
      %dma_wait3A_533 = arith.constant 0 : i32
      %dma_wait3A_534 = tpu.memref_slice %arg10[%dma_wait3A_532, %dma_wait3A_533] : memref<10112x128xf32, #tpu.memory_space<vmem_shared>> -> memref<10112x128xf32, #tpu.memory_space<vmem_shared>>
      tpu.wait_indirect_dma semaphore(%arg14 : memref<!tpu.dma_semaphore, #tpu.memory_space<semaphore_mem>>) src(%dma_wait3A_528 : memref<128x128xf32, #tpu.memory_space<vmem>>) dst(%dma_wait3A_534 : memref<10112x128xf32, #tpu.memory_space<vmem_shared>>)
      %add3A_535 = arith.constant 1 : i32
      %add3A_536 = arith.addi %add3A_501, %add3A_535 : i32
      %dma_start3A_537 = arith.constant 1 : i32
      %dma_start3A_538 = arith.constant 0 : i32
      %dma_start3A_539 = arith.constant 0 : i32
      %dma_start3A_540 = tpu.memref_slice %arg9[%dma_start3A_537, %dma_start3A_538, %dma_start3A_539] : memref<2x128x128xf32, #tpu.memory_space<vmem>> -> memref<1x128x128xf32, #tpu.memory_space<vmem>>
      %dma_start3A_541 = tpu.memref_squeeze %dma_start3A_540 : memref<1x128x128xf32, #tpu.memory_space<vmem>> -> memref<128x128xf32, #tpu.memory_space<vmem>>
      %dma_start3A_542 = arith.constant 0 : i32
      %dma_start3A_543 = tpu.memref_slice %arg7[%add3A_536, %dma_start3A_542] : memref<24x128xi32, #tpu.memory_space<vmem>> -> memref<1x128xi32, #tpu.memory_space<vmem>>
      %dma_start3A_544 = tpu.memref_squeeze %dma_start3A_543 : memref<1x128xi32, #tpu.memory_space<vmem>> -> memref<128xi32, #tpu.memory_space<vmem>>
      %dma_start3A_545 = arith.constant 0 : i32
      %dma_start3A_546 = arith.constant 0 : i32
      %dma_start3A_547 = tpu.memref_slice %arg2[%dma_start3A_545, %dma_start3A_546] : memref<10000x128xf32, #tpu.memory_space<hbm>> -> memref<10000x128xf32, #tpu.memory_space<hbm>>
      tpu.enqueue_indirect_dma source(%dma_start3A_547 : memref<10000x128xf32, #tpu.memory_space<hbm>>) target(%dma_start3A_541 : memref<128x128xf32, #tpu.memory_space<vmem>>) offsets(%dma_start3A_544 : memref<128xi32, #tpu.memory_space<vmem>>) semaphore(%arg12 : memref<!tpu.dma_semaphore, #tpu.memory_space<semaphore_mem>>)
      %add3A_548 = arith.constant 7 : i32
      %add3A_549 = arith.addi %mul3A_208, %add3A_548 : i32
      %dma_wait3A_550 = arith.constant 1 : i32
      %dma_wait3A_551 = arith.constant 0 : i32
      %dma_wait3A_552 = arith.constant 0 : i32
      %dma_wait3A_553 = tpu.memref_slice %arg9[%dma_wait3A_550, %dma_wait3A_551, %dma_wait3A_552] : memref<2x128x128xf32, #tpu.memory_space<vmem>> -> memref<1x128x128xf32, #tpu.memory_space<vmem>>
      %dma_wait3A_554 = tpu.memref_squeeze %dma_wait3A_553 : memref<1x128x128xf32, #tpu.memory_space<vmem>> -> memref<128x128xf32, #tpu.memory_space<vmem>>
      %dma_wait3A_555 = arith.constant 0 : i32
      %dma_wait3A_556 = tpu.memref_slice %arg7[%add3A_549, %dma_wait3A_555] : memref<24x128xi32, #tpu.memory_space<vmem>> -> memref<1x128xi32, #tpu.memory_space<vmem>>
      %dma_wait3A_557 = tpu.memref_squeeze %dma_wait3A_556 : memref<1x128xi32, #tpu.memory_space<vmem>> -> memref<128xi32, #tpu.memory_space<vmem>>
      %dma_wait3A_558 = arith.constant 0 : i32
      %dma_wait3A_559 = arith.constant 0 : i32
      %dma_wait3A_560 = tpu.memref_slice %arg2[%dma_wait3A_558, %dma_wait3A_559] : memref<10000x128xf32, #tpu.memory_space<hbm>> -> memref<10000x128xf32, #tpu.memory_space<hbm>>
      tpu.wait_indirect_dma semaphore(%arg12 : memref<!tpu.dma_semaphore, #tpu.memory_space<semaphore_mem>>) src(%dma_wait3A_560 : memref<10000x128xf32, #tpu.memory_space<hbm>>) dst(%dma_wait3A_554 : memref<128x128xf32, #tpu.memory_space<vmem>>)
      %dma_start3A_561 = arith.constant 1 : i32
      %dma_start3A_562 = arith.constant 0 : i32
      %dma_start3A_563 = arith.constant 0 : i32
      %dma_start3A_564 = tpu.memref_slice %arg9[%dma_start3A_561, %dma_start3A_562, %dma_start3A_563] : memref<2x128x128xf32, #tpu.memory_space<vmem>> -> memref<1x128x128xf32, #tpu.memory_space<vmem>>
      %dma_start3A_565 = tpu.memref_squeeze %dma_start3A_564 : memref<1x128x128xf32, #tpu.memory_space<vmem>> -> memref<128x128xf32, #tpu.memory_space<vmem>>
      %dma_start3A_566 = arith.constant 0 : i32
      %dma_start3A_567 = tpu.memref_slice %arg8[%add3A_549, %dma_start3A_566] : memref<24x128xi32, #tpu.memory_space<vmem>> -> memref<1x128xi32, #tpu.memory_space<vmem>>
      %dma_start3A_568 = tpu.memref_squeeze %dma_start3A_567 : memref<1x128xi32, #tpu.memory_space<vmem>> -> memref<128xi32, #tpu.memory_space<vmem>>
      %dma_start3A_569 = arith.constant 0 : i32
      %dma_start3A_570 = arith.constant 0 : i32
      %dma_start3A_571 = tpu.memref_slice %arg10[%dma_start3A_569, %dma_start3A_570] : memref<10112x128xf32, #tpu.memory_space<vmem_shared>> -> memref<10112x128xf32, #tpu.memory_space<vmem_shared>>
      tpu.enqueue_indirect_dma source(%dma_start3A_565 : memref<128x128xf32, #tpu.memory_space<vmem>>) target(%dma_start3A_571 : memref<10112x128xf32, #tpu.memory_space<vmem_shared>>) offsets(%dma_start3A_568 : memref<128xi32, #tpu.memory_space<vmem>>) semaphore(%arg14 : memref<!tpu.dma_semaphore, #tpu.memory_space<semaphore_mem>>) {add = true}
      %dma_wait3A_572 = arith.constant 0 : i32
      %dma_wait3A_573 = arith.constant 0 : i32
      %dma_wait3A_574 = arith.constant 0 : i32
      %dma_wait3A_575 = tpu.memref_slice %arg9[%dma_wait3A_572, %dma_wait3A_573, %dma_wait3A_574] : memref<2x128x128xf32, #tpu.memory_space<vmem>> -> memref<1x128x128xf32, #tpu.memory_space<vmem>>
      %dma_wait3A_576 = tpu.memref_squeeze %dma_wait3A_575 : memref<1x128x128xf32, #tpu.memory_space<vmem>> -> memref<128x128xf32, #tpu.memory_space<vmem>>
      %dma_wait3A_577 = arith.constant 0 : i32
      %dma_wait3A_578 = tpu.memref_slice %arg8[%add3A_549, %dma_wait3A_577] : memref<24x128xi32, #tpu.memory_space<vmem>> -> memref<1x128xi32, #tpu.memory_space<vmem>>
      %dma_wait3A_579 = tpu.memref_squeeze %dma_wait3A_578 : memref<1x128xi32, #tpu.memory_space<vmem>> -> memref<128xi32, #tpu.memory_space<vmem>>
      %dma_wait3A_580 = arith.constant 0 : i32
      %dma_wait3A_581 = arith.constant 0 : i32
      %dma_wait3A_582 = tpu.memref_slice %arg10[%dma_wait3A_580, %dma_wait3A_581] : memref<10112x128xf32, #tpu.memory_space<vmem_shared>> -> memref<10112x128xf32, #tpu.memory_space<vmem_shared>>
      tpu.wait_indirect_dma semaphore(%arg13 : memref<!tpu.dma_semaphore, #tpu.memory_space<semaphore_mem>>) src(%dma_wait3A_576 : memref<128x128xf32, #tpu.memory_space<vmem>>) dst(%dma_wait3A_582 : memref<10112x128xf32, #tpu.memory_space<vmem_shared>>)
      %add3A_583 = arith.constant 1 : i32
      %add3A_584 = arith.addi %scan3A_205, %add3A_583 : i32
      %lt3A_585 = arith.constant 20 : i32
      %lt3A_586 = arith.cmpi slt, %add3A_584, %lt3A_585 : i32
      %convert_element_type3A_587 = arith.extui %lt3A_586 : i1 to i32
      %cond3A_588 = arith.constant 0 : i32
      %cond3A_589 = arith.cmpi ne, %convert_element_type3A_587, %cond3A_588 : i32
      scf.if %cond3A_589 {
        %add3A_590 = arith.constant 1 : i32
        %add3A_591 = arith.addi %scan3A_205, %add3A_590 : i32
        %add3A_592 = arith.constant 1 : i32
        %add3A_593 = arith.addi %scan3A_205, %add3A_592 : i32
        %rem3A_594 = arith.constant 3 : i32
        %rem3A_595 = arith.remsi %add3A_593, %rem3A_594 : i32
        %mul3A_596 = arith.constant 8 : i32
        %mul3A_597 = arith.muli %add3A_591, %mul3A_596 : i32
        %mul3A_598 = arith.constant 8 : i32
        %mul3A_599 = arith.muli %rem3A_595, %mul3A_598 : i32
        %dma_wait3A_600 = arith.constant 0 : i32
        %dma_wait3A_601 = arith.constant 0 : i32
        %dma_wait3A_602 = tpu.memref_slice %arg7[%mul3A_599, %dma_wait3A_601] : memref<24x128xi32, #tpu.memory_space<vmem>> -> memref<8x128xi32, #tpu.memory_space<vmem>>
        %dma_wait3A_603 = arith.constant 0 : i32
        %dma_wait3A_604 = tpu.memref_slice %arg4[%dma_wait3A_600, %arg0, %arg1, %mul3A_597, %dma_wait3A_603] : memref<2x2x16x160x128xi32, #tpu.memory_space<hbm>> -> memref<1x1x1x8x128xi32, #tpu.memory_space<hbm>>
        %dma_wait3A_605 = tpu.memref_squeeze %dma_wait3A_604 : memref<1x1x1x8x128xi32, #tpu.memory_space<hbm>> -> memref<8x128xi32, #tpu.memory_space<hbm>>
        %dma_wait3A_606 = arith.constant 0 : i32
        %dma_wait3A_607 = tpu.memref_slice %arg7[%mul3A_599, %dma_wait3A_606] : memref<24x128xi32, #tpu.memory_space<vmem>> -> memref<8x128xi32, #tpu.memory_space<vmem>>
        %dma_wait3A_608 = arith.constant 0 : i32
        %dma_wait3A_609 = tpu.memref_slice %arg4[%dma_wait3A_600, %arg0, %arg1, %mul3A_597, %dma_wait3A_608] : memref<2x2x16x160x128xi32, #tpu.memory_space<hbm>> -> memref<1x1x1x8x128xi32, #tpu.memory_space<hbm>>
        %dma_wait3A_610 = tpu.memref_squeeze %dma_wait3A_609 : memref<1x1x1x8x128xi32, #tpu.memory_space<hbm>> -> memref<8x128xi32, #tpu.memory_space<hbm>>
        tpu.wait_dma2 semaphore(%arg15 : memref<!tpu.dma_semaphore, #tpu.memory_space<semaphore_mem>>) src(%dma_wait3A_610 : memref<8x128xi32, #tpu.memory_space<hbm>>) dst(%dma_wait3A_607 : memref<8x128xi32, #tpu.memory_space<vmem>>)
        %mul3A_611 = arith.constant 8 : i32
        %mul3A_612 = arith.muli %add3A_591, %mul3A_611 : i32
        %mul3A_613 = arith.constant 8 : i32
        %mul3A_614 = arith.muli %rem3A_595, %mul3A_613 : i32
        %dma_wait3A_615 = arith.constant 0 : i32
        %dma_wait3A_616 = arith.constant 0 : i32
        %dma_wait3A_617 = tpu.memref_slice %arg8[%mul3A_614, %dma_wait3A_616] : memref<24x128xi32, #tpu.memory_space<vmem>> -> memref<8x128xi32, #tpu.memory_space<vmem>>
        %dma_wait3A_618 = arith.constant 0 : i32
        %dma_wait3A_619 = tpu.memref_slice %arg5[%dma_wait3A_615, %arg0, %arg1, %mul3A_612, %dma_wait3A_618] : memref<2x2x16x160x128xi32, #tpu.memory_space<hbm>> -> memref<1x1x1x8x128xi32, #tpu.memory_space<hbm>>
        %dma_wait3A_620 = tpu.memref_squeeze %dma_wait3A_619 : memref<1x1x1x8x128xi32, #tpu.memory_space<hbm>> -> memref<8x128xi32, #tpu.memory_space<hbm>>
        %dma_wait3A_621 = arith.constant 0 : i32
        %dma_wait3A_622 = tpu.memref_slice %arg8[%mul3A_614, %dma_wait3A_621] : memref<24x128xi32, #tpu.memory_space<vmem>> -> memref<8x128xi32, #tpu.memory_space<vmem>>
        %dma_wait3A_623 = arith.constant 0 : i32
        %dma_wait3A_624 = tpu.memref_slice %arg5[%dma_wait3A_615, %arg0, %arg1, %mul3A_612, %dma_wait3A_623] : memref<2x2x16x160x128xi32, #tpu.memory_space<hbm>> -> memref<1x1x1x8x128xi32, #tpu.memory_space<hbm>>
        %dma_wait3A_625 = tpu.memref_squeeze %dma_wait3A_624 : memref<1x1x1x8x128xi32, #tpu.memory_space<hbm>> -> memref<8x128xi32, #tpu.memory_space<hbm>>
        tpu.wait_dma2 semaphore(%arg15 : memref<!tpu.dma_semaphore, #tpu.memory_space<semaphore_mem>>) src(%dma_wait3A_625 : memref<8x128xi32, #tpu.memory_space<hbm>>) dst(%dma_wait3A_622 : memref<8x128xi32, #tpu.memory_space<vmem>>)
        %dma_start3A_626 = arith.constant 0 : i32
        %dma_start3A_627 = arith.constant 0 : i32
        %dma_start3A_628 = arith.constant 0 : i32
        %dma_start3A_629 = tpu.memref_slice %arg9[%dma_start3A_626, %dma_start3A_627, %dma_start3A_628] : memref<2x128x128xf32, #tpu.memory_space<vmem>> -> memref<1x128x128xf32, #tpu.memory_space<vmem>>
        %dma_start3A_630 = tpu.memref_squeeze %dma_start3A_629 : memref<1x128x128xf32, #tpu.memory_space<vmem>> -> memref<128x128xf32, #tpu.memory_space<vmem>>
        %dma_start3A_631 = arith.constant 0 : i32
        %dma_start3A_632 = tpu.memref_slice %arg7[%mul3A_214, %dma_start3A_631] : memref<24x128xi32, #tpu.memory_space<vmem>> -> memref<1x128xi32, #tpu.memory_space<vmem>>
        %dma_start3A_633 = tpu.memref_squeeze %dma_start3A_632 : memref<1x128xi32, #tpu.memory_space<vmem>> -> memref<128xi32, #tpu.memory_space<vmem>>
        %dma_start3A_634 = arith.constant 0 : i32
        %dma_start3A_635 = arith.constant 0 : i32
        %dma_start3A_636 = tpu.memref_slice %arg2[%dma_start3A_634, %dma_start3A_635] : memref<10000x128xf32, #tpu.memory_space<hbm>> -> memref<10000x128xf32, #tpu.memory_space<hbm>>
        tpu.enqueue_indirect_dma source(%dma_start3A_636 : memref<10000x128xf32, #tpu.memory_space<hbm>>) target(%dma_start3A_630 : memref<128x128xf32, #tpu.memory_space<vmem>>) offsets(%dma_start3A_633 : memref<128xi32, #tpu.memory_space<vmem>>) semaphore(%arg11 : memref<!tpu.dma_semaphore, #tpu.memory_space<semaphore_mem>>)
        %add3A_637 = arith.constant 2 : i32
        %add3A_638 = arith.addi %scan3A_205, %add3A_637 : i32
        %lt3A_639 = arith.constant 20 : i32
        %lt3A_640 = arith.cmpi slt, %add3A_638, %lt3A_639 : i32
        %convert_element_type3A_641 = arith.extui %lt3A_640 : i1 to i32
        %cond3A_642 = arith.constant 0 : i32
        %cond3A_643 = arith.cmpi ne, %convert_element_type3A_641, %cond3A_642 : i32
        scf.if %cond3A_643 {
          %add3A_644 = arith.constant 2 : i32
          %add3A_645 = arith.addi %scan3A_205, %add3A_644 : i32
          %mul3A_646 = arith.constant 8 : i32
          %mul3A_647 = arith.muli %add3A_645, %mul3A_646 : i32
          %mul3A_648 = arith.constant 8 : i32
          %mul3A_649 = arith.muli %rem3A_218, %mul3A_648 : i32
          %dma_start3A_650 = arith.constant 0 : i32
          %dma_start3A_651 = arith.constant 0 : i32
          %dma_start3A_652 = tpu.memref_slice %arg7[%mul3A_649, %dma_start3A_651] : memref<24x128xi32, #tpu.memory_space<vmem>> -> memref<8x128xi32, #tpu.memory_space<vmem>>
          %dma_start3A_653 = arith.constant 0 : i32
          %dma_start3A_654 = tpu.memref_slice %arg4[%dma_start3A_650, %arg0, %arg1, %mul3A_647, %dma_start3A_653] : memref<2x2x16x160x128xi32, #tpu.memory_space<hbm>> -> memref<1x1x1x8x128xi32, #tpu.memory_space<hbm>>
          %dma_start3A_655 = tpu.memref_squeeze %dma_start3A_654 : memref<1x1x1x8x128xi32, #tpu.memory_space<hbm>> -> memref<8x128xi32, #tpu.memory_space<hbm>>
          %dma_start3A_656 = arith.constant 0 : i32
          %dma_start3A_657 = tpu.memref_slice %arg7[%mul3A_649, %dma_start3A_656] : memref<24x128xi32, #tpu.memory_space<vmem>> -> memref<8x128xi32, #tpu.memory_space<vmem>>
          %dma_start3A_658 = arith.constant 0 : i32
          %dma_start3A_659 = tpu.memref_slice %arg4[%dma_start3A_650, %arg0, %arg1, %mul3A_647, %dma_start3A_658] : memref<2x2x16x160x128xi32, #tpu.memory_space<hbm>> -> memref<1x1x1x8x128xi32, #tpu.memory_space<hbm>>
          %dma_start3A_660 = tpu.memref_squeeze %dma_start3A_659 : memref<1x1x1x8x128xi32, #tpu.memory_space<hbm>> -> memref<8x128xi32, #tpu.memory_space<hbm>>
          tpu.enqueue_dma source(%dma_start3A_660 : memref<8x128xi32, #tpu.memory_space<hbm>>) target(%dma_start3A_657 : memref<8x128xi32, #tpu.memory_space<vmem>>) target_semaphore(%arg15 : memref<!tpu.dma_semaphore, #tpu.memory_space<semaphore_mem>>)
          %mul3A_661 = arith.constant 8 : i32
          %mul3A_662 = arith.muli %add3A_645, %mul3A_661 : i32
          %mul3A_663 = arith.constant 8 : i32
          %mul3A_664 = arith.muli %rem3A_218, %mul3A_663 : i32
          %dma_start3A_665 = arith.constant 0 : i32
          %dma_start3A_666 = arith.constant 0 : i32
          %dma_start3A_667 = tpu.memref_slice %arg8[%mul3A_664, %dma_start3A_666] : memref<24x128xi32, #tpu.memory_space<vmem>> -> memref<8x128xi32, #tpu.memory_space<vmem>>
          %dma_start3A_668 = arith.constant 0 : i32
          %dma_start3A_669 = tpu.memref_slice %arg5[%dma_start3A_665, %arg0, %arg1, %mul3A_662, %dma_start3A_668] : memref<2x2x16x160x128xi32, #tpu.memory_space<hbm>> -> memref<1x1x1x8x128xi32, #tpu.memory_space<hbm>>
          %dma_start3A_670 = tpu.memref_squeeze %dma_start3A_669 : memref<1x1x1x8x128xi32, #tpu.memory_space<hbm>> -> memref<8x128xi32, #tpu.memory_space<hbm>>
          %dma_start3A_671 = arith.constant 0 : i32
          %dma_start3A_672 = tpu.memref_slice %arg8[%mul3A_664, %dma_start3A_671] : memref<24x128xi32, #tpu.memory_space<vmem>> -> memref<8x128xi32, #tpu.memory_space<vmem>>
          %dma_start3A_673 = arith.constant 0 : i32
          %dma_start3A_674 = tpu.memref_slice %arg5[%dma_start3A_665, %arg0, %arg1, %mul3A_662, %dma_start3A_673] : memref<2x2x16x160x128xi32, #tpu.memory_space<hbm>> -> memref<1x1x1x8x128xi32, #tpu.memory_space<hbm>>
          %dma_start3A_675 = tpu.memref_squeeze %dma_start3A_674 : memref<1x1x1x8x128xi32, #tpu.memory_space<hbm>> -> memref<8x128xi32, #tpu.memory_space<hbm>>
          tpu.enqueue_dma source(%dma_start3A_675 : memref<8x128xi32, #tpu.memory_space<hbm>>) target(%dma_start3A_672 : memref<8x128xi32, #tpu.memory_space<vmem>>) target_semaphore(%arg15 : memref<!tpu.dma_semaphore, #tpu.memory_space<semaphore_mem>>)
        } else {
        }
      } else {
      }
    }
    %scan3A_74 = arith.constant 20 : i32
    %dma_wait3A = arith.constant 1 : i32
    %dma_wait3A_75 = arith.constant 0 : i32
    %dma_wait3A_76 = arith.constant 0 : i32
    %dma_wait3A_77 = arith.constant 0 : i32
    %dma_wait3A_78 = tpu.memref_slice %arg9[%dma_wait3A, %dma_wait3A_76, %dma_wait3A_77] : memref<2x128x128xf32, #tpu.memory_space<vmem>> -> memref<1x128x128xf32, #tpu.memory_space<vmem>>
    %dma_wait3A_79 = tpu.memref_squeeze %dma_wait3A_78 : memref<1x128x128xf32, #tpu.memory_space<vmem>> -> memref<128x128xf32, #tpu.memory_space<vmem>>
    %dma_wait3A_80 = arith.constant 0 : i32
    %dma_wait3A_81 = tpu.memref_slice %arg8[%dma_wait3A_75, %dma_wait3A_80] : memref<24x128xi32, #tpu.memory_space<vmem>> -> memref<1x128xi32, #tpu.memory_space<vmem>>
    %dma_wait3A_82 = tpu.memref_squeeze %dma_wait3A_81 : memref<1x128xi32, #tpu.memory_space<vmem>> -> memref<128xi32, #tpu.memory_space<vmem>>
    %dma_wait3A_83 = arith.constant 0 : i32
    %dma_wait3A_84 = arith.constant 0 : i32
    %dma_wait3A_85 = tpu.memref_slice %arg10[%dma_wait3A_83, %dma_wait3A_84] : memref<10112x128xf32, #tpu.memory_space<vmem_shared>> -> memref<10112x128xf32, #tpu.memory_space<vmem_shared>>
    tpu.wait_indirect_dma semaphore(%arg14 : memref<!tpu.dma_semaphore, #tpu.memory_space<semaphore_mem>>) src(%dma_wait3A_79 : memref<128x128xf32, #tpu.memory_space<vmem>>) dst(%dma_wait3A_85 : memref<10112x128xf32, #tpu.memory_space<vmem_shared>>)
    %barrier3A_86 = arith.constant 0 : index
    tpu.barrier barrier_id(%barrier3A_86)
    %mul3A_87 = arith.constant 624 : i32
    %mul3A_88 = arith.muli %arg1, %mul3A_87 : i32
    %mul3A_89 = arith.constant 624 : i32
    %mul3A_90 = arith.muli %arg1, %mul3A_89 : i32
    %run_scoped3A_91 = arith.constant 0 : i32
    "tpu.region"() ({
      %run_scoped3A_205 = tpu.sem_alloc : memref<!tpu.dma_semaphore, #tpu.memory_space<semaphore_mem>>
      %dma_start3A_206 = arith.constant 0 : i32
      %dma_start3A_207 = tpu.memref_slice %arg6[%run_scoped3A_91, %arg0, %mul3A_90, %dma_start3A_206] : memref<2x2x10000x128xf32, #tpu.memory_space<hbm>> -> memref<1x1x624x128xf32, #tpu.memory_space<hbm>>
      %dma_start3A_208 = tpu.memref_squeeze %dma_start3A_207 : memref<1x1x624x128xf32, #tpu.memory_space<hbm>> -> memref<624x128xf32, #tpu.memory_space<hbm>>
      %dma_start3A_209 = arith.constant 0 : i32
      %dma_start3A_210 = tpu.memref_slice %arg10[%mul3A_88, %dma_start3A_209] : memref<10112x128xf32, #tpu.memory_space<vmem_shared>> -> memref<624x128xf32, #tpu.memory_space<vmem_shared>>
      tpu.enqueue_dma source(%dma_start3A_210 : memref<624x128xf32, #tpu.memory_space<vmem_shared>>) target(%dma_start3A_208 : memref<624x128xf32, #tpu.memory_space<hbm>>) target_semaphore(%run_scoped3A_205 : memref<!tpu.dma_semaphore, #tpu.memory_space<semaphore_mem>>)
      %dma_wait3A_211 = arith.constant 0 : i32
      %dma_wait3A_212 = tpu.memref_slice %arg6[%run_scoped3A_91, %arg0, %mul3A_90, %dma_wait3A_211] : memref<2x2x10000x128xf32, #tpu.memory_space<hbm>> -> memref<1x1x624x128xf32, #tpu.memory_space<hbm>>
      %dma_wait3A_213 = tpu.memref_squeeze %dma_wait3A_212 : memref<1x1x624x128xf32, #tpu.memory_space<hbm>> -> memref<624x128xf32, #tpu.memory_space<hbm>>
      %dma_wait3A_214 = arith.constant 0 : i32
      %dma_wait3A_215 = tpu.memref_slice %arg10[%mul3A_88, %dma_wait3A_214] : memref<10112x128xf32, #tpu.memory_space<vmem_shared>> -> memref<624x128xf32, #tpu.memory_space<vmem_shared>>
      tpu.wait_dma2 semaphore(%run_scoped3A_205 : memref<!tpu.dma_semaphore, #tpu.memory_space<semaphore_mem>>) src(%dma_wait3A_215 : memref<624x128xf32, #tpu.memory_space<vmem_shared>>) dst(%dma_wait3A_213 : memref<624x128xf32, #tpu.memory_space<hbm>>)
      tpu.yield
    }) : () -> ()
    %eq3A = arith.constant 15 : i32
    %eq3A_92 = arith.cmpi eq, %arg1, %eq3A : i32
    %convert_element_type3A_93 = arith.extui %eq3A_92 : i1 to i32
    %cond3A_94 = arith.constant 0 : i32
    %cond3A_95 = arith.cmpi ne, %convert_element_type3A_93, %cond3A_94 : i32
    scf.if %cond3A_95 {
      %run_scoped3A_205 = arith.constant 0 : i32
      "tpu.region"() ({
        %run_scoped3A_206 = tpu.sem_alloc : memref<!tpu.dma_semaphore, #tpu.memory_space<semaphore_mem>>
        %dma_start3A_207 = arith.constant 9984 : i32
        %dma_start3A_208 = arith.constant 0 : i32
        %dma_start3A_209 = tpu.memref_slice %arg6[%run_scoped3A_205, %arg0, %dma_start3A_207, %dma_start3A_208] : memref<2x2x10000x128xf32, #tpu.memory_space<hbm>> -> memref<1x1x16x128xf32, #tpu.memory_space<hbm>>
        %dma_start3A_210 = tpu.memref_squeeze %dma_start3A_209 : memref<1x1x16x128xf32, #tpu.memory_space<hbm>> -> memref<16x128xf32, #tpu.memory_space<hbm>>
        %dma_start3A_211 = arith.constant 9984 : i32
        %dma_start3A_212 = arith.constant 0 : i32
        %dma_start3A_213 = tpu.memref_slice %arg10[%dma_start3A_211, %dma_start3A_212] : memref<10112x128xf32, #tpu.memory_space<vmem_shared>> -> memref<16x128xf32, #tpu.memory_space<vmem_shared>>
        tpu.enqueue_dma source(%dma_start3A_213 : memref<16x128xf32, #tpu.memory_space<vmem_shared>>) target(%dma_start3A_210 : memref<16x128xf32, #tpu.memory_space<hbm>>) target_semaphore(%run_scoped3A_206 : memref<!tpu.dma_semaphore, #tpu.memory_space<semaphore_mem>>)
        %dma_wait3A_214 = arith.constant 9984 : i32
        %dma_wait3A_215 = arith.constant 0 : i32
        %dma_wait3A_216 = tpu.memref_slice %arg6[%run_scoped3A_205, %arg0, %dma_wait3A_214, %dma_wait3A_215] : memref<2x2x10000x128xf32, #tpu.memory_space<hbm>> -> memref<1x1x16x128xf32, #tpu.memory_space<hbm>>
        %dma_wait3A_217 = tpu.memref_squeeze %dma_wait3A_216 : memref<1x1x16x128xf32, #tpu.memory_space<hbm>> -> memref<16x128xf32, #tpu.memory_space<hbm>>
        %dma_wait3A_218 = arith.constant 9984 : i32
        %dma_wait3A_219 = arith.constant 0 : i32
        %dma_wait3A_220 = tpu.memref_slice %arg10[%dma_wait3A_218, %dma_wait3A_219] : memref<10112x128xf32, #tpu.memory_space<vmem_shared>> -> memref<16x128xf32, #tpu.memory_space<vmem_shared>>
        tpu.wait_dma2 semaphore(%run_scoped3A_206 : memref<!tpu.dma_semaphore, #tpu.memory_space<semaphore_mem>>) src(%dma_wait3A_220 : memref<16x128xf32, #tpu.memory_space<vmem_shared>>) dst(%dma_wait3A_217 : memref<16x128xf32, #tpu.memory_space<hbm>>)
        tpu.yield
      }) : () -> ()
    } else {
    }
    %barrier3A_96 = arith.constant 0 : index
    tpu.barrier barrier_id(%barrier3A_96)
    %scan3A_97 = arith.constant 0 : i32
    %scan3A_98 = arith.constant 0 : i32
    %scan3A_99 = arith.constant 128 : i32
    %scan3A_100 = arith.addi %scan3A_98, %scan3A_99 : i32
    %scan3A_101 = arith.constant 1 : i32
    scf.for %scan3A_205 = %scan3A_98 to %scan3A_100 step %scan3A_101  : i32 {
      %broadcast_in_dim3A = arith.constant 0.000000e+00 : f32
      %broadcast_in_dim3A_206 = vector.broadcast %broadcast_in_dim3A : f32 to vector<16xf32>
      %swap3A = arith.constant 0 : i32
      %swap3A_207 = arith.index_cast %swap3A : i32 to index
      %swap3A_208 = arith.index_cast %scan3A_205 : i32 to index
      %swap3A_209 = arith.constant 0 : index
      %swap3A_210 = tpu.vector_load %arg9[%swap3A_207, %swap3A_208, %swap3A_209] {strides = array<i32>} : memref<2x128x128xf32, #tpu.memory_space<vmem>>, vector<1x1x16xf32>,
      %swap3A_211 = vector.shape_cast %swap3A_210 : vector<1x1x16xf32> to vector<16xf32>
      %swap3A_212 = vector.shape_cast %broadcast_in_dim3A_206 : vector<16xf32> to vector<1x1x16xf32>
      tpu.vector_store %arg9[%swap3A_207, %swap3A_208, %swap3A_209], %swap3A_212 {strides = array<i32>} : memref<2x128x128xf32, #tpu.memory_space<vmem>>, vector<1x1x16xf32>,
      %broadcast_in_dim3A_213 = arith.constant 0.000000e+00 : f32
      %broadcast_in_dim3A_214 = vector.broadcast %broadcast_in_dim3A_213 : f32 to vector<16xf32>
      %swap3A_215 = arith.constant 0 : i32
      %swap3A_216 = arith.index_cast %swap3A_215 : i32 to index
      %swap3A_217 = arith.index_cast %scan3A_205 : i32 to index
      %swap3A_218 = arith.constant 16 : index
      %swap3A_219 = tpu.vector_load %arg9[%swap3A_216, %swap3A_217, %swap3A_218] {strides = array<i32>} : memref<2x128x128xf32, #tpu.memory_space<vmem>>, vector<1x1x16xf32>,
      %swap3A_220 = vector.shape_cast %swap3A_219 : vector<1x1x16xf32> to vector<16xf32>
      %swap3A_221 = vector.shape_cast %broadcast_in_dim3A_214 : vector<16xf32> to vector<1x1x16xf32>
      tpu.vector_store %arg9[%swap3A_216, %swap3A_217, %swap3A_218], %swap3A_221 {strides = array<i32>} : memref<2x128x128xf32, #tpu.memory_space<vmem>>, vector<1x1x16xf32>,
      %broadcast_in_dim3A_222 = arith.constant 0.000000e+00 : f32
      %broadcast_in_dim3A_223 = vector.broadcast %broadcast_in_dim3A_222 : f32 to vector<16xf32>
      %swap3A_224 = arith.constant 0 : i32
      %swap3A_225 = arith.index_cast %swap3A_224 : i32 to index
      %swap3A_226 = arith.index_cast %scan3A_205 : i32 to index
      %swap3A_227 = arith.constant 32 : index
      %swap3A_228 = tpu.vector_load %arg9[%swap3A_225, %swap3A_226, %swap3A_227] {strides = array<i32>} : memref<2x128x128xf32, #tpu.memory_space<vmem>>, vector<1x1x16xf32>,
      %swap3A_229 = vector.shape_cast %swap3A_228 : vector<1x1x16xf32> to vector<16xf32>
      %swap3A_230 = vector.shape_cast %broadcast_in_dim3A_223 : vector<16xf32> to vector<1x1x16xf32>
      tpu.vector_store %arg9[%swap3A_225, %swap3A_226, %swap3A_227], %swap3A_230 {strides = array<i32>} : memref<2x128x128xf32, #tpu.memory_space<vmem>>, vector<1x1x16xf32>,
      %broadcast_in_dim3A_231 = arith.constant 0.000000e+00 : f32
      %broadcast_in_dim3A_232 = vector.broadcast %broadcast_in_dim3A_231 : f32 to vector<16xf32>
      %swap3A_233 = arith.constant 0 : i32
      %swap3A_234 = arith.index_cast %swap3A_233 : i32 to index
      %swap3A_235 = arith.index_cast %scan3A_205 : i32 to index
      %swap3A_236 = arith.constant 48 : index
      %swap3A_237 = tpu.vector_load %arg9[%swap3A_234, %swap3A_235, %swap3A_236] {strides = array<i32>} : memref<2x128x128xf32, #tpu.memory_space<vmem>>, vector<1x1x16xf32>,
      %swap3A_238 = vector.shape_cast %swap3A_237 : vector<1x1x16xf32> to vector<16xf32>
      %swap3A_239 = vector.shape_cast %broadcast_in_dim3A_232 : vector<16xf32> to vector<1x1x16xf32>
      tpu.vector_store %arg9[%swap3A_234, %swap3A_235, %swap3A_236], %swap3A_239 {strides = array<i32>} : memref<2x128x128xf32, #tpu.memory_space<vmem>>, vector<1x1x16xf32>,
      %broadcast_in_dim3A_240 = arith.constant 0.000000e+00 : f32
      %broadcast_in_dim3A_241 = vector.broadcast %broadcast_in_dim3A_240 : f32 to vector<16xf32>
      %swap3A_242 = arith.constant 0 : i32
      %swap3A_243 = arith.index_cast %swap3A_242 : i32 to index
      %swap3A_244 = arith.index_cast %scan3A_205 : i32 to index
      %swap3A_245 = arith.constant 64 : index
      %swap3A_246 = tpu.vector_load %arg9[%swap3A_243, %swap3A_244, %swap3A_245] {strides = array<i32>} : memref<2x128x128xf32, #tpu.memory_space<vmem>>, vector<1x1x16xf32>,
      %swap3A_247 = vector.shape_cast %swap3A_246 : vector<1x1x16xf32> to vector<16xf32>
      %swap3A_248 = vector.shape_cast %broadcast_in_dim3A_241 : vector<16xf32> to vector<1x1x16xf32>
      tpu.vector_store %arg9[%swap3A_243, %swap3A_244, %swap3A_245], %swap3A_248 {strides = array<i32>} : memref<2x128x128xf32, #tpu.memory_space<vmem>>, vector<1x1x16xf32>,
      %broadcast_in_dim3A_249 = arith.constant 0.000000e+00 : f32
      %broadcast_in_dim3A_250 = vector.broadcast %broadcast_in_dim3A_249 : f32 to vector<16xf32>
      %swap3A_251 = arith.constant 0 : i32
      %swap3A_252 = arith.index_cast %swap3A_251 : i32 to index
      %swap3A_253 = arith.index_cast %scan3A_205 : i32 to index
      %swap3A_254 = arith.constant 80 : index
      %swap3A_255 = tpu.vector_load %arg9[%swap3A_252, %swap3A_253, %swap3A_254] {strides = array<i32>} : memref<2x128x128xf32, #tpu.memory_space<vmem>>, vector<1x1x16xf32>,
      %swap3A_256 = vector.shape_cast %swap3A_255 : vector<1x1x16xf32> to vector<16xf32>
      %swap3A_257 = vector.shape_cast %broadcast_in_dim3A_250 : vector<16xf32> to vector<1x1x16xf32>
      tpu.vector_store %arg9[%swap3A_252, %swap3A_253, %swap3A_254], %swap3A_257 {strides = array<i32>} : memref<2x128x128xf32, #tpu.memory_space<vmem>>, vector<1x1x16xf32>,
      %broadcast_in_dim3A_258 = arith.constant 0.000000e+00 : f32
      %broadcast_in_dim3A_259 = vector.broadcast %broadcast_in_dim3A_258 : f32 to vector<16xf32>
      %swap3A_260 = arith.constant 0 : i32
      %swap3A_261 = arith.index_cast %swap3A_260 : i32 to index
      %swap3A_262 = arith.index_cast %scan3A_205 : i32 to index
      %swap3A_263 = arith.constant 96 : index
      %swap3A_264 = tpu.vector_load %arg9[%swap3A_261, %swap3A_262, %swap3A_263] {strides = array<i32>} : memref<2x128x128xf32, #tpu.memory_space<vmem>>, vector<1x1x16xf32>,
      %swap3A_265 = vector.shape_cast %swap3A_264 : vector<1x1x16xf32> to vector<16xf32>
      %swap3A_266 = vector.shape_cast %broadcast_in_dim3A_259 : vector<16xf32> to vector<1x1x16xf32>
      tpu.vector_store %arg9[%swap3A_261, %swap3A_262, %swap3A_263], %swap3A_266 {strides = array<i32>} : memref<2x128x128xf32, #tpu.memory_space<vmem>>, vector<1x1x16xf32>,
      %broadcast_in_dim3A_267 = arith.constant 0.000000e+00 : f32
      %broadcast_in_dim3A_268 = vector.broadcast %broadcast_in_dim3A_267 : f32 to vector<16xf32>
      %swap3A_269 = arith.constant 0 : i32
      %swap3A_270 = arith.index_cast %swap3A_269 : i32 to index
      %swap3A_271 = arith.index_cast %scan3A_205 : i32 to index
      %swap3A_272 = arith.constant 112 : index
      %swap3A_273 = tpu.vector_load %arg9[%swap3A_270, %swap3A_271, %swap3A_272] {strides = array<i32>} : memref<2x128x128xf32, #tpu.memory_space<vmem>>, vector<1x1x16xf32>,
      %swap3A_274 = vector.shape_cast %swap3A_273 : vector<1x1x16xf32> to vector<16xf32>
      %swap3A_275 = vector.shape_cast %broadcast_in_dim3A_268 : vector<16xf32> to vector<1x1x16xf32>
      tpu.vector_store %arg9[%swap3A_270, %swap3A_271, %swap3A_272], %swap3A_275 {strides = array<i32>} : memref<2x128x128xf32, #tpu.memory_space<vmem>>, vector<1x1x16xf32>,
    }
    %scan3A_102 = arith.constant 128 : i32
    %add3A_103 = arith.constant 0 : i32
    %add3A_104 = arith.addi %arg1, %add3A_103 : i32
    %mul3A_105 = arith.constant 128 : i32
    %mul3A_106 = arith.muli %add3A_104, %mul3A_105 : i32
    %run_scoped3A_107 = arith.constant 0 : i32
    "tpu.region"() ({
      %run_scoped3A_205 = tpu.sem_alloc : memref<!tpu.dma_semaphore, #tpu.memory_space<semaphore_mem>>
      %dma_start3A_206 = arith.constant 0 : i32
      %dma_start3A_207 = arith.constant 0 : i32
      %dma_start3A_208 = tpu.memref_slice %arg9[%run_scoped3A_107, %dma_start3A_206, %dma_start3A_207] : memref<2x128x128xf32, #tpu.memory_space<vmem>> -> memref<1x128x128xf32, #tpu.memory_space<vmem>>
      %dma_start3A_209 = tpu.memref_squeeze %dma_start3A_208 : memref<1x128x128xf32, #tpu.memory_space<vmem>> -> memref<128x128xf32, #tpu.memory_space<vmem>>
      %dma_start3A_210 = arith.constant 0 : i32
      %dma_start3A_211 = tpu.memref_slice %arg10[%mul3A_106, %dma_start3A_210] : memref<10112x128xf32, #tpu.memory_space<vmem_shared>> -> memref<128x128xf32, #tpu.memory_space<vmem_shared>>
      %dma_start3A_212 = arith.constant 0 : i32
      %dma_start3A_213 = tpu.memref_slice %arg10[%mul3A_106, %dma_start3A_212] : memref<10112x128xf32, #tpu.memory_space<vmem_shared>> -> memref<128x128xf32, #tpu.memory_space<vmem_shared>>
      %dma_start3A_214 = arith.constant 0 : i32
      %dma_start3A_215 = arith.constant 0 : i32
      %dma_start3A_216 = tpu.memref_slice %arg9[%run_scoped3A_107, %dma_start3A_214, %dma_start3A_215] : memref<2x128x128xf32, #tpu.memory_space<vmem>> -> memref<1x128x128xf32, #tpu.memory_space<vmem>>
      %dma_start3A_217 = tpu.memref_squeeze %dma_start3A_216 : memref<1x128x128xf32, #tpu.memory_space<vmem>> -> memref<128x128xf32, #tpu.memory_space<vmem>>
      tpu.enqueue_dma source(%dma_start3A_217 : memref<128x128xf32, #tpu.memory_space<vmem>>) target(%dma_start3A_213 : memref<128x128xf32, #tpu.memory_space<vmem_shared>>) target_semaphore(%run_scoped3A_205 : memref<!tpu.dma_semaphore, #tpu.memory_space<semaphore_mem>>)
      %dma_wait3A_218 = arith.constant 0 : i32
      %dma_wait3A_219 = arith.constant 0 : i32
      %dma_wait3A_220 = tpu.memref_slice %arg9[%run_scoped3A_107, %dma_wait3A_218, %dma_wait3A_219] : memref<2x128x128xf32, #tpu.memory_space<vmem>> -> memref<1x128x128xf32, #tpu.memory_space<vmem>>
      %dma_wait3A_221 = tpu.memref_squeeze %dma_wait3A_220 : memref<1x128x128xf32, #tpu.memory_space<vmem>> -> memref<128x128xf32, #tpu.memory_space<vmem>>
      %dma_wait3A_222 = arith.constant 0 : i32
      %dma_wait3A_223 = tpu.memref_slice %arg10[%mul3A_106, %dma_wait3A_222] : memref<10112x128xf32, #tpu.memory_space<vmem_shared>> -> memref<128x128xf32, #tpu.memory_space<vmem_shared>>
      %dma_wait3A_224 = arith.constant 0 : i32
      %dma_wait3A_225 = tpu.memref_slice %arg10[%mul3A_106, %dma_wait3A_224] : memref<10112x128xf32, #tpu.memory_space<vmem_shared>> -> memref<128x128xf32, #tpu.memory_space<vmem_shared>>
      %dma_wait3A_226 = arith.constant 0 : i32
      %dma_wait3A_227 = arith.constant 0 : i32
      %dma_wait3A_228 = tpu.memref_slice %arg9[%run_scoped3A_107, %dma_wait3A_226, %dma_wait3A_227] : memref<2x128x128xf32, #tpu.memory_space<vmem>> -> memref<1x128x128xf32, #tpu.memory_space<vmem>>
      %dma_wait3A_229 = tpu.memref_squeeze %dma_wait3A_228 : memref<1x128x128xf32, #tpu.memory_space<vmem>> -> memref<128x128xf32, #tpu.memory_space<vmem>>
      tpu.wait_dma2 semaphore(%run_scoped3A_205 : memref<!tpu.dma_semaphore, #tpu.memory_space<semaphore_mem>>) src(%dma_wait3A_229 : memref<128x128xf32, #tpu.memory_space<vmem>>) dst(%dma_wait3A_225 : memref<128x128xf32, #tpu.memory_space<vmem_shared>>)
      tpu.yield
    }) : () -> ()
    %add3A_108 = arith.constant 16 : i32
    %add3A_109 = arith.addi %arg1, %add3A_108 : i32
    %mul3A_110 = arith.constant 128 : i32
    %mul3A_111 = arith.muli %add3A_109, %mul3A_110 : i32
    %run_scoped3A_112 = arith.constant 0 : i32
    "tpu.region"() ({
      %run_scoped3A_205 = tpu.sem_alloc : memref<!tpu.dma_semaphore, #tpu.memory_space<semaphore_mem>>
      %dma_start3A_206 = arith.constant 0 : i32
      %dma_start3A_207 = arith.constant 0 : i32
      %dma_start3A_208 = tpu.memref_slice %arg9[%run_scoped3A_112, %dma_start3A_206, %dma_start3A_207] : memref<2x128x128xf32, #tpu.memory_space<vmem>> -> memref<1x128x128xf32, #tpu.memory_space<vmem>>
      %dma_start3A_209 = tpu.memref_squeeze %dma_start3A_208 : memref<1x128x128xf32, #tpu.memory_space<vmem>> -> memref<128x128xf32, #tpu.memory_space<vmem>>
      %dma_start3A_210 = arith.constant 0 : i32
      %dma_start3A_211 = tpu.memref_slice %arg10[%mul3A_111, %dma_start3A_210] : memref<10112x128xf32, #tpu.memory_space<vmem_shared>> -> memref<128x128xf32, #tpu.memory_space<vmem_shared>>
      %dma_start3A_212 = arith.constant 0 : i32
      %dma_start3A_213 = tpu.memref_slice %arg10[%mul3A_111, %dma_start3A_212] : memref<10112x128xf32, #tpu.memory_space<vmem_shared>> -> memref<128x128xf32, #tpu.memory_space<vmem_shared>>
      %dma_start3A_214 = arith.constant 0 : i32
      %dma_start3A_215 = arith.constant 0 : i32
      %dma_start3A_216 = tpu.memref_slice %arg9[%run_scoped3A_112, %dma_start3A_214, %dma_start3A_215] : memref<2x128x128xf32, #tpu.memory_space<vmem>> -> memref<1x128x128xf32, #tpu.memory_space<vmem>>
      %dma_start3A_217 = tpu.memref_squeeze %dma_start3A_216 : memref<1x128x128xf32, #tpu.memory_space<vmem>> -> memref<128x128xf32, #tpu.memory_space<vmem>>
      tpu.enqueue_dma source(%dma_start3A_217 : memref<128x128xf32, #tpu.memory_space<vmem>>) target(%dma_start3A_213 : memref<128x128xf32, #tpu.memory_space<vmem_shared>>) target_semaphore(%run_scoped3A_205 : memref<!tpu.dma_semaphore, #tpu.memory_space<semaphore_mem>>)
      %dma_wait3A_218 = arith.constant 0 : i32
      %dma_wait3A_219 = arith.constant 0 : i32
      %dma_wait3A_220 = tpu.memref_slice %arg9[%run_scoped3A_112, %dma_wait3A_218, %dma_wait3A_219] : memref<2x128x128xf32, #tpu.memory_space<vmem>> -> memref<1x128x128xf32, #tpu.memory_space<vmem>>
      %dma_wait3A_221 = tpu.memref_squeeze %dma_wait3A_220 : memref<1x128x128xf32, #tpu.memory_space<vmem>> -> memref<128x128xf32, #tpu.memory_space<vmem>>
      %dma_wait3A_222 = arith.constant 0 : i32
      %dma_wait3A_223 = tpu.memref_slice %arg10[%mul3A_111, %dma_wait3A_222] : memref<10112x128xf32, #tpu.memory_space<vmem_shared>> -> memref<128x128xf32, #tpu.memory_space<vmem_shared>>
      %dma_wait3A_224 = arith.constant 0 : i32
      %dma_wait3A_225 = tpu.memref_slice %arg10[%mul3A_111, %dma_wait3A_224] : memref<10112x128xf32, #tpu.memory_space<vmem_shared>> -> memref<128x128xf32, #tpu.memory_space<vmem_shared>>
      %dma_wait3A_226 = arith.constant 0 : i32
      %dma_wait3A_227 = arith.constant 0 : i32
      %dma_wait3A_228 = tpu.memref_slice %arg9[%run_scoped3A_112, %dma_wait3A_226, %dma_wait3A_227] : memref<2x128x128xf32, #tpu.memory_space<vmem>> -> memref<1x128x128xf32, #tpu.memory_space<vmem>>
      %dma_wait3A_229 = tpu.memref_squeeze %dma_wait3A_228 : memref<1x128x128xf32, #tpu.memory_space<vmem>> -> memref<128x128xf32, #tpu.memory_space<vmem>>
      tpu.wait_dma2 semaphore(%run_scoped3A_205 : memref<!tpu.dma_semaphore, #tpu.memory_space<semaphore_mem>>) src(%dma_wait3A_229 : memref<128x128xf32, #tpu.memory_space<vmem>>) dst(%dma_wait3A_225 : memref<128x128xf32, #tpu.memory_space<vmem_shared>>)
      tpu.yield
    }) : () -> ()
    %add3A_113 = arith.constant 32 : i32
    %add3A_114 = arith.addi %arg1, %add3A_113 : i32
    %mul3A_115 = arith.constant 128 : i32
    %mul3A_116 = arith.muli %add3A_114, %mul3A_115 : i32
    %run_scoped3A_117 = arith.constant 0 : i32
    "tpu.region"() ({
      %run_scoped3A_205 = tpu.sem_alloc : memref<!tpu.dma_semaphore, #tpu.memory_space<semaphore_mem>>
      %dma_start3A_206 = arith.constant 0 : i32
      %dma_start3A_207 = arith.constant 0 : i32
      %dma_start3A_208 = tpu.memref_slice %arg9[%run_scoped3A_117, %dma_start3A_206, %dma_start3A_207] : memref<2x128x128xf32, #tpu.memory_space<vmem>> -> memref<1x128x128xf32, #tpu.memory_space<vmem>>
      %dma_start3A_209 = tpu.memref_squeeze %dma_start3A_208 : memref<1x128x128xf32, #tpu.memory_space<vmem>> -> memref<128x128xf32, #tpu.memory_space<vmem>>
      %dma_start3A_210 = arith.constant 0 : i32
      %dma_start3A_211 = tpu.memref_slice %arg10[%mul3A_116, %dma_start3A_210] : memref<10112x128xf32, #tpu.memory_space<vmem_shared>> -> memref<128x128xf32, #tpu.memory_space<vmem_shared>>
      %dma_start3A_212 = arith.constant 0 : i32
      %dma_start3A_213 = tpu.memref_slice %arg10[%mul3A_116, %dma_start3A_212] : memref<10112x128xf32, #tpu.memory_space<vmem_shared>> -> memref<128x128xf32, #tpu.memory_space<vmem_shared>>
      %dma_start3A_214 = arith.constant 0 : i32
      %dma_start3A_215 = arith.constant 0 : i32
      %dma_start3A_216 = tpu.memref_slice %arg9[%run_scoped3A_117, %dma_start3A_214, %dma_start3A_215] : memref<2x128x128xf32, #tpu.memory_space<vmem>> -> memref<1x128x128xf32, #tpu.memory_space<vmem>>
      %dma_start3A_217 = tpu.memref_squeeze %dma_start3A_216 : memref<1x128x128xf32, #tpu.memory_space<vmem>> -> memref<128x128xf32, #tpu.memory_space<vmem>>
      tpu.enqueue_dma source(%dma_start3A_217 : memref<128x128xf32, #tpu.memory_space<vmem>>) target(%dma_start3A_213 : memref<128x128xf32, #tpu.memory_space<vmem_shared>>) target_semaphore(%run_scoped3A_205 : memref<!tpu.dma_semaphore, #tpu.memory_space<semaphore_mem>>)
      %dma_wait3A_218 = arith.constant 0 : i32
      %dma_wait3A_219 = arith.constant 0 : i32
      %dma_wait3A_220 = tpu.memref_slice %arg9[%run_scoped3A_117, %dma_wait3A_218, %dma_wait3A_219] : memref<2x128x128xf32, #tpu.memory_space<vmem>> -> memref<1x128x128xf32, #tpu.memory_space<vmem>>
      %dma_wait3A_221 = tpu.memref_squeeze %dma_wait3A_220 : memref<1x128x128xf32, #tpu.memory_space<vmem>> -> memref<128x128xf32, #tpu.memory_space<vmem>>
      %dma_wait3A_222 = arith.constant 0 : i32
      %dma_wait3A_223 = tpu.memref_slice %arg10[%mul3A_116, %dma_wait3A_222] : memref<10112x128xf32, #tpu.memory_space<vmem_shared>> -> memref<128x128xf32, #tpu.memory_space<vmem_shared>>
      %dma_wait3A_224 = arith.constant 0 : i32
      %dma_wait3A_225 = tpu.memref_slice %arg10[%mul3A_116, %dma_wait3A_224] : memref<10112x128xf32, #tpu.memory_space<vmem_shared>> -> memref<128x128xf32, #tpu.memory_space<vmem_shared>>
      %dma_wait3A_226 = arith.constant 0 : i32
      %dma_wait3A_227 = arith.constant 0 : i32
      %dma_wait3A_228 = tpu.memref_slice %arg9[%run_scoped3A_117, %dma_wait3A_226, %dma_wait3A_227] : memref<2x128x128xf32, #tpu.memory_space<vmem>> -> memref<1x128x128xf32, #tpu.memory_space<vmem>>
      %dma_wait3A_229 = tpu.memref_squeeze %dma_wait3A_228 : memref<1x128x128xf32, #tpu.memory_space<vmem>> -> memref<128x128xf32, #tpu.memory_space<vmem>>
      tpu.wait_dma2 semaphore(%run_scoped3A_205 : memref<!tpu.dma_semaphore, #tpu.memory_space<semaphore_mem>>) src(%dma_wait3A_229 : memref<128x128xf32, #tpu.memory_space<vmem>>) dst(%dma_wait3A_225 : memref<128x128xf32, #tpu.memory_space<vmem_shared>>)
      tpu.yield
    }) : () -> ()
    %add3A_118 = arith.constant 48 : i32
    %add3A_119 = arith.addi %arg1, %add3A_118 : i32
    %mul3A_120 = arith.constant 128 : i32
    %mul3A_121 = arith.muli %add3A_119, %mul3A_120 : i32
    %run_scoped3A_122 = arith.constant 0 : i32
    "tpu.region"() ({
      %run_scoped3A_205 = tpu.sem_alloc : memref<!tpu.dma_semaphore, #tpu.memory_space<semaphore_mem>>
      %dma_start3A_206 = arith.constant 0 : i32
      %dma_start3A_207 = arith.constant 0 : i32
      %dma_start3A_208 = tpu.memref_slice %arg9[%run_scoped3A_122, %dma_start3A_206, %dma_start3A_207] : memref<2x128x128xf32, #tpu.memory_space<vmem>> -> memref<1x128x128xf32, #tpu.memory_space<vmem>>
      %dma_start3A_209 = tpu.memref_squeeze %dma_start3A_208 : memref<1x128x128xf32, #tpu.memory_space<vmem>> -> memref<128x128xf32, #tpu.memory_space<vmem>>
      %dma_start3A_210 = arith.constant 0 : i32
      %dma_start3A_211 = tpu.memref_slice %arg10[%mul3A_121, %dma_start3A_210] : memref<10112x128xf32, #tpu.memory_space<vmem_shared>> -> memref<128x128xf32, #tpu.memory_space<vmem_shared>>
      %dma_start3A_212 = arith.constant 0 : i32
      %dma_start3A_213 = tpu.memref_slice %arg10[%mul3A_121, %dma_start3A_212] : memref<10112x128xf32, #tpu.memory_space<vmem_shared>> -> memref<128x128xf32, #tpu.memory_space<vmem_shared>>
      %dma_start3A_214 = arith.constant 0 : i32
      %dma_start3A_215 = arith.constant 0 : i32
      %dma_start3A_216 = tpu.memref_slice %arg9[%run_scoped3A_122, %dma_start3A_214, %dma_start3A_215] : memref<2x128x128xf32, #tpu.memory_space<vmem>> -> memref<1x128x128xf32, #tpu.memory_space<vmem>>
      %dma_start3A_217 = tpu.memref_squeeze %dma_start3A_216 : memref<1x128x128xf32, #tpu.memory_space<vmem>> -> memref<128x128xf32, #tpu.memory_space<vmem>>
      tpu.enqueue_dma source(%dma_start3A_217 : memref<128x128xf32, #tpu.memory_space<vmem>>) target(%dma_start3A_213 : memref<128x128xf32, #tpu.memory_space<vmem_shared>>) target_semaphore(%run_scoped3A_205 : memref<!tpu.dma_semaphore, #tpu.memory_space<semaphore_mem>>)
      %dma_wait3A_218 = arith.constant 0 : i32
      %dma_wait3A_219 = arith.constant 0 : i32
      %dma_wait3A_220 = tpu.memref_slice %arg9[%run_scoped3A_122, %dma_wait3A_218, %dma_wait3A_219] : memref<2x128x128xf32, #tpu.memory_space<vmem>> -> memref<1x128x128xf32, #tpu.memory_space<vmem>>
      %dma_wait3A_221 = tpu.memref_squeeze %dma_wait3A_220 : memref<1x128x128xf32, #tpu.memory_space<vmem>> -> memref<128x128xf32, #tpu.memory_space<vmem>>
      %dma_wait3A_222 = arith.constant 0 : i32
      %dma_wait3A_223 = tpu.memref_slice %arg10[%mul3A_121, %dma_wait3A_222] : memref<10112x128xf32, #tpu.memory_space<vmem_shared>> -> memref<128x128xf32, #tpu.memory_space<vmem_shared>>
      %dma_wait3A_224 = arith.constant 0 : i32
      %dma_wait3A_225 = tpu.memref_slice %arg10[%mul3A_121, %dma_wait3A_224] : memref<10112x128xf32, #tpu.memory_space<vmem_shared>> -> memref<128x128xf32, #tpu.memory_space<vmem_shared>>
      %dma_wait3A_226 = arith.constant 0 : i32
      %dma_wait3A_227 = arith.constant 0 : i32
      %dma_wait3A_228 = tpu.memref_slice %arg9[%run_scoped3A_122, %dma_wait3A_226, %dma_wait3A_227] : memref<2x128x128xf32, #tpu.memory_space<vmem>> -> memref<1x128x128xf32, #tpu.memory_space<vmem>>
      %dma_wait3A_229 = tpu.memref_squeeze %dma_wait3A_228 : memref<1x128x128xf32, #tpu.memory_space<vmem>> -> memref<128x128xf32, #tpu.memory_space<vmem>>
      tpu.wait_dma2 semaphore(%run_scoped3A_205 : memref<!tpu.dma_semaphore, #tpu.memory_space<semaphore_mem>>) src(%dma_wait3A_229 : memref<128x128xf32, #tpu.memory_space<vmem>>) dst(%dma_wait3A_225 : memref<128x128xf32, #tpu.memory_space<vmem_shared>>)
      tpu.yield
    }) : () -> ()
    %add3A_123 = arith.constant 64 : i32
    %add3A_124 = arith.addi %arg1, %add3A_123 : i32
    %lt3A_125 = arith.constant 79 : i32
    %lt3A_126 = arith.cmpi slt, %add3A_124, %lt3A_125 : i32
    %convert_element_type3A_127 = arith.extui %lt3A_126 : i1 to i32
    %cond3A_128 = arith.constant 0 : i32
    %cond3A_129 = arith.cmpi ne, %convert_element_type3A_127, %cond3A_128 : i32
    scf.if %cond3A_129 {
      %mul3A_205 = arith.constant 128 : i32
      %mul3A_206 = arith.muli %add3A_124, %mul3A_205 : i32
      %run_scoped3A_207 = arith.constant 0 : i32
      "tpu.region"() ({
        %run_scoped3A_208 = tpu.sem_alloc : memref<!tpu.dma_semaphore, #tpu.memory_space<semaphore_mem>>
        %dma_start3A_209 = arith.constant 0 : i32
        %dma_start3A_210 = arith.constant 0 : i32
        %dma_start3A_211 = tpu.memref_slice %arg9[%run_scoped3A_207, %dma_start3A_209, %dma_start3A_210] : memref<2x128x128xf32, #tpu.memory_space<vmem>> -> memref<1x128x128xf32, #tpu.memory_space<vmem>>
        %dma_start3A_212 = tpu.memref_squeeze %dma_start3A_211 : memref<1x128x128xf32, #tpu.memory_space<vmem>> -> memref<128x128xf32, #tpu.memory_space<vmem>>
        %dma_start3A_213 = arith.constant 0 : i32
        %dma_start3A_214 = tpu.memref_slice %arg10[%mul3A_206, %dma_start3A_213] : memref<10112x128xf32, #tpu.memory_space<vmem_shared>> -> memref<128x128xf32, #tpu.memory_space<vmem_shared>>
        %dma_start3A_215 = arith.constant 0 : i32
        %dma_start3A_216 = tpu.memref_slice %arg10[%mul3A_206, %dma_start3A_215] : memref<10112x128xf32, #tpu.memory_space<vmem_shared>> -> memref<128x128xf32, #tpu.memory_space<vmem_shared>>
        %dma_start3A_217 = arith.constant 0 : i32
        %dma_start3A_218 = arith.constant 0 : i32
        %dma_start3A_219 = tpu.memref_slice %arg9[%run_scoped3A_207, %dma_start3A_217, %dma_start3A_218] : memref<2x128x128xf32, #tpu.memory_space<vmem>> -> memref<1x128x128xf32, #tpu.memory_space<vmem>>
        %dma_start3A_220 = tpu.memref_squeeze %dma_start3A_219 : memref<1x128x128xf32, #tpu.memory_space<vmem>> -> memref<128x128xf32, #tpu.memory_space<vmem>>
        tpu.enqueue_dma source(%dma_start3A_220 : memref<128x128xf32, #tpu.memory_space<vmem>>) target(%dma_start3A_216 : memref<128x128xf32, #tpu.memory_space<vmem_shared>>) target_semaphore(%run_scoped3A_208 : memref<!tpu.dma_semaphore, #tpu.memory_space<semaphore_mem>>)
        %dma_wait3A_221 = arith.constant 0 : i32
        %dma_wait3A_222 = arith.constant 0 : i32
        %dma_wait3A_223 = tpu.memref_slice %arg9[%run_scoped3A_207, %dma_wait3A_221, %dma_wait3A_222] : memref<2x128x128xf32, #tpu.memory_space<vmem>> -> memref<1x128x128xf32, #tpu.memory_space<vmem>>
        %dma_wait3A_224 = tpu.memref_squeeze %dma_wait3A_223 : memref<1x128x128xf32, #tpu.memory_space<vmem>> -> memref<128x128xf32, #tpu.memory_space<vmem>>
        %dma_wait3A_225 = arith.constant 0 : i32
        %dma_wait3A_226 = tpu.memref_slice %arg10[%mul3A_206, %dma_wait3A_225] : memref<10112x128xf32, #tpu.memory_space<vmem_shared>> -> memref<128x128xf32, #tpu.memory_space<vmem_shared>>
        %dma_wait3A_227 = arith.constant 0 : i32
        %dma_wait3A_228 = tpu.memref_slice %arg10[%mul3A_206, %dma_wait3A_227] : memref<10112x128xf32, #tpu.memory_space<vmem_shared>> -> memref<128x128xf32, #tpu.memory_space<vmem_shared>>
        %dma_wait3A_229 = arith.constant 0 : i32
        %dma_wait3A_230 = arith.constant 0 : i32
        %dma_wait3A_231 = tpu.memref_slice %arg9[%run_scoped3A_207, %dma_wait3A_229, %dma_wait3A_230] : memref<2x128x128xf32, #tpu.memory_space<vmem>> -> memref<1x128x128xf32, #tpu.memory_space<vmem>>
        %dma_wait3A_232 = tpu.memref_squeeze %dma_wait3A_231 : memref<1x128x128xf32, #tpu.memory_space<vmem>> -> memref<128x128xf32, #tpu.memory_space<vmem>>
        tpu.wait_dma2 semaphore(%run_scoped3A_208 : memref<!tpu.dma_semaphore, #tpu.memory_space<semaphore_mem>>) src(%dma_wait3A_232 : memref<128x128xf32, #tpu.memory_space<vmem>>) dst(%dma_wait3A_228 : memref<128x128xf32, #tpu.memory_space<vmem_shared>>)
        tpu.yield
      }) : () -> ()
    } else {
    }
    %barrier3A_130 = arith.constant 0 : index
    tpu.barrier barrier_id(%barrier3A_130)
    %run_scoped3A_131 = arith.constant 1 : i32
    "tpu.region"() ({
      %run_scoped3A_205 = tpu.sem_alloc : memref<!tpu.dma_semaphore, #tpu.memory_space<semaphore_mem>>
      %dma_start3A_206 = arith.constant 0 : i32
      %dma_start3A_207 = arith.constant 0 : i32
      %dma_start3A_208 = tpu.memref_slice %arg7[%dma_start3A_206, %dma_start3A_207] : memref<24x128xi32, #tpu.memory_space<vmem>> -> memref<8x128xi32, #tpu.memory_space<vmem>>
      %dma_start3A_209 = arith.constant 0 : i32
      %dma_start3A_210 = arith.constant 0 : i32
      %dma_start3A_211 = tpu.memref_slice %arg4[%run_scoped3A_131, %arg0, %arg1, %dma_start3A_209, %dma_start3A_210] : memref<2x2x16x160x128xi32, #tpu.memory_space<hbm>> -> memref<1x1x1x8x128xi32, #tpu.memory_space<hbm>>
      %dma_start3A_212 = tpu.memref_squeeze %dma_start3A_211 : memref<1x1x1x8x128xi32, #tpu.memory_space<hbm>> -> memref<8x128xi32, #tpu.memory_space<hbm>>
      %dma_start3A_213 = arith.constant 0 : i32
      %dma_start3A_214 = arith.constant 0 : i32
      %dma_start3A_215 = tpu.memref_slice %arg7[%dma_start3A_213, %dma_start3A_214] : memref<24x128xi32, #tpu.memory_space<vmem>> -> memref<8x128xi32, #tpu.memory_space<vmem>>
      %dma_start3A_216 = arith.constant 0 : i32
      %dma_start3A_217 = arith.constant 0 : i32
      %dma_start3A_218 = tpu.memref_slice %arg4[%run_scoped3A_131, %arg0, %arg1, %dma_start3A_216, %dma_start3A_217] : memref<2x2x16x160x128xi32, #tpu.memory_space<hbm>> -> memref<1x1x1x8x128xi32, #tpu.memory_space<hbm>>
      %dma_start3A_219 = tpu.memref_squeeze %dma_start3A_218 : memref<1x1x1x8x128xi32, #tpu.memory_space<hbm>> -> memref<8x128xi32, #tpu.memory_space<hbm>>
      tpu.enqueue_dma source(%dma_start3A_219 : memref<8x128xi32, #tpu.memory_space<hbm>>) target(%dma_start3A_215 : memref<8x128xi32, #tpu.memory_space<vmem>>) target_semaphore(%run_scoped3A_205 : memref<!tpu.dma_semaphore, #tpu.memory_space<semaphore_mem>>)
      %dma_wait3A_220 = arith.constant 0 : i32
      %dma_wait3A_221 = arith.constant 0 : i32
      %dma_wait3A_222 = tpu.memref_slice %arg7[%dma_wait3A_220, %dma_wait3A_221] : memref<24x128xi32, #tpu.memory_space<vmem>> -> memref<8x128xi32, #tpu.memory_space<vmem>>
      %dma_wait3A_223 = arith.constant 0 : i32
      %dma_wait3A_224 = arith.constant 0 : i32
      %dma_wait3A_225 = tpu.memref_slice %arg4[%run_scoped3A_131, %arg0, %arg1, %dma_wait3A_223, %dma_wait3A_224] : memref<2x2x16x160x128xi32, #tpu.memory_space<hbm>> -> memref<1x1x1x8x128xi32, #tpu.memory_space<hbm>>
      %dma_wait3A_226 = tpu.memref_squeeze %dma_wait3A_225 : memref<1x1x1x8x128xi32, #tpu.memory_space<hbm>> -> memref<8x128xi32, #tpu.memory_space<hbm>>
      %dma_wait3A_227 = arith.constant 0 : i32
      %dma_wait3A_228 = arith.constant 0 : i32
      %dma_wait3A_229 = tpu.memref_slice %arg7[%dma_wait3A_227, %dma_wait3A_228] : memref<24x128xi32, #tpu.memory_space<vmem>> -> memref<8x128xi32, #tpu.memory_space<vmem>>
      %dma_wait3A_230 = arith.constant 0 : i32
      %dma_wait3A_231 = arith.constant 0 : i32
      %dma_wait3A_232 = tpu.memref_slice %arg4[%run_scoped3A_131, %arg0, %arg1, %dma_wait3A_230, %dma_wait3A_231] : memref<2x2x16x160x128xi32, #tpu.memory_space<hbm>> -> memref<1x1x1x8x128xi32, #tpu.memory_space<hbm>>
      %dma_wait3A_233 = tpu.memref_squeeze %dma_wait3A_232 : memref<1x1x1x8x128xi32, #tpu.memory_space<hbm>> -> memref<8x128xi32, #tpu.memory_space<hbm>>
      tpu.wait_dma2 semaphore(%run_scoped3A_205 : memref<!tpu.dma_semaphore, #tpu.memory_space<semaphore_mem>>) src(%dma_wait3A_233 : memref<8x128xi32, #tpu.memory_space<hbm>>) dst(%dma_wait3A_229 : memref<8x128xi32, #tpu.memory_space<vmem>>)
      tpu.yield
    }) : () -> ()
    %run_scoped3A_132 = arith.constant 1 : i32
    "tpu.region"() ({
      %run_scoped3A_205 = tpu.sem_alloc : memref<!tpu.dma_semaphore, #tpu.memory_space<semaphore_mem>>
      %dma_start3A_206 = arith.constant 0 : i32
      %dma_start3A_207 = arith.constant 0 : i32
      %dma_start3A_208 = tpu.memref_slice %arg8[%dma_start3A_206, %dma_start3A_207] : memref<24x128xi32, #tpu.memory_space<vmem>> -> memref<8x128xi32, #tpu.memory_space<vmem>>
      %dma_start3A_209 = arith.constant 0 : i32
      %dma_start3A_210 = arith.constant 0 : i32
      %dma_start3A_211 = tpu.memref_slice %arg5[%run_scoped3A_132, %arg0, %arg1, %dma_start3A_209, %dma_start3A_210] : memref<2x2x16x160x128xi32, #tpu.memory_space<hbm>> -> memref<1x1x1x8x128xi32, #tpu.memory_space<hbm>>
      %dma_start3A_212 = tpu.memref_squeeze %dma_start3A_211 : memref<1x1x1x8x128xi32, #tpu.memory_space<hbm>> -> memref<8x128xi32, #tpu.memory_space<hbm>>
      %dma_start3A_213 = arith.constant 0 : i32
      %dma_start3A_214 = arith.constant 0 : i32
      %dma_start3A_215 = tpu.memref_slice %arg8[%dma_start3A_213, %dma_start3A_214] : memref<24x128xi32, #tpu.memory_space<vmem>> -> memref<8x128xi32, #tpu.memory_space<vmem>>
      %dma_start3A_216 = arith.constant 0 : i32
      %dma_start3A_217 = arith.constant 0 : i32
      %dma_start3A_218 = tpu.memref_slice %arg5[%run_scoped3A_132, %arg0, %arg1, %dma_start3A_216, %dma_start3A_217] : memref<2x2x16x160x128xi32, #tpu.memory_space<hbm>> -> memref<1x1x1x8x128xi32, #tpu.memory_space<hbm>>
      %dma_start3A_219 = tpu.memref_squeeze %dma_start3A_218 : memref<1x1x1x8x128xi32, #tpu.memory_space<hbm>> -> memref<8x128xi32, #tpu.memory_space<hbm>>
      tpu.enqueue_dma source(%dma_start3A_219 : memref<8x128xi32, #tpu.memory_space<hbm>>) target(%dma_start3A_215 : memref<8x128xi32, #tpu.memory_space<vmem>>) target_semaphore(%run_scoped3A_205 : memref<!tpu.dma_semaphore, #tpu.memory_space<semaphore_mem>>)
      %dma_wait3A_220 = arith.constant 0 : i32
      %dma_wait3A_221 = arith.constant 0 : i32
      %dma_wait3A_222 = tpu.memref_slice %arg8[%dma_wait3A_220, %dma_wait3A_221] : memref<24x128xi32, #tpu.memory_space<vmem>> -> memref<8x128xi32, #tpu.memory_space<vmem>>
      %dma_wait3A_223 = arith.constant 0 : i32
      %dma_wait3A_224 = arith.constant 0 : i32
      %dma_wait3A_225 = tpu.memref_slice %arg5[%run_scoped3A_132, %arg0, %arg1, %dma_wait3A_223, %dma_wait3A_224] : memref<2x2x16x160x128xi32, #tpu.memory_space<hbm>> -> memref<1x1x1x8x128xi32, #tpu.memory_space<hbm>>
      %dma_wait3A_226 = tpu.memref_squeeze %dma_wait3A_225 : memref<1x1x1x8x128xi32, #tpu.memory_space<hbm>> -> memref<8x128xi32, #tpu.memory_space<hbm>>
      %dma_wait3A_227 = arith.constant 0 : i32
      %dma_wait3A_228 = arith.constant 0 : i32
      %dma_wait3A_229 = tpu.memref_slice %arg8[%dma_wait3A_227, %dma_wait3A_228] : memref<24x128xi32, #tpu.memory_space<vmem>> -> memref<8x128xi32, #tpu.memory_space<vmem>>
      %dma_wait3A_230 = arith.constant 0 : i32
      %dma_wait3A_231 = arith.constant 0 : i32
      %dma_wait3A_232 = tpu.memref_slice %arg5[%run_scoped3A_132, %arg0, %arg1, %dma_wait3A_230, %dma_wait3A_231] : memref<2x2x16x160x128xi32, #tpu.memory_space<hbm>> -> memref<1x1x1x8x128xi32, #tpu.memory_space<hbm>>
      %dma_wait3A_233 = tpu.memref_squeeze %dma_wait3A_232 : memref<1x1x1x8x128xi32, #tpu.memory_space<hbm>> -> memref<8x128xi32, #tpu.memory_space<hbm>>
      tpu.wait_dma2 semaphore(%run_scoped3A_205 : memref<!tpu.dma_semaphore, #tpu.memory_space<semaphore_mem>>) src(%dma_wait3A_233 : memref<8x128xi32, #tpu.memory_space<hbm>>) dst(%dma_wait3A_229 : memref<8x128xi32, #tpu.memory_space<vmem>>)
      tpu.yield
    }) : () -> ()
    %dma_start3A_133 = arith.constant 1 : i32
    %dma_start3A_134 = arith.constant 8 : i32
    %dma_start3A_135 = arith.constant 0 : i32
    %dma_start3A_136 = tpu.memref_slice %arg7[%dma_start3A_134, %dma_start3A_135] : memref<24x128xi32, #tpu.memory_space<vmem>> -> memref<8x128xi32, #tpu.memory_space<vmem>>
    %dma_start3A_137 = arith.constant 8 : i32
    %dma_start3A_138 = arith.constant 0 : i32
    %dma_start3A_139 = tpu.memref_slice %arg4[%dma_start3A_133, %arg0, %arg1, %dma_start3A_137, %dma_start3A_138] : memref<2x2x16x160x128xi32, #tpu.memory_space<hbm>> -> memref<1x1x1x8x128xi32, #tpu.memory_space<hbm>>
    %dma_start3A_140 = tpu.memref_squeeze %dma_start3A_139 : memref<1x1x1x8x128xi32, #tpu.memory_space<hbm>> -> memref<8x128xi32, #tpu.memory_space<hbm>>
    %dma_start3A_141 = arith.constant 8 : i32
    %dma_start3A_142 = arith.constant 0 : i32
    %dma_start3A_143 = tpu.memref_slice %arg7[%dma_start3A_141, %dma_start3A_142] : memref<24x128xi32, #tpu.memory_space<vmem>> -> memref<8x128xi32, #tpu.memory_space<vmem>>
    %dma_start3A_144 = arith.constant 8 : i32
    %dma_start3A_145 = arith.constant 0 : i32
    %dma_start3A_146 = tpu.memref_slice %arg4[%dma_start3A_133, %arg0, %arg1, %dma_start3A_144, %dma_start3A_145] : memref<2x2x16x160x128xi32, #tpu.memory_space<hbm>> -> memref<1x1x1x8x128xi32, #tpu.memory_space<hbm>>
    %dma_start3A_147 = tpu.memref_squeeze %dma_start3A_146 : memref<1x1x1x8x128xi32, #tpu.memory_space<hbm>> -> memref<8x128xi32, #tpu.memory_space<hbm>>
    tpu.enqueue_dma source(%dma_start3A_147 : memref<8x128xi32, #tpu.memory_space<hbm>>) target(%dma_start3A_143 : memref<8x128xi32, #tpu.memory_space<vmem>>) target_semaphore(%arg15 : memref<!tpu.dma_semaphore, #tpu.memory_space<semaphore_mem>>)
    %dma_start3A_148 = arith.constant 1 : i32
    %dma_start3A_149 = arith.constant 8 : i32
    %dma_start3A_150 = arith.constant 0 : i32
    %dma_start3A_151 = tpu.memref_slice %arg8[%dma_start3A_149, %dma_start3A_150] : memref<24x128xi32, #tpu.memory_space<vmem>> -> memref<8x128xi32, #tpu.memory_space<vmem>>
    %dma_start3A_152 = arith.constant 8 : i32
    %dma_start3A_153 = arith.constant 0 : i32
    %dma_start3A_154 = tpu.memref_slice %arg5[%dma_start3A_148, %arg0, %arg1, %dma_start3A_152, %dma_start3A_153] : memref<2x2x16x160x128xi32, #tpu.memory_space<hbm>> -> memref<1x1x1x8x128xi32, #tpu.memory_space<hbm>>
    %dma_start3A_155 = tpu.memref_squeeze %dma_start3A_154 : memref<1x1x1x8x128xi32, #tpu.memory_space<hbm>> -> memref<8x128xi32, #tpu.memory_space<hbm>>
    %dma_start3A_156 = arith.constant 8 : i32
    %dma_start3A_157 = arith.constant 0 : i32
    %dma_start3A_158 = tpu.memref_slice %arg8[%dma_start3A_156, %dma_start3A_157] : memref<24x128xi32, #tpu.memory_space<vmem>> -> memref<8x128xi32, #tpu.memory_space<vmem>>
    %dma_start3A_159 = arith.constant 8 : i32
    %dma_start3A_160 = arith.constant 0 : i32
    %dma_start3A_161 = tpu.memref_slice %arg5[%dma_start3A_148, %arg0, %arg1, %dma_start3A_159, %dma_start3A_160] : memref<2x2x16x160x128xi32, #tpu.memory_space<hbm>> -> memref<1x1x1x8x128xi32, #tpu.memory_space<hbm>>
    %dma_start3A_162 = tpu.memref_squeeze %dma_start3A_161 : memref<1x1x1x8x128xi32, #tpu.memory_space<hbm>> -> memref<8x128xi32, #tpu.memory_space<hbm>>
    tpu.enqueue_dma source(%dma_start3A_162 : memref<8x128xi32, #tpu.memory_space<hbm>>) target(%dma_start3A_158 : memref<8x128xi32, #tpu.memory_space<vmem>>) target_semaphore(%arg15 : memref<!tpu.dma_semaphore, #tpu.memory_space<semaphore_mem>>)
    %dma_start3A_163 = arith.constant 0 : i32
    %dma_start3A_164 = arith.constant 0 : i32
    %dma_start3A_165 = arith.constant 0 : i32
    %dma_start3A_166 = arith.constant 0 : i32
    %dma_start3A_167 = tpu.memref_slice %arg9[%dma_start3A_164, %dma_start3A_165, %dma_start3A_166] : memref<2x128x128xf32, #tpu.memory_space<vmem>> -> memref<1x128x128xf32, #tpu.memory_space<vmem>>
    %dma_start3A_168 = tpu.memref_squeeze %dma_start3A_167 : memref<1x128x128xf32, #tpu.memory_space<vmem>> -> memref<128x128xf32, #tpu.memory_space<vmem>>
    %dma_start3A_169 = arith.constant 0 : i32
    %dma_start3A_170 = tpu.memref_slice %arg7[%dma_start3A_163, %dma_start3A_169] : memref<24x128xi32, #tpu.memory_space<vmem>> -> memref<1x128xi32, #tpu.memory_space<vmem>>
    %dma_start3A_171 = tpu.memref_squeeze %dma_start3A_170 : memref<1x128xi32, #tpu.memory_space<vmem>> -> memref<128xi32, #tpu.memory_space<vmem>>
    %dma_start3A_172 = arith.constant 0 : i32
    %dma_start3A_173 = arith.constant 0 : i32
    %dma_start3A_174 = tpu.memref_slice %arg3[%dma_start3A_172, %dma_start3A_173] : memref<10000x128xf32, #tpu.memory_space<hbm>> -> memref<10000x128xf32, #tpu.memory_space<hbm>>
    tpu.enqueue_indirect_dma source(%dma_start3A_174 : memref<10000x128xf32, #tpu.memory_space<hbm>>) target(%dma_start3A_168 : memref<128x128xf32, #tpu.memory_space<vmem>>) offsets(%dma_start3A_171 : memref<128xi32, #tpu.memory_space<vmem>>) semaphore(%arg11 : memref<!tpu.dma_semaphore, #tpu.memory_space<semaphore_mem>>)
    %scan3A_175 = arith.constant 0 : i32
    %scan3A_176 = arith.constant 0 : i32
    %scan3A_177 = arith.constant 20 : i32
    %scan3A_178 = arith.addi %scan3A_176, %scan3A_177 : i32
    %scan3A_179 = arith.constant 1 : i32
    scf.for %scan3A_205 = %scan3A_176 to %scan3A_178 step %scan3A_179  : i32 {
      %rem3A = arith.constant 3 : i32
      %rem3A_206 = arith.remsi %scan3A_205, %rem3A : i32
      %mul3A_207 = arith.constant 8 : i32
      %mul3A_208 = arith.muli %rem3A_206, %mul3A_207 : i32
      %add3A_209 = arith.constant 1 : i32
      %add3A_210 = arith.addi %scan3A_205, %add3A_209 : i32
      %rem3A_211 = arith.constant 3 : i32
      %rem3A_212 = arith.remsi %add3A_210, %rem3A_211 : i32
      %mul3A_213 = arith.constant 8 : i32
      %mul3A_214 = arith.muli %rem3A_212, %mul3A_213 : i32
      %add3A_215 = arith.constant 2 : i32
      %add3A_216 = arith.addi %scan3A_205, %add3A_215 : i32
      %rem3A_217 = arith.constant 3 : i32
      %rem3A_218 = arith.remsi %add3A_216, %rem3A_217 : i32
      %add3A_219 = arith.constant 0 : i32
      %add3A_220 = arith.addi %mul3A_208, %add3A_219 : i32
      %dma_wait3A_221 = arith.constant 0 : i32
      %dma_wait3A_222 = arith.constant 0 : i32
      %dma_wait3A_223 = arith.constant 0 : i32
      %dma_wait3A_224 = tpu.memref_slice %arg9[%dma_wait3A_221, %dma_wait3A_222, %dma_wait3A_223] : memref<2x128x128xf32, #tpu.memory_space<vmem>> -> memref<1x128x128xf32, #tpu.memory_space<vmem>>
      %dma_wait3A_225 = tpu.memref_squeeze %dma_wait3A_224 : memref<1x128x128xf32, #tpu.memory_space<vmem>> -> memref<128x128xf32, #tpu.memory_space<vmem>>
      %dma_wait3A_226 = arith.constant 0 : i32
      %dma_wait3A_227 = tpu.memref_slice %arg7[%add3A_220, %dma_wait3A_226] : memref<24x128xi32, #tpu.memory_space<vmem>> -> memref<1x128xi32, #tpu.memory_space<vmem>>
      %dma_wait3A_228 = tpu.memref_squeeze %dma_wait3A_227 : memref<1x128xi32, #tpu.memory_space<vmem>> -> memref<128xi32, #tpu.memory_space<vmem>>
      %dma_wait3A_229 = arith.constant 0 : i32
      %dma_wait3A_230 = arith.constant 0 : i32
      %dma_wait3A_231 = tpu.memref_slice %arg3[%dma_wait3A_229, %dma_wait3A_230] : memref<10000x128xf32, #tpu.memory_space<hbm>> -> memref<10000x128xf32, #tpu.memory_space<hbm>>
      tpu.wait_indirect_dma semaphore(%arg11 : memref<!tpu.dma_semaphore, #tpu.memory_space<semaphore_mem>>) src(%dma_wait3A_231 : memref<10000x128xf32, #tpu.memory_space<hbm>>) dst(%dma_wait3A_225 : memref<128x128xf32, #tpu.memory_space<vmem>>)
      %dma_start3A_232 = arith.constant 0 : i32
      %dma_start3A_233 = arith.constant 0 : i32
      %dma_start3A_234 = arith.constant 0 : i32
      %dma_start3A_235 = tpu.memref_slice %arg9[%dma_start3A_232, %dma_start3A_233, %dma_start3A_234] : memref<2x128x128xf32, #tpu.memory_space<vmem>> -> memref<1x128x128xf32, #tpu.memory_space<vmem>>
      %dma_start3A_236 = tpu.memref_squeeze %dma_start3A_235 : memref<1x128x128xf32, #tpu.memory_space<vmem>> -> memref<128x128xf32, #tpu.memory_space<vmem>>
      %dma_start3A_237 = arith.constant 0 : i32
      %dma_start3A_238 = tpu.memref_slice %arg8[%add3A_220, %dma_start3A_237] : memref<24x128xi32, #tpu.memory_space<vmem>> -> memref<1x128xi32, #tpu.memory_space<vmem>>
      %dma_start3A_239 = tpu.memref_squeeze %dma_start3A_238 : memref<1x128xi32, #tpu.memory_space<vmem>> -> memref<128xi32, #tpu.memory_space<vmem>>
      %dma_start3A_240 = arith.constant 0 : i32
      %dma_start3A_241 = arith.constant 0 : i32
      %dma_start3A_242 = tpu.memref_slice %arg10[%dma_start3A_240, %dma_start3A_241] : memref<10112x128xf32, #tpu.memory_space<vmem_shared>> -> memref<10112x128xf32, #tpu.memory_space<vmem_shared>>
      tpu.enqueue_indirect_dma source(%dma_start3A_236 : memref<128x128xf32, #tpu.memory_space<vmem>>) target(%dma_start3A_242 : memref<10112x128xf32, #tpu.memory_space<vmem_shared>>) offsets(%dma_start3A_239 : memref<128xi32, #tpu.memory_space<vmem>>) semaphore(%arg13 : memref<!tpu.dma_semaphore, #tpu.memory_space<semaphore_mem>>) {add = true}
      %gt3A = arith.constant 0 : i32
      %gt3A_243 = arith.cmpi sgt, %scan3A_205, %gt3A : i32
      %convert_element_type3A_244 = arith.extui %gt3A_243 : i1 to i32
      %cond3A_245 = arith.constant 0 : i32
      %cond3A_246 = arith.cmpi ne, %convert_element_type3A_244, %cond3A_245 : i32
      scf.if %cond3A_246 {
        %dma_wait3A_590 = arith.constant 1 : i32
        %dma_wait3A_591 = arith.constant 0 : i32
        %dma_wait3A_592 = arith.constant 0 : i32
        %dma_wait3A_593 = tpu.memref_slice %arg9[%dma_wait3A_590, %dma_wait3A_591, %dma_wait3A_592] : memref<2x128x128xf32, #tpu.memory_space<vmem>> -> memref<1x128x128xf32, #tpu.memory_space<vmem>>
        %dma_wait3A_594 = tpu.memref_squeeze %dma_wait3A_593 : memref<1x128x128xf32, #tpu.memory_space<vmem>> -> memref<128x128xf32, #tpu.memory_space<vmem>>
        %dma_wait3A_595 = arith.constant 0 : i32
        %dma_wait3A_596 = tpu.memref_slice %arg8[%add3A_220, %dma_wait3A_595] : memref<24x128xi32, #tpu.memory_space<vmem>> -> memref<1x128xi32, #tpu.memory_space<vmem>>
        %dma_wait3A_597 = tpu.memref_squeeze %dma_wait3A_596 : memref<1x128xi32, #tpu.memory_space<vmem>> -> memref<128xi32, #tpu.memory_space<vmem>>
        %dma_wait3A_598 = arith.constant 0 : i32
        %dma_wait3A_599 = arith.constant 0 : i32
        %dma_wait3A_600 = tpu.memref_slice %arg10[%dma_wait3A_598, %dma_wait3A_599] : memref<10112x128xf32, #tpu.memory_space<vmem_shared>> -> memref<10112x128xf32, #tpu.memory_space<vmem_shared>>
        tpu.wait_indirect_dma semaphore(%arg14 : memref<!tpu.dma_semaphore, #tpu.memory_space<semaphore_mem>>) src(%dma_wait3A_594 : memref<128x128xf32, #tpu.memory_space<vmem>>) dst(%dma_wait3A_600 : memref<10112x128xf32, #tpu.memory_space<vmem_shared>>)
      } else {
      }
      %add3A_247 = arith.constant 1 : i32
      %add3A_248 = arith.addi %add3A_220, %add3A_247 : i32
      %dma_start3A_249 = arith.constant 1 : i32
      %dma_start3A_250 = arith.constant 0 : i32
      %dma_start3A_251 = arith.constant 0 : i32
      %dma_start3A_252 = tpu.memref_slice %arg9[%dma_start3A_249, %dma_start3A_250, %dma_start3A_251] : memref<2x128x128xf32, #tpu.memory_space<vmem>> -> memref<1x128x128xf32, #tpu.memory_space<vmem>>
      %dma_start3A_253 = tpu.memref_squeeze %dma_start3A_252 : memref<1x128x128xf32, #tpu.memory_space<vmem>> -> memref<128x128xf32, #tpu.memory_space<vmem>>
      %dma_start3A_254 = arith.constant 0 : i32
      %dma_start3A_255 = tpu.memref_slice %arg7[%add3A_248, %dma_start3A_254] : memref<24x128xi32, #tpu.memory_space<vmem>> -> memref<1x128xi32, #tpu.memory_space<vmem>>
      %dma_start3A_256 = tpu.memref_squeeze %dma_start3A_255 : memref<1x128xi32, #tpu.memory_space<vmem>> -> memref<128xi32, #tpu.memory_space<vmem>>
      %dma_start3A_257 = arith.constant 0 : i32
      %dma_start3A_258 = arith.constant 0 : i32
      %dma_start3A_259 = tpu.memref_slice %arg3[%dma_start3A_257, %dma_start3A_258] : memref<10000x128xf32, #tpu.memory_space<hbm>> -> memref<10000x128xf32, #tpu.memory_space<hbm>>
      tpu.enqueue_indirect_dma source(%dma_start3A_259 : memref<10000x128xf32, #tpu.memory_space<hbm>>) target(%dma_start3A_253 : memref<128x128xf32, #tpu.memory_space<vmem>>) offsets(%dma_start3A_256 : memref<128xi32, #tpu.memory_space<vmem>>) semaphore(%arg12 : memref<!tpu.dma_semaphore, #tpu.memory_space<semaphore_mem>>)
      %add3A_260 = arith.constant 1 : i32
      %add3A_261 = arith.addi %mul3A_208, %add3A_260 : i32
      %dma_wait3A_262 = arith.constant 1 : i32
      %dma_wait3A_263 = arith.constant 0 : i32
      %dma_wait3A_264 = arith.constant 0 : i32
      %dma_wait3A_265 = tpu.memref_slice %arg9[%dma_wait3A_262, %dma_wait3A_263, %dma_wait3A_264] : memref<2x128x128xf32, #tpu.memory_space<vmem>> -> memref<1x128x128xf32, #tpu.memory_space<vmem>>
      %dma_wait3A_266 = tpu.memref_squeeze %dma_wait3A_265 : memref<1x128x128xf32, #tpu.memory_space<vmem>> -> memref<128x128xf32, #tpu.memory_space<vmem>>
      %dma_wait3A_267 = arith.constant 0 : i32
      %dma_wait3A_268 = tpu.memref_slice %arg7[%add3A_261, %dma_wait3A_267] : memref<24x128xi32, #tpu.memory_space<vmem>> -> memref<1x128xi32, #tpu.memory_space<vmem>>
      %dma_wait3A_269 = tpu.memref_squeeze %dma_wait3A_268 : memref<1x128xi32, #tpu.memory_space<vmem>> -> memref<128xi32, #tpu.memory_space<vmem>>
      %dma_wait3A_270 = arith.constant 0 : i32
      %dma_wait3A_271 = arith.constant 0 : i32
      %dma_wait3A_272 = tpu.memref_slice %arg3[%dma_wait3A_270, %dma_wait3A_271] : memref<10000x128xf32, #tpu.memory_space<hbm>> -> memref<10000x128xf32, #tpu.memory_space<hbm>>
      tpu.wait_indirect_dma semaphore(%arg12 : memref<!tpu.dma_semaphore, #tpu.memory_space<semaphore_mem>>) src(%dma_wait3A_272 : memref<10000x128xf32, #tpu.memory_space<hbm>>) dst(%dma_wait3A_266 : memref<128x128xf32, #tpu.memory_space<vmem>>)
      %dma_start3A_273 = arith.constant 1 : i32
      %dma_start3A_274 = arith.constant 0 : i32
      %dma_start3A_275 = arith.constant 0 : i32
      %dma_start3A_276 = tpu.memref_slice %arg9[%dma_start3A_273, %dma_start3A_274, %dma_start3A_275] : memref<2x128x128xf32, #tpu.memory_space<vmem>> -> memref<1x128x128xf32, #tpu.memory_space<vmem>>
      %dma_start3A_277 = tpu.memref_squeeze %dma_start3A_276 : memref<1x128x128xf32, #tpu.memory_space<vmem>> -> memref<128x128xf32, #tpu.memory_space<vmem>>
      %dma_start3A_278 = arith.constant 0 : i32
      %dma_start3A_279 = tpu.memref_slice %arg8[%add3A_261, %dma_start3A_278] : memref<24x128xi32, #tpu.memory_space<vmem>> -> memref<1x128xi32, #tpu.memory_space<vmem>>
      %dma_start3A_280 = tpu.memref_squeeze %dma_start3A_279 : memref<1x128xi32, #tpu.memory_space<vmem>> -> memref<128xi32, #tpu.memory_space<vmem>>
      %dma_start3A_281 = arith.constant 0 : i32
      %dma_start3A_282 = arith.constant 0 : i32
      %dma_start3A_283 = tpu.memref_slice %arg10[%dma_start3A_281, %dma_start3A_282] : memref<10112x128xf32, #tpu.memory_space<vmem_shared>> -> memref<10112x128xf32, #tpu.memory_space<vmem_shared>>
      tpu.enqueue_indirect_dma source(%dma_start3A_277 : memref<128x128xf32, #tpu.memory_space<vmem>>) target(%dma_start3A_283 : memref<10112x128xf32, #tpu.memory_space<vmem_shared>>) offsets(%dma_start3A_280 : memref<128xi32, #tpu.memory_space<vmem>>) semaphore(%arg14 : memref<!tpu.dma_semaphore, #tpu.memory_space<semaphore_mem>>) {add = true}
      %dma_wait3A_284 = arith.constant 0 : i32
      %dma_wait3A_285 = arith.constant 0 : i32
      %dma_wait3A_286 = arith.constant 0 : i32
      %dma_wait3A_287 = tpu.memref_slice %arg9[%dma_wait3A_284, %dma_wait3A_285, %dma_wait3A_286] : memref<2x128x128xf32, #tpu.memory_space<vmem>> -> memref<1x128x128xf32, #tpu.memory_space<vmem>>
      %dma_wait3A_288 = tpu.memref_squeeze %dma_wait3A_287 : memref<1x128x128xf32, #tpu.memory_space<vmem>> -> memref<128x128xf32, #tpu.memory_space<vmem>>
      %dma_wait3A_289 = arith.constant 0 : i32
      %dma_wait3A_290 = tpu.memref_slice %arg8[%add3A_261, %dma_wait3A_289] : memref<24x128xi32, #tpu.memory_space<vmem>> -> memref<1x128xi32, #tpu.memory_space<vmem>>
      %dma_wait3A_291 = tpu.memref_squeeze %dma_wait3A_290 : memref<1x128xi32, #tpu.memory_space<vmem>> -> memref<128xi32, #tpu.memory_space<vmem>>
      %dma_wait3A_292 = arith.constant 0 : i32
      %dma_wait3A_293 = arith.constant 0 : i32
      %dma_wait3A_294 = tpu.memref_slice %arg10[%dma_wait3A_292, %dma_wait3A_293] : memref<10112x128xf32, #tpu.memory_space<vmem_shared>> -> memref<10112x128xf32, #tpu.memory_space<vmem_shared>>
      tpu.wait_indirect_dma semaphore(%arg13 : memref<!tpu.dma_semaphore, #tpu.memory_space<semaphore_mem>>) src(%dma_wait3A_288 : memref<128x128xf32, #tpu.memory_space<vmem>>) dst(%dma_wait3A_294 : memref<10112x128xf32, #tpu.memory_space<vmem_shared>>)
      %add3A_295 = arith.constant 1 : i32
      %add3A_296 = arith.addi %add3A_261, %add3A_295 : i32
      %dma_start3A_297 = arith.constant 0 : i32
      %dma_start3A_298 = arith.constant 0 : i32
      %dma_start3A_299 = arith.constant 0 : i32
      %dma_start3A_300 = tpu.memref_slice %arg9[%dma_start3A_297, %dma_start3A_298, %dma_start3A_299] : memref<2x128x128xf32, #tpu.memory_space<vmem>> -> memref<1x128x128xf32, #tpu.memory_space<vmem>>
      %dma_start3A_301 = tpu.memref_squeeze %dma_start3A_300 : memref<1x128x128xf32, #tpu.memory_space<vmem>> -> memref<128x128xf32, #tpu.memory_space<vmem>>
      %dma_start3A_302 = arith.constant 0 : i32
      %dma_start3A_303 = tpu.memref_slice %arg7[%add3A_296, %dma_start3A_302] : memref<24x128xi32, #tpu.memory_space<vmem>> -> memref<1x128xi32, #tpu.memory_space<vmem>>
      %dma_start3A_304 = tpu.memref_squeeze %dma_start3A_303 : memref<1x128xi32, #tpu.memory_space<vmem>> -> memref<128xi32, #tpu.memory_space<vmem>>
      %dma_start3A_305 = arith.constant 0 : i32
      %dma_start3A_306 = arith.constant 0 : i32
      %dma_start3A_307 = tpu.memref_slice %arg3[%dma_start3A_305, %dma_start3A_306] : memref<10000x128xf32, #tpu.memory_space<hbm>> -> memref<10000x128xf32, #tpu.memory_space<hbm>>
      tpu.enqueue_indirect_dma source(%dma_start3A_307 : memref<10000x128xf32, #tpu.memory_space<hbm>>) target(%dma_start3A_301 : memref<128x128xf32, #tpu.memory_space<vmem>>) offsets(%dma_start3A_304 : memref<128xi32, #tpu.memory_space<vmem>>) semaphore(%arg11 : memref<!tpu.dma_semaphore, #tpu.memory_space<semaphore_mem>>)
      %add3A_308 = arith.constant 2 : i32
      %add3A_309 = arith.addi %mul3A_208, %add3A_308 : i32
      %dma_wait3A_310 = arith.constant 0 : i32
      %dma_wait3A_311 = arith.constant 0 : i32
      %dma_wait3A_312 = arith.constant 0 : i32
      %dma_wait3A_313 = tpu.memref_slice %arg9[%dma_wait3A_310, %dma_wait3A_311, %dma_wait3A_312] : memref<2x128x128xf32, #tpu.memory_space<vmem>> -> memref<1x128x128xf32, #tpu.memory_space<vmem>>
      %dma_wait3A_314 = tpu.memref_squeeze %dma_wait3A_313 : memref<1x128x128xf32, #tpu.memory_space<vmem>> -> memref<128x128xf32, #tpu.memory_space<vmem>>
      %dma_wait3A_315 = arith.constant 0 : i32
      %dma_wait3A_316 = tpu.memref_slice %arg7[%add3A_309, %dma_wait3A_315] : memref<24x128xi32, #tpu.memory_space<vmem>> -> memref<1x128xi32, #tpu.memory_space<vmem>>
      %dma_wait3A_317 = tpu.memref_squeeze %dma_wait3A_316 : memref<1x128xi32, #tpu.memory_space<vmem>> -> memref<128xi32, #tpu.memory_space<vmem>>
      %dma_wait3A_318 = arith.constant 0 : i32
      %dma_wait3A_319 = arith.constant 0 : i32
      %dma_wait3A_320 = tpu.memref_slice %arg3[%dma_wait3A_318, %dma_wait3A_319] : memref<10000x128xf32, #tpu.memory_space<hbm>> -> memref<10000x128xf32, #tpu.memory_space<hbm>>
      tpu.wait_indirect_dma semaphore(%arg11 : memref<!tpu.dma_semaphore, #tpu.memory_space<semaphore_mem>>) src(%dma_wait3A_320 : memref<10000x128xf32, #tpu.memory_space<hbm>>) dst(%dma_wait3A_314 : memref<128x128xf32, #tpu.memory_space<vmem>>)
      %dma_start3A_321 = arith.constant 0 : i32
      %dma_start3A_322 = arith.constant 0 : i32
      %dma_start3A_323 = arith.constant 0 : i32
      %dma_start3A_324 = tpu.memref_slice %arg9[%dma_start3A_321, %dma_start3A_322, %dma_start3A_323] : memref<2x128x128xf32, #tpu.memory_space<vmem>> -> memref<1x128x128xf32, #tpu.memory_space<vmem>>
      %dma_start3A_325 = tpu.memref_squeeze %dma_start3A_324 : memref<1x128x128xf32, #tpu.memory_space<vmem>> -> memref<128x128xf32, #tpu.memory_space<vmem>>
      %dma_start3A_326 = arith.constant 0 : i32
      %dma_start3A_327 = tpu.memref_slice %arg8[%add3A_309, %dma_start3A_326] : memref<24x128xi32, #tpu.memory_space<vmem>> -> memref<1x128xi32, #tpu.memory_space<vmem>>
      %dma_start3A_328 = tpu.memref_squeeze %dma_start3A_327 : memref<1x128xi32, #tpu.memory_space<vmem>> -> memref<128xi32, #tpu.memory_space<vmem>>
      %dma_start3A_329 = arith.constant 0 : i32
      %dma_start3A_330 = arith.constant 0 : i32
      %dma_start3A_331 = tpu.memref_slice %arg10[%dma_start3A_329, %dma_start3A_330] : memref<10112x128xf32, #tpu.memory_space<vmem_shared>> -> memref<10112x128xf32, #tpu.memory_space<vmem_shared>>
      tpu.enqueue_indirect_dma source(%dma_start3A_325 : memref<128x128xf32, #tpu.memory_space<vmem>>) target(%dma_start3A_331 : memref<10112x128xf32, #tpu.memory_space<vmem_shared>>) offsets(%dma_start3A_328 : memref<128xi32, #tpu.memory_space<vmem>>) semaphore(%arg13 : memref<!tpu.dma_semaphore, #tpu.memory_space<semaphore_mem>>) {add = true}
      %dma_wait3A_332 = arith.constant 1 : i32
      %dma_wait3A_333 = arith.constant 0 : i32
      %dma_wait3A_334 = arith.constant 0 : i32
      %dma_wait3A_335 = tpu.memref_slice %arg9[%dma_wait3A_332, %dma_wait3A_333, %dma_wait3A_334] : memref<2x128x128xf32, #tpu.memory_space<vmem>> -> memref<1x128x128xf32, #tpu.memory_space<vmem>>
      %dma_wait3A_336 = tpu.memref_squeeze %dma_wait3A_335 : memref<1x128x128xf32, #tpu.memory_space<vmem>> -> memref<128x128xf32, #tpu.memory_space<vmem>>
      %dma_wait3A_337 = arith.constant 0 : i32
      %dma_wait3A_338 = tpu.memref_slice %arg8[%add3A_309, %dma_wait3A_337] : memref<24x128xi32, #tpu.memory_space<vmem>> -> memref<1x128xi32, #tpu.memory_space<vmem>>
      %dma_wait3A_339 = tpu.memref_squeeze %dma_wait3A_338 : memref<1x128xi32, #tpu.memory_space<vmem>> -> memref<128xi32, #tpu.memory_space<vmem>>
      %dma_wait3A_340 = arith.constant 0 : i32
      %dma_wait3A_341 = arith.constant 0 : i32
      %dma_wait3A_342 = tpu.memref_slice %arg10[%dma_wait3A_340, %dma_wait3A_341] : memref<10112x128xf32, #tpu.memory_space<vmem_shared>> -> memref<10112x128xf32, #tpu.memory_space<vmem_shared>>
      tpu.wait_indirect_dma semaphore(%arg14 : memref<!tpu.dma_semaphore, #tpu.memory_space<semaphore_mem>>) src(%dma_wait3A_336 : memref<128x128xf32, #tpu.memory_space<vmem>>) dst(%dma_wait3A_342 : memref<10112x128xf32, #tpu.memory_space<vmem_shared>>)
      %add3A_343 = arith.constant 1 : i32
      %add3A_344 = arith.addi %add3A_309, %add3A_343 : i32
      %dma_start3A_345 = arith.constant 1 : i32
      %dma_start3A_346 = arith.constant 0 : i32
      %dma_start3A_347 = arith.constant 0 : i32
      %dma_start3A_348 = tpu.memref_slice %arg9[%dma_start3A_345, %dma_start3A_346, %dma_start3A_347] : memref<2x128x128xf32, #tpu.memory_space<vmem>> -> memref<1x128x128xf32, #tpu.memory_space<vmem>>
      %dma_start3A_349 = tpu.memref_squeeze %dma_start3A_348 : memref<1x128x128xf32, #tpu.memory_space<vmem>> -> memref<128x128xf32, #tpu.memory_space<vmem>>
      %dma_start3A_350 = arith.constant 0 : i32
      %dma_start3A_351 = tpu.memref_slice %arg7[%add3A_344, %dma_start3A_350] : memref<24x128xi32, #tpu.memory_space<vmem>> -> memref<1x128xi32, #tpu.memory_space<vmem>>
      %dma_start3A_352 = tpu.memref_squeeze %dma_start3A_351 : memref<1x128xi32, #tpu.memory_space<vmem>> -> memref<128xi32, #tpu.memory_space<vmem>>
      %dma_start3A_353 = arith.constant 0 : i32
      %dma_start3A_354 = arith.constant 0 : i32
      %dma_start3A_355 = tpu.memref_slice %arg3[%dma_start3A_353, %dma_start3A_354] : memref<10000x128xf32, #tpu.memory_space<hbm>> -> memref<10000x128xf32, #tpu.memory_space<hbm>>
      tpu.enqueue_indirect_dma source(%dma_start3A_355 : memref<10000x128xf32, #tpu.memory_space<hbm>>) target(%dma_start3A_349 : memref<128x128xf32, #tpu.memory_space<vmem>>) offsets(%dma_start3A_352 : memref<128xi32, #tpu.memory_space<vmem>>) semaphore(%arg12 : memref<!tpu.dma_semaphore, #tpu.memory_space<semaphore_mem>>)
      %add3A_356 = arith.constant 3 : i32
      %add3A_357 = arith.addi %mul3A_208, %add3A_356 : i32
      %dma_wait3A_358 = arith.constant 1 : i32
      %dma_wait3A_359 = arith.constant 0 : i32
      %dma_wait3A_360 = arith.constant 0 : i32
      %dma_wait3A_361 = tpu.memref_slice %arg9[%dma_wait3A_358, %dma_wait3A_359, %dma_wait3A_360] : memref<2x128x128xf32, #tpu.memory_space<vmem>> -> memref<1x128x128xf32, #tpu.memory_space<vmem>>
      %dma_wait3A_362 = tpu.memref_squeeze %dma_wait3A_361 : memref<1x128x128xf32, #tpu.memory_space<vmem>> -> memref<128x128xf32, #tpu.memory_space<vmem>>
      %dma_wait3A_363 = arith.constant 0 : i32
      %dma_wait3A_364 = tpu.memref_slice %arg7[%add3A_357, %dma_wait3A_363] : memref<24x128xi32, #tpu.memory_space<vmem>> -> memref<1x128xi32, #tpu.memory_space<vmem>>
      %dma_wait3A_365 = tpu.memref_squeeze %dma_wait3A_364 : memref<1x128xi32, #tpu.memory_space<vmem>> -> memref<128xi32, #tpu.memory_space<vmem>>
      %dma_wait3A_366 = arith.constant 0 : i32
      %dma_wait3A_367 = arith.constant 0 : i32
      %dma_wait3A_368 = tpu.memref_slice %arg3[%dma_wait3A_366, %dma_wait3A_367] : memref<10000x128xf32, #tpu.memory_space<hbm>> -> memref<10000x128xf32, #tpu.memory_space<hbm>>
      tpu.wait_indirect_dma semaphore(%arg12 : memref<!tpu.dma_semaphore, #tpu.memory_space<semaphore_mem>>) src(%dma_wait3A_368 : memref<10000x128xf32, #tpu.memory_space<hbm>>) dst(%dma_wait3A_362 : memref<128x128xf32, #tpu.memory_space<vmem>>)
      %dma_start3A_369 = arith.constant 1 : i32
      %dma_start3A_370 = arith.constant 0 : i32
      %dma_start3A_371 = arith.constant 0 : i32
      %dma_start3A_372 = tpu.memref_slice %arg9[%dma_start3A_369, %dma_start3A_370, %dma_start3A_371] : memref<2x128x128xf32, #tpu.memory_space<vmem>> -> memref<1x128x128xf32, #tpu.memory_space<vmem>>
      %dma_start3A_373 = tpu.memref_squeeze %dma_start3A_372 : memref<1x128x128xf32, #tpu.memory_space<vmem>> -> memref<128x128xf32, #tpu.memory_space<vmem>>
      %dma_start3A_374 = arith.constant 0 : i32
      %dma_start3A_375 = tpu.memref_slice %arg8[%add3A_357, %dma_start3A_374] : memref<24x128xi32, #tpu.memory_space<vmem>> -> memref<1x128xi32, #tpu.memory_space<vmem>>
      %dma_start3A_376 = tpu.memref_squeeze %dma_start3A_375 : memref<1x128xi32, #tpu.memory_space<vmem>> -> memref<128xi32, #tpu.memory_space<vmem>>
      %dma_start3A_377 = arith.constant 0 : i32
      %dma_start3A_378 = arith.constant 0 : i32
      %dma_start3A_379 = tpu.memref_slice %arg10[%dma_start3A_377, %dma_start3A_378] : memref<10112x128xf32, #tpu.memory_space<vmem_shared>> -> memref<10112x128xf32, #tpu.memory_space<vmem_shared>>
      tpu.enqueue_indirect_dma source(%dma_start3A_373 : memref<128x128xf32, #tpu.memory_space<vmem>>) target(%dma_start3A_379 : memref<10112x128xf32, #tpu.memory_space<vmem_shared>>) offsets(%dma_start3A_376 : memref<128xi32, #tpu.memory_space<vmem>>) semaphore(%arg14 : memref<!tpu.dma_semaphore, #tpu.memory_space<semaphore_mem>>) {add = true}
      %dma_wait3A_380 = arith.constant 0 : i32
      %dma_wait3A_381 = arith.constant 0 : i32
      %dma_wait3A_382 = arith.constant 0 : i32
      %dma_wait3A_383 = tpu.memref_slice %arg9[%dma_wait3A_380, %dma_wait3A_381, %dma_wait3A_382] : memref<2x128x128xf32, #tpu.memory_space<vmem>> -> memref<1x128x128xf32, #tpu.memory_space<vmem>>
      %dma_wait3A_384 = tpu.memref_squeeze %dma_wait3A_383 : memref<1x128x128xf32, #tpu.memory_space<vmem>> -> memref<128x128xf32, #tpu.memory_space<vmem>>
      %dma_wait3A_385 = arith.constant 0 : i32
      %dma_wait3A_386 = tpu.memref_slice %arg8[%add3A_357, %dma_wait3A_385] : memref<24x128xi32, #tpu.memory_space<vmem>> -> memref<1x128xi32, #tpu.memory_space<vmem>>
      %dma_wait3A_387 = tpu.memref_squeeze %dma_wait3A_386 : memref<1x128xi32, #tpu.memory_space<vmem>> -> memref<128xi32, #tpu.memory_space<vmem>>
      %dma_wait3A_388 = arith.constant 0 : i32
      %dma_wait3A_389 = arith.constant 0 : i32
      %dma_wait3A_390 = tpu.memref_slice %arg10[%dma_wait3A_388, %dma_wait3A_389] : memref<10112x128xf32, #tpu.memory_space<vmem_shared>> -> memref<10112x128xf32, #tpu.memory_space<vmem_shared>>
      tpu.wait_indirect_dma semaphore(%arg13 : memref<!tpu.dma_semaphore, #tpu.memory_space<semaphore_mem>>) src(%dma_wait3A_384 : memref<128x128xf32, #tpu.memory_space<vmem>>) dst(%dma_wait3A_390 : memref<10112x128xf32, #tpu.memory_space<vmem_shared>>)
      %add3A_391 = arith.constant 1 : i32
      %add3A_392 = arith.addi %add3A_357, %add3A_391 : i32
      %dma_start3A_393 = arith.constant 0 : i32
      %dma_start3A_394 = arith.constant 0 : i32
      %dma_start3A_395 = arith.constant 0 : i32
      %dma_start3A_396 = tpu.memref_slice %arg9[%dma_start3A_393, %dma_start3A_394, %dma_start3A_395] : memref<2x128x128xf32, #tpu.memory_space<vmem>> -> memref<1x128x128xf32, #tpu.memory_space<vmem>>
      %dma_start3A_397 = tpu.memref_squeeze %dma_start3A_396 : memref<1x128x128xf32, #tpu.memory_space<vmem>> -> memref<128x128xf32, #tpu.memory_space<vmem>>
      %dma_start3A_398 = arith.constant 0 : i32
      %dma_start3A_399 = tpu.memref_slice %arg7[%add3A_392, %dma_start3A_398] : memref<24x128xi32, #tpu.memory_space<vmem>> -> memref<1x128xi32, #tpu.memory_space<vmem>>
      %dma_start3A_400 = tpu.memref_squeeze %dma_start3A_399 : memref<1x128xi32, #tpu.memory_space<vmem>> -> memref<128xi32, #tpu.memory_space<vmem>>
      %dma_start3A_401 = arith.constant 0 : i32
      %dma_start3A_402 = arith.constant 0 : i32
      %dma_start3A_403 = tpu.memref_slice %arg3[%dma_start3A_401, %dma_start3A_402] : memref<10000x128xf32, #tpu.memory_space<hbm>> -> memref<10000x128xf32, #tpu.memory_space<hbm>>
      tpu.enqueue_indirect_dma source(%dma_start3A_403 : memref<10000x128xf32, #tpu.memory_space<hbm>>) target(%dma_start3A_397 : memref<128x128xf32, #tpu.memory_space<vmem>>) offsets(%dma_start3A_400 : memref<128xi32, #tpu.memory_space<vmem>>) semaphore(%arg11 : memref<!tpu.dma_semaphore, #tpu.memory_space<semaphore_mem>>)
      %add3A_404 = arith.constant 4 : i32
      %add3A_405 = arith.addi %mul3A_208, %add3A_404 : i32
      %dma_wait3A_406 = arith.constant 0 : i32
      %dma_wait3A_407 = arith.constant 0 : i32
      %dma_wait3A_408 = arith.constant 0 : i32
      %dma_wait3A_409 = tpu.memref_slice %arg9[%dma_wait3A_406, %dma_wait3A_407, %dma_wait3A_408] : memref<2x128x128xf32, #tpu.memory_space<vmem>> -> memref<1x128x128xf32, #tpu.memory_space<vmem>>
      %dma_wait3A_410 = tpu.memref_squeeze %dma_wait3A_409 : memref<1x128x128xf32, #tpu.memory_space<vmem>> -> memref<128x128xf32, #tpu.memory_space<vmem>>
      %dma_wait3A_411 = arith.constant 0 : i32
      %dma_wait3A_412 = tpu.memref_slice %arg7[%add3A_405, %dma_wait3A_411] : memref<24x128xi32, #tpu.memory_space<vmem>> -> memref<1x128xi32, #tpu.memory_space<vmem>>
      %dma_wait3A_413 = tpu.memref_squeeze %dma_wait3A_412 : memref<1x128xi32, #tpu.memory_space<vmem>> -> memref<128xi32, #tpu.memory_space<vmem>>
      %dma_wait3A_414 = arith.constant 0 : i32
      %dma_wait3A_415 = arith.constant 0 : i32
      %dma_wait3A_416 = tpu.memref_slice %arg3[%dma_wait3A_414, %dma_wait3A_415] : memref<10000x128xf32, #tpu.memory_space<hbm>> -> memref<10000x128xf32, #tpu.memory_space<hbm>>
      tpu.wait_indirect_dma semaphore(%arg11 : memref<!tpu.dma_semaphore, #tpu.memory_space<semaphore_mem>>) src(%dma_wait3A_416 : memref<10000x128xf32, #tpu.memory_space<hbm>>) dst(%dma_wait3A_410 : memref<128x128xf32, #tpu.memory_space<vmem>>)
      %dma_start3A_417 = arith.constant 0 : i32
      %dma_start3A_418 = arith.constant 0 : i32
      %dma_start3A_419 = arith.constant 0 : i32
      %dma_start3A_420 = tpu.memref_slice %arg9[%dma_start3A_417, %dma_start3A_418, %dma_start3A_419] : memref<2x128x128xf32, #tpu.memory_space<vmem>> -> memref<1x128x128xf32, #tpu.memory_space<vmem>>
      %dma_start3A_421 = tpu.memref_squeeze %dma_start3A_420 : memref<1x128x128xf32, #tpu.memory_space<vmem>> -> memref<128x128xf32, #tpu.memory_space<vmem>>
      %dma_start3A_422 = arith.constant 0 : i32
      %dma_start3A_423 = tpu.memref_slice %arg8[%add3A_405, %dma_start3A_422] : memref<24x128xi32, #tpu.memory_space<vmem>> -> memref<1x128xi32, #tpu.memory_space<vmem>>
      %dma_start3A_424 = tpu.memref_squeeze %dma_start3A_423 : memref<1x128xi32, #tpu.memory_space<vmem>> -> memref<128xi32, #tpu.memory_space<vmem>>
      %dma_start3A_425 = arith.constant 0 : i32
      %dma_start3A_426 = arith.constant 0 : i32
      %dma_start3A_427 = tpu.memref_slice %arg10[%dma_start3A_425, %dma_start3A_426] : memref<10112x128xf32, #tpu.memory_space<vmem_shared>> -> memref<10112x128xf32, #tpu.memory_space<vmem_shared>>
      tpu.enqueue_indirect_dma source(%dma_start3A_421 : memref<128x128xf32, #tpu.memory_space<vmem>>) target(%dma_start3A_427 : memref<10112x128xf32, #tpu.memory_space<vmem_shared>>) offsets(%dma_start3A_424 : memref<128xi32, #tpu.memory_space<vmem>>) semaphore(%arg13 : memref<!tpu.dma_semaphore, #tpu.memory_space<semaphore_mem>>) {add = true}
      %dma_wait3A_428 = arith.constant 1 : i32
      %dma_wait3A_429 = arith.constant 0 : i32
      %dma_wait3A_430 = arith.constant 0 : i32
      %dma_wait3A_431 = tpu.memref_slice %arg9[%dma_wait3A_428, %dma_wait3A_429, %dma_wait3A_430] : memref<2x128x128xf32, #tpu.memory_space<vmem>> -> memref<1x128x128xf32, #tpu.memory_space<vmem>>
      %dma_wait3A_432 = tpu.memref_squeeze %dma_wait3A_431 : memref<1x128x128xf32, #tpu.memory_space<vmem>> -> memref<128x128xf32, #tpu.memory_space<vmem>>
      %dma_wait3A_433 = arith.constant 0 : i32
      %dma_wait3A_434 = tpu.memref_slice %arg8[%add3A_405, %dma_wait3A_433] : memref<24x128xi32, #tpu.memory_space<vmem>> -> memref<1x128xi32, #tpu.memory_space<vmem>>
      %dma_wait3A_435 = tpu.memref_squeeze %dma_wait3A_434 : memref<1x128xi32, #tpu.memory_space<vmem>> -> memref<128xi32, #tpu.memory_space<vmem>>
      %dma_wait3A_436 = arith.constant 0 : i32
      %dma_wait3A_437 = arith.constant 0 : i32
      %dma_wait3A_438 = tpu.memref_slice %arg10[%dma_wait3A_436, %dma_wait3A_437] : memref<10112x128xf32, #tpu.memory_space<vmem_shared>> -> memref<10112x128xf32, #tpu.memory_space<vmem_shared>>
      tpu.wait_indirect_dma semaphore(%arg14 : memref<!tpu.dma_semaphore, #tpu.memory_space<semaphore_mem>>) src(%dma_wait3A_432 : memref<128x128xf32, #tpu.memory_space<vmem>>) dst(%dma_wait3A_438 : memref<10112x128xf32, #tpu.memory_space<vmem_shared>>)
      %add3A_439 = arith.constant 1 : i32
      %add3A_440 = arith.addi %add3A_405, %add3A_439 : i32
      %dma_start3A_441 = arith.constant 1 : i32
      %dma_start3A_442 = arith.constant 0 : i32
      %dma_start3A_443 = arith.constant 0 : i32
      %dma_start3A_444 = tpu.memref_slice %arg9[%dma_start3A_441, %dma_start3A_442, %dma_start3A_443] : memref<2x128x128xf32, #tpu.memory_space<vmem>> -> memref<1x128x128xf32, #tpu.memory_space<vmem>>
      %dma_start3A_445 = tpu.memref_squeeze %dma_start3A_444 : memref<1x128x128xf32, #tpu.memory_space<vmem>> -> memref<128x128xf32, #tpu.memory_space<vmem>>
      %dma_start3A_446 = arith.constant 0 : i32
      %dma_start3A_447 = tpu.memref_slice %arg7[%add3A_440, %dma_start3A_446] : memref<24x128xi32, #tpu.memory_space<vmem>> -> memref<1x128xi32, #tpu.memory_space<vmem>>
      %dma_start3A_448 = tpu.memref_squeeze %dma_start3A_447 : memref<1x128xi32, #tpu.memory_space<vmem>> -> memref<128xi32, #tpu.memory_space<vmem>>
      %dma_start3A_449 = arith.constant 0 : i32
      %dma_start3A_450 = arith.constant 0 : i32
      %dma_start3A_451 = tpu.memref_slice %arg3[%dma_start3A_449, %dma_start3A_450] : memref<10000x128xf32, #tpu.memory_space<hbm>> -> memref<10000x128xf32, #tpu.memory_space<hbm>>
      tpu.enqueue_indirect_dma source(%dma_start3A_451 : memref<10000x128xf32, #tpu.memory_space<hbm>>) target(%dma_start3A_445 : memref<128x128xf32, #tpu.memory_space<vmem>>) offsets(%dma_start3A_448 : memref<128xi32, #tpu.memory_space<vmem>>) semaphore(%arg12 : memref<!tpu.dma_semaphore, #tpu.memory_space<semaphore_mem>>)
      %add3A_452 = arith.constant 5 : i32
      %add3A_453 = arith.addi %mul3A_208, %add3A_452 : i32
      %dma_wait3A_454 = arith.constant 1 : i32
      %dma_wait3A_455 = arith.constant 0 : i32
      %dma_wait3A_456 = arith.constant 0 : i32
      %dma_wait3A_457 = tpu.memref_slice %arg9[%dma_wait3A_454, %dma_wait3A_455, %dma_wait3A_456] : memref<2x128x128xf32, #tpu.memory_space<vmem>> -> memref<1x128x128xf32, #tpu.memory_space<vmem>>
      %dma_wait3A_458 = tpu.memref_squeeze %dma_wait3A_457 : memref<1x128x128xf32, #tpu.memory_space<vmem>> -> memref<128x128xf32, #tpu.memory_space<vmem>>
      %dma_wait3A_459 = arith.constant 0 : i32
      %dma_wait3A_460 = tpu.memref_slice %arg7[%add3A_453, %dma_wait3A_459] : memref<24x128xi32, #tpu.memory_space<vmem>> -> memref<1x128xi32, #tpu.memory_space<vmem>>
      %dma_wait3A_461 = tpu.memref_squeeze %dma_wait3A_460 : memref<1x128xi32, #tpu.memory_space<vmem>> -> memref<128xi32, #tpu.memory_space<vmem>>
      %dma_wait3A_462 = arith.constant 0 : i32
      %dma_wait3A_463 = arith.constant 0 : i32
      %dma_wait3A_464 = tpu.memref_slice %arg3[%dma_wait3A_462, %dma_wait3A_463] : memref<10000x128xf32, #tpu.memory_space<hbm>> -> memref<10000x128xf32, #tpu.memory_space<hbm>>
      tpu.wait_indirect_dma semaphore(%arg12 : memref<!tpu.dma_semaphore, #tpu.memory_space<semaphore_mem>>) src(%dma_wait3A_464 : memref<10000x128xf32, #tpu.memory_space<hbm>>) dst(%dma_wait3A_458 : memref<128x128xf32, #tpu.memory_space<vmem>>)
      %dma_start3A_465 = arith.constant 1 : i32
      %dma_start3A_466 = arith.constant 0 : i32
      %dma_start3A_467 = arith.constant 0 : i32
      %dma_start3A_468 = tpu.memref_slice %arg9[%dma_start3A_465, %dma_start3A_466, %dma_start3A_467] : memref<2x128x128xf32, #tpu.memory_space<vmem>> -> memref<1x128x128xf32, #tpu.memory_space<vmem>>
      %dma_start3A_469 = tpu.memref_squeeze %dma_start3A_468 : memref<1x128x128xf32, #tpu.memory_space<vmem>> -> memref<128x128xf32, #tpu.memory_space<vmem>>
      %dma_start3A_470 = arith.constant 0 : i32
      %dma_start3A_471 = tpu.memref_slice %arg8[%add3A_453, %dma_start3A_470] : memref<24x128xi32, #tpu.memory_space<vmem>> -> memref<1x128xi32, #tpu.memory_space<vmem>>
      %dma_start3A_472 = tpu.memref_squeeze %dma_start3A_471 : memref<1x128xi32, #tpu.memory_space<vmem>> -> memref<128xi32, #tpu.memory_space<vmem>>
      %dma_start3A_473 = arith.constant 0 : i32
      %dma_start3A_474 = arith.constant 0 : i32
      %dma_start3A_475 = tpu.memref_slice %arg10[%dma_start3A_473, %dma_start3A_474] : memref<10112x128xf32, #tpu.memory_space<vmem_shared>> -> memref<10112x128xf32, #tpu.memory_space<vmem_shared>>
      tpu.enqueue_indirect_dma source(%dma_start3A_469 : memref<128x128xf32, #tpu.memory_space<vmem>>) target(%dma_start3A_475 : memref<10112x128xf32, #tpu.memory_space<vmem_shared>>) offsets(%dma_start3A_472 : memref<128xi32, #tpu.memory_space<vmem>>) semaphore(%arg14 : memref<!tpu.dma_semaphore, #tpu.memory_space<semaphore_mem>>) {add = true}
      %dma_wait3A_476 = arith.constant 0 : i32
      %dma_wait3A_477 = arith.constant 0 : i32
      %dma_wait3A_478 = arith.constant 0 : i32
      %dma_wait3A_479 = tpu.memref_slice %arg9[%dma_wait3A_476, %dma_wait3A_477, %dma_wait3A_478] : memref<2x128x128xf32, #tpu.memory_space<vmem>> -> memref<1x128x128xf32, #tpu.memory_space<vmem>>
      %dma_wait3A_480 = tpu.memref_squeeze %dma_wait3A_479 : memref<1x128x128xf32, #tpu.memory_space<vmem>> -> memref<128x128xf32, #tpu.memory_space<vmem>>
      %dma_wait3A_481 = arith.constant 0 : i32
      %dma_wait3A_482 = tpu.memref_slice %arg8[%add3A_453, %dma_wait3A_481] : memref<24x128xi32, #tpu.memory_space<vmem>> -> memref<1x128xi32, #tpu.memory_space<vmem>>
      %dma_wait3A_483 = tpu.memref_squeeze %dma_wait3A_482 : memref<1x128xi32, #tpu.memory_space<vmem>> -> memref<128xi32, #tpu.memory_space<vmem>>
      %dma_wait3A_484 = arith.constant 0 : i32
      %dma_wait3A_485 = arith.constant 0 : i32
      %dma_wait3A_486 = tpu.memref_slice %arg10[%dma_wait3A_484, %dma_wait3A_485] : memref<10112x128xf32, #tpu.memory_space<vmem_shared>> -> memref<10112x128xf32, #tpu.memory_space<vmem_shared>>
      tpu.wait_indirect_dma semaphore(%arg13 : memref<!tpu.dma_semaphore, #tpu.memory_space<semaphore_mem>>) src(%dma_wait3A_480 : memref<128x128xf32, #tpu.memory_space<vmem>>) dst(%dma_wait3A_486 : memref<10112x128xf32, #tpu.memory_space<vmem_shared>>)
      %add3A_487 = arith.constant 1 : i32
      %add3A_488 = arith.addi %add3A_453, %add3A_487 : i32
      %dma_start3A_489 = arith.constant 0 : i32
      %dma_start3A_490 = arith.constant 0 : i32
      %dma_start3A_491 = arith.constant 0 : i32
      %dma_start3A_492 = tpu.memref_slice %arg9[%dma_start3A_489, %dma_start3A_490, %dma_start3A_491] : memref<2x128x128xf32, #tpu.memory_space<vmem>> -> memref<1x128x128xf32, #tpu.memory_space<vmem>>
      %dma_start3A_493 = tpu.memref_squeeze %dma_start3A_492 : memref<1x128x128xf32, #tpu.memory_space<vmem>> -> memref<128x128xf32, #tpu.memory_space<vmem>>
      %dma_start3A_494 = arith.constant 0 : i32
      %dma_start3A_495 = tpu.memref_slice %arg7[%add3A_488, %dma_start3A_494] : memref<24x128xi32, #tpu.memory_space<vmem>> -> memref<1x128xi32, #tpu.memory_space<vmem>>
      %dma_start3A_496 = tpu.memref_squeeze %dma_start3A_495 : memref<1x128xi32, #tpu.memory_space<vmem>> -> memref<128xi32, #tpu.memory_space<vmem>>
      %dma_start3A_497 = arith.constant 0 : i32
      %dma_start3A_498 = arith.constant 0 : i32
      %dma_start3A_499 = tpu.memref_slice %arg3[%dma_start3A_497, %dma_start3A_498] : memref<10000x128xf32, #tpu.memory_space<hbm>> -> memref<10000x128xf32, #tpu.memory_space<hbm>>
      tpu.enqueue_indirect_dma source(%dma_start3A_499 : memref<10000x128xf32, #tpu.memory_space<hbm>>) target(%dma_start3A_493 : memref<128x128xf32, #tpu.memory_space<vmem>>) offsets(%dma_start3A_496 : memref<128xi32, #tpu.memory_space<vmem>>) semaphore(%arg11 : memref<!tpu.dma_semaphore, #tpu.memory_space<semaphore_mem>>)
      %add3A_500 = arith.constant 6 : i32
      %add3A_501 = arith.addi %mul3A_208, %add3A_500 : i32
      %dma_wait3A_502 = arith.constant 0 : i32
      %dma_wait3A_503 = arith.constant 0 : i32
      %dma_wait3A_504 = arith.constant 0 : i32
      %dma_wait3A_505 = tpu.memref_slice %arg9[%dma_wait3A_502, %dma_wait3A_503, %dma_wait3A_504] : memref<2x128x128xf32, #tpu.memory_space<vmem>> -> memref<1x128x128xf32, #tpu.memory_space<vmem>>
      %dma_wait3A_506 = tpu.memref_squeeze %dma_wait3A_505 : memref<1x128x128xf32, #tpu.memory_space<vmem>> -> memref<128x128xf32, #tpu.memory_space<vmem>>
      %dma_wait3A_507 = arith.constant 0 : i32
      %dma_wait3A_508 = tpu.memref_slice %arg7[%add3A_501, %dma_wait3A_507] : memref<24x128xi32, #tpu.memory_space<vmem>> -> memref<1x128xi32, #tpu.memory_space<vmem>>
      %dma_wait3A_509 = tpu.memref_squeeze %dma_wait3A_508 : memref<1x128xi32, #tpu.memory_space<vmem>> -> memref<128xi32, #tpu.memory_space<vmem>>
      %dma_wait3A_510 = arith.constant 0 : i32
      %dma_wait3A_511 = arith.constant 0 : i32
      %dma_wait3A_512 = tpu.memref_slice %arg3[%dma_wait3A_510, %dma_wait3A_511] : memref<10000x128xf32, #tpu.memory_space<hbm>> -> memref<10000x128xf32, #tpu.memory_space<hbm>>
      tpu.wait_indirect_dma semaphore(%arg11 : memref<!tpu.dma_semaphore, #tpu.memory_space<semaphore_mem>>) src(%dma_wait3A_512 : memref<10000x128xf32, #tpu.memory_space<hbm>>) dst(%dma_wait3A_506 : memref<128x128xf32, #tpu.memory_space<vmem>>)
      %dma_start3A_513 = arith.constant 0 : i32
      %dma_start3A_514 = arith.constant 0 : i32
      %dma_start3A_515 = arith.constant 0 : i32
      %dma_start3A_516 = tpu.memref_slice %arg9[%dma_start3A_513, %dma_start3A_514, %dma_start3A_515] : memref<2x128x128xf32, #tpu.memory_space<vmem>> -> memref<1x128x128xf32, #tpu.memory_space<vmem>>
      %dma_start3A_517 = tpu.memref_squeeze %dma_start3A_516 : memref<1x128x128xf32, #tpu.memory_space<vmem>> -> memref<128x128xf32, #tpu.memory_space<vmem>>
      %dma_start3A_518 = arith.constant 0 : i32
      %dma_start3A_519 = tpu.memref_slice %arg8[%add3A_501, %dma_start3A_518] : memref<24x128xi32, #tpu.memory_space<vmem>> -> memref<1x128xi32, #tpu.memory_space<vmem>>
      %dma_start3A_520 = tpu.memref_squeeze %dma_start3A_519 : memref<1x128xi32, #tpu.memory_space<vmem>> -> memref<128xi32, #tpu.memory_space<vmem>>
      %dma_start3A_521 = arith.constant 0 : i32
      %dma_start3A_522 = arith.constant 0 : i32
      %dma_start3A_523 = tpu.memref_slice %arg10[%dma_start3A_521, %dma_start3A_522] : memref<10112x128xf32, #tpu.memory_space<vmem_shared>> -> memref<10112x128xf32, #tpu.memory_space<vmem_shared>>
      tpu.enqueue_indirect_dma source(%dma_start3A_517 : memref<128x128xf32, #tpu.memory_space<vmem>>) target(%dma_start3A_523 : memref<10112x128xf32, #tpu.memory_space<vmem_shared>>) offsets(%dma_start3A_520 : memref<128xi32, #tpu.memory_space<vmem>>) semaphore(%arg13 : memref<!tpu.dma_semaphore, #tpu.memory_space<semaphore_mem>>) {add = true}
      %dma_wait3A_524 = arith.constant 1 : i32
      %dma_wait3A_525 = arith.constant 0 : i32
      %dma_wait3A_526 = arith.constant 0 : i32
      %dma_wait3A_527 = tpu.memref_slice %arg9[%dma_wait3A_524, %dma_wait3A_525, %dma_wait3A_526] : memref<2x128x128xf32, #tpu.memory_space<vmem>> -> memref<1x128x128xf32, #tpu.memory_space<vmem>>
      %dma_wait3A_528 = tpu.memref_squeeze %dma_wait3A_527 : memref<1x128x128xf32, #tpu.memory_space<vmem>> -> memref<128x128xf32, #tpu.memory_space<vmem>>
      %dma_wait3A_529 = arith.constant 0 : i32
      %dma_wait3A_530 = tpu.memref_slice %arg8[%add3A_501, %dma_wait3A_529] : memref<24x128xi32, #tpu.memory_space<vmem>> -> memref<1x128xi32, #tpu.memory_space<vmem>>
      %dma_wait3A_531 = tpu.memref_squeeze %dma_wait3A_530 : memref<1x128xi32, #tpu.memory_space<vmem>> -> memref<128xi32, #tpu.memory_space<vmem>>
      %dma_wait3A_532 = arith.constant 0 : i32
      %dma_wait3A_533 = arith.constant 0 : i32
      %dma_wait3A_534 = tpu.memref_slice %arg10[%dma_wait3A_532, %dma_wait3A_533] : memref<10112x128xf32, #tpu.memory_space<vmem_shared>> -> memref<10112x128xf32, #tpu.memory_space<vmem_shared>>
      tpu.wait_indirect_dma semaphore(%arg14 : memref<!tpu.dma_semaphore, #tpu.memory_space<semaphore_mem>>) src(%dma_wait3A_528 : memref<128x128xf32, #tpu.memory_space<vmem>>) dst(%dma_wait3A_534 : memref<10112x128xf32, #tpu.memory_space<vmem_shared>>)
      %add3A_535 = arith.constant 1 : i32
      %add3A_536 = arith.addi %add3A_501, %add3A_535 : i32
      %dma_start3A_537 = arith.constant 1 : i32
      %dma_start3A_538 = arith.constant 0 : i32
      %dma_start3A_539 = arith.constant 0 : i32
      %dma_start3A_540 = tpu.memref_slice %arg9[%dma_start3A_537, %dma_start3A_538, %dma_start3A_539] : memref<2x128x128xf32, #tpu.memory_space<vmem>> -> memref<1x128x128xf32, #tpu.memory_space<vmem>>
      %dma_start3A_541 = tpu.memref_squeeze %dma_start3A_540 : memref<1x128x128xf32, #tpu.memory_space<vmem>> -> memref<128x128xf32, #tpu.memory_space<vmem>>
      %dma_start3A_542 = arith.constant 0 : i32
      %dma_start3A_543 = tpu.memref_slice %arg7[%add3A_536, %dma_start3A_542] : memref<24x128xi32, #tpu.memory_space<vmem>> -> memref<1x128xi32, #tpu.memory_space<vmem>>
      %dma_start3A_544 = tpu.memref_squeeze %dma_start3A_543 : memref<1x128xi32, #tpu.memory_space<vmem>> -> memref<128xi32, #tpu.memory_space<vmem>>
      %dma_start3A_545 = arith.constant 0 : i32
      %dma_start3A_546 = arith.constant 0 : i32
      %dma_start3A_547 = tpu.memref_slice %arg3[%dma_start3A_545, %dma_start3A_546] : memref<10000x128xf32, #tpu.memory_space<hbm>> -> memref<10000x128xf32, #tpu.memory_space<hbm>>
      tpu.enqueue_indirect_dma source(%dma_start3A_547 : memref<10000x128xf32, #tpu.memory_space<hbm>>) target(%dma_start3A_541 : memref<128x128xf32, #tpu.memory_space<vmem>>) offsets(%dma_start3A_544 : memref<128xi32, #tpu.memory_space<vmem>>) semaphore(%arg12 : memref<!tpu.dma_semaphore, #tpu.memory_space<semaphore_mem>>)
      %add3A_548 = arith.constant 7 : i32
      %add3A_549 = arith.addi %mul3A_208, %add3A_548 : i32
      %dma_wait3A_550 = arith.constant 1 : i32
      %dma_wait3A_551 = arith.constant 0 : i32
      %dma_wait3A_552 = arith.constant 0 : i32
      %dma_wait3A_553 = tpu.memref_slice %arg9[%dma_wait3A_550, %dma_wait3A_551, %dma_wait3A_552] : memref<2x128x128xf32, #tpu.memory_space<vmem>> -> memref<1x128x128xf32, #tpu.memory_space<vmem>>
      %dma_wait3A_554 = tpu.memref_squeeze %dma_wait3A_553 : memref<1x128x128xf32, #tpu.memory_space<vmem>> -> memref<128x128xf32, #tpu.memory_space<vmem>>
      %dma_wait3A_555 = arith.constant 0 : i32
      %dma_wait3A_556 = tpu.memref_slice %arg7[%add3A_549, %dma_wait3A_555] : memref<24x128xi32, #tpu.memory_space<vmem>> -> memref<1x128xi32, #tpu.memory_space<vmem>>
      %dma_wait3A_557 = tpu.memref_squeeze %dma_wait3A_556 : memref<1x128xi32, #tpu.memory_space<vmem>> -> memref<128xi32, #tpu.memory_space<vmem>>
      %dma_wait3A_558 = arith.constant 0 : i32
      %dma_wait3A_559 = arith.constant 0 : i32
      %dma_wait3A_560 = tpu.memref_slice %arg3[%dma_wait3A_558, %dma_wait3A_559] : memref<10000x128xf32, #tpu.memory_space<hbm>> -> memref<10000x128xf32, #tpu.memory_space<hbm>>
      tpu.wait_indirect_dma semaphore(%arg12 : memref<!tpu.dma_semaphore, #tpu.memory_space<semaphore_mem>>) src(%dma_wait3A_560 : memref<10000x128xf32, #tpu.memory_space<hbm>>) dst(%dma_wait3A_554 : memref<128x128xf32, #tpu.memory_space<vmem>>)
      %dma_start3A_561 = arith.constant 1 : i32
      %dma_start3A_562 = arith.constant 0 : i32
      %dma_start3A_563 = arith.constant 0 : i32
      %dma_start3A_564 = tpu.memref_slice %arg9[%dma_start3A_561, %dma_start3A_562, %dma_start3A_563] : memref<2x128x128xf32, #tpu.memory_space<vmem>> -> memref<1x128x128xf32, #tpu.memory_space<vmem>>
      %dma_start3A_565 = tpu.memref_squeeze %dma_start3A_564 : memref<1x128x128xf32, #tpu.memory_space<vmem>> -> memref<128x128xf32, #tpu.memory_space<vmem>>
      %dma_start3A_566 = arith.constant 0 : i32
      %dma_start3A_567 = tpu.memref_slice %arg8[%add3A_549, %dma_start3A_566] : memref<24x128xi32, #tpu.memory_space<vmem>> -> memref<1x128xi32, #tpu.memory_space<vmem>>
      %dma_start3A_568 = tpu.memref_squeeze %dma_start3A_567 : memref<1x128xi32, #tpu.memory_space<vmem>> -> memref<128xi32, #tpu.memory_space<vmem>>
      %dma_start3A_569 = arith.constant 0 : i32
      %dma_start3A_570 = arith.constant 0 : i32
      %dma_start3A_571 = tpu.memref_slice %arg10[%dma_start3A_569, %dma_start3A_570] : memref<10112x128xf32, #tpu.memory_space<vmem_shared>> -> memref<10112x128xf32, #tpu.memory_space<vmem_shared>>
      tpu.enqueue_indirect_dma source(%dma_start3A_565 : memref<128x128xf32, #tpu.memory_space<vmem>>) target(%dma_start3A_571 : memref<10112x128xf32, #tpu.memory_space<vmem_shared>>) offsets(%dma_start3A_568 : memref<128xi32, #tpu.memory_space<vmem>>) semaphore(%arg14 : memref<!tpu.dma_semaphore, #tpu.memory_space<semaphore_mem>>) {add = true}
      %dma_wait3A_572 = arith.constant 0 : i32
      %dma_wait3A_573 = arith.constant 0 : i32
      %dma_wait3A_574 = arith.constant 0 : i32
      %dma_wait3A_575 = tpu.memref_slice %arg9[%dma_wait3A_572, %dma_wait3A_573, %dma_wait3A_574] : memref<2x128x128xf32, #tpu.memory_space<vmem>> -> memref<1x128x128xf32, #tpu.memory_space<vmem>>
      %dma_wait3A_576 = tpu.memref_squeeze %dma_wait3A_575 : memref<1x128x128xf32, #tpu.memory_space<vmem>> -> memref<128x128xf32, #tpu.memory_space<vmem>>
      %dma_wait3A_577 = arith.constant 0 : i32
      %dma_wait3A_578 = tpu.memref_slice %arg8[%add3A_549, %dma_wait3A_577] : memref<24x128xi32, #tpu.memory_space<vmem>> -> memref<1x128xi32, #tpu.memory_space<vmem>>
      %dma_wait3A_579 = tpu.memref_squeeze %dma_wait3A_578 : memref<1x128xi32, #tpu.memory_space<vmem>> -> memref<128xi32, #tpu.memory_space<vmem>>
      %dma_wait3A_580 = arith.constant 0 : i32
      %dma_wait3A_581 = arith.constant 0 : i32
      %dma_wait3A_582 = tpu.memref_slice %arg10[%dma_wait3A_580, %dma_wait3A_581] : memref<10112x128xf32, #tpu.memory_space<vmem_shared>> -> memref<10112x128xf32, #tpu.memory_space<vmem_shared>>
      tpu.wait_indirect_dma semaphore(%arg13 : memref<!tpu.dma_semaphore, #tpu.memory_space<semaphore_mem>>) src(%dma_wait3A_576 : memref<128x128xf32, #tpu.memory_space<vmem>>) dst(%dma_wait3A_582 : memref<10112x128xf32, #tpu.memory_space<vmem_shared>>)
      %add3A_583 = arith.constant 1 : i32
      %add3A_584 = arith.addi %scan3A_205, %add3A_583 : i32
      %lt3A_585 = arith.constant 20 : i32
      %lt3A_586 = arith.cmpi slt, %add3A_584, %lt3A_585 : i32
      %convert_element_type3A_587 = arith.extui %lt3A_586 : i1 to i32
      %cond3A_588 = arith.constant 0 : i32
      %cond3A_589 = arith.cmpi ne, %convert_element_type3A_587, %cond3A_588 : i32
      scf.if %cond3A_589 {
        %add3A_590 = arith.constant 1 : i32
        %add3A_591 = arith.addi %scan3A_205, %add3A_590 : i32
        %add3A_592 = arith.constant 1 : i32
        %add3A_593 = arith.addi %scan3A_205, %add3A_592 : i32
        %rem3A_594 = arith.constant 3 : i32
        %rem3A_595 = arith.remsi %add3A_593, %rem3A_594 : i32
        %mul3A_596 = arith.constant 8 : i32
        %mul3A_597 = arith.muli %add3A_591, %mul3A_596 : i32
        %mul3A_598 = arith.constant 8 : i32
        %mul3A_599 = arith.muli %rem3A_595, %mul3A_598 : i32
        %dma_wait3A_600 = arith.constant 1 : i32
        %dma_wait3A_601 = arith.constant 0 : i32
        %dma_wait3A_602 = tpu.memref_slice %arg7[%mul3A_599, %dma_wait3A_601] : memref<24x128xi32, #tpu.memory_space<vmem>> -> memref<8x128xi32, #tpu.memory_space<vmem>>
        %dma_wait3A_603 = arith.constant 0 : i32
        %dma_wait3A_604 = tpu.memref_slice %arg4[%dma_wait3A_600, %arg0, %arg1, %mul3A_597, %dma_wait3A_603] : memref<2x2x16x160x128xi32, #tpu.memory_space<hbm>> -> memref<1x1x1x8x128xi32, #tpu.memory_space<hbm>>
        %dma_wait3A_605 = tpu.memref_squeeze %dma_wait3A_604 : memref<1x1x1x8x128xi32, #tpu.memory_space<hbm>> -> memref<8x128xi32, #tpu.memory_space<hbm>>
        %dma_wait3A_606 = arith.constant 0 : i32
        %dma_wait3A_607 = tpu.memref_slice %arg7[%mul3A_599, %dma_wait3A_606] : memref<24x128xi32, #tpu.memory_space<vmem>> -> memref<8x128xi32, #tpu.memory_space<vmem>>
        %dma_wait3A_608 = arith.constant 0 : i32
        %dma_wait3A_609 = tpu.memref_slice %arg4[%dma_wait3A_600, %arg0, %arg1, %mul3A_597, %dma_wait3A_608] : memref<2x2x16x160x128xi32, #tpu.memory_space<hbm>> -> memref<1x1x1x8x128xi32, #tpu.memory_space<hbm>>
        %dma_wait3A_610 = tpu.memref_squeeze %dma_wait3A_609 : memref<1x1x1x8x128xi32, #tpu.memory_space<hbm>> -> memref<8x128xi32, #tpu.memory_space<hbm>>
        tpu.wait_dma2 semaphore(%arg15 : memref<!tpu.dma_semaphore, #tpu.memory_space<semaphore_mem>>) src(%dma_wait3A_610 : memref<8x128xi32, #tpu.memory_space<hbm>>) dst(%dma_wait3A_607 : memref<8x128xi32, #tpu.memory_space<vmem>>)
        %mul3A_611 = arith.constant 8 : i32
        %mul3A_612 = arith.muli %add3A_591, %mul3A_611 : i32
        %mul3A_613 = arith.constant 8 : i32
        %mul3A_614 = arith.muli %rem3A_595, %mul3A_613 : i32
        %dma_wait3A_615 = arith.constant 1 : i32
        %dma_wait3A_616 = arith.constant 0 : i32
        %dma_wait3A_617 = tpu.memref_slice %arg8[%mul3A_614, %dma_wait3A_616] : memref<24x128xi32, #tpu.memory_space<vmem>> -> memref<8x128xi32, #tpu.memory_space<vmem>>
        %dma_wait3A_618 = arith.constant 0 : i32
        %dma_wait3A_619 = tpu.memref_slice %arg5[%dma_wait3A_615, %arg0, %arg1, %mul3A_612, %dma_wait3A_618] : memref<2x2x16x160x128xi32, #tpu.memory_space<hbm>> -> memref<1x1x1x8x128xi32, #tpu.memory_space<hbm>>
        %dma_wait3A_620 = tpu.memref_squeeze %dma_wait3A_619 : memref<1x1x1x8x128xi32, #tpu.memory_space<hbm>> -> memref<8x128xi32, #tpu.memory_space<hbm>>
        %dma_wait3A_621 = arith.constant 0 : i32
        %dma_wait3A_622 = tpu.memref_slice %arg8[%mul3A_614, %dma_wait3A_621] : memref<24x128xi32, #tpu.memory_space<vmem>> -> memref<8x128xi32, #tpu.memory_space<vmem>>
        %dma_wait3A_623 = arith.constant 0 : i32
        %dma_wait3A_624 = tpu.memref_slice %arg5[%dma_wait3A_615, %arg0, %arg1, %mul3A_612, %dma_wait3A_623] : memref<2x2x16x160x128xi32, #tpu.memory_space<hbm>> -> memref<1x1x1x8x128xi32, #tpu.memory_space<hbm>>
        %dma_wait3A_625 = tpu.memref_squeeze %dma_wait3A_624 : memref<1x1x1x8x128xi32, #tpu.memory_space<hbm>> -> memref<8x128xi32, #tpu.memory_space<hbm>>
        tpu.wait_dma2 semaphore(%arg15 : memref<!tpu.dma_semaphore, #tpu.memory_space<semaphore_mem>>) src(%dma_wait3A_625 : memref<8x128xi32, #tpu.memory_space<hbm>>) dst(%dma_wait3A_622 : memref<8x128xi32, #tpu.memory_space<vmem>>)
        %dma_start3A_626 = arith.constant 0 : i32
        %dma_start3A_627 = arith.constant 0 : i32
        %dma_start3A_628 = arith.constant 0 : i32
        %dma_start3A_629 = tpu.memref_slice %arg9[%dma_start3A_626, %dma_start3A_627, %dma_start3A_628] : memref<2x128x128xf32, #tpu.memory_space<vmem>> -> memref<1x128x128xf32, #tpu.memory_space<vmem>>
        %dma_start3A_630 = tpu.memref_squeeze %dma_start3A_629 : memref<1x128x128xf32, #tpu.memory_space<vmem>> -> memref<128x128xf32, #tpu.memory_space<vmem>>
        %dma_start3A_631 = arith.constant 0 : i32
        %dma_start3A_632 = tpu.memref_slice %arg7[%mul3A_214, %dma_start3A_631] : memref<24x128xi32, #tpu.memory_space<vmem>> -> memref<1x128xi32, #tpu.memory_space<vmem>>
        %dma_start3A_633 = tpu.memref_squeeze %dma_start3A_632 : memref<1x128xi32, #tpu.memory_space<vmem>> -> memref<128xi32, #tpu.memory_space<vmem>>
        %dma_start3A_634 = arith.constant 0 : i32
        %dma_start3A_635 = arith.constant 0 : i32
        %dma_start3A_636 = tpu.memref_slice %arg3[%dma_start3A_634, %dma_start3A_635] : memref<10000x128xf32, #tpu.memory_space<hbm>> -> memref<10000x128xf32, #tpu.memory_space<hbm>>
        tpu.enqueue_indirect_dma source(%dma_start3A_636 : memref<10000x128xf32, #tpu.memory_space<hbm>>) target(%dma_start3A_630 : memref<128x128xf32, #tpu.memory_space<vmem>>) offsets(%dma_start3A_633 : memref<128xi32, #tpu.memory_space<vmem>>) semaphore(%arg11 : memref<!tpu.dma_semaphore, #tpu.memory_space<semaphore_mem>>)
        %add3A_637 = arith.constant 2 : i32
        %add3A_638 = arith.addi %scan3A_205, %add3A_637 : i32
        %lt3A_639 = arith.constant 20 : i32
        %lt3A_640 = arith.cmpi slt, %add3A_638, %lt3A_639 : i32
        %convert_element_type3A_641 = arith.extui %lt3A_640 : i1 to i32
        %cond3A_642 = arith.constant 0 : i32
        %cond3A_643 = arith.cmpi ne, %convert_element_type3A_641, %cond3A_642 : i32
        scf.if %cond3A_643 {
          %add3A_644 = arith.constant 2 : i32
          %add3A_645 = arith.addi %scan3A_205, %add3A_644 : i32
          %mul3A_646 = arith.constant 8 : i32
          %mul3A_647 = arith.muli %add3A_645, %mul3A_646 : i32
          %mul3A_648 = arith.constant 8 : i32
          %mul3A_649 = arith.muli %rem3A_218, %mul3A_648 : i32
          %dma_start3A_650 = arith.constant 1 : i32
          %dma_start3A_651 = arith.constant 0 : i32
          %dma_start3A_652 = tpu.memref_slice %arg7[%mul3A_649, %dma_start3A_651] : memref<24x128xi32, #tpu.memory_space<vmem>> -> memref<8x128xi32, #tpu.memory_space<vmem>>
          %dma_start3A_653 = arith.constant 0 : i32
          %dma_start3A_654 = tpu.memref_slice %arg4[%dma_start3A_650, %arg0, %arg1, %mul3A_647, %dma_start3A_653] : memref<2x2x16x160x128xi32, #tpu.memory_space<hbm>> -> memref<1x1x1x8x128xi32, #tpu.memory_space<hbm>>
          %dma_start3A_655 = tpu.memref_squeeze %dma_start3A_654 : memref<1x1x1x8x128xi32, #tpu.memory_space<hbm>> -> memref<8x128xi32, #tpu.memory_space<hbm>>
          %dma_start3A_656 = arith.constant 0 : i32
          %dma_start3A_657 = tpu.memref_slice %arg7[%mul3A_649, %dma_start3A_656] : memref<24x128xi32, #tpu.memory_space<vmem>> -> memref<8x128xi32, #tpu.memory_space<vmem>>
          %dma_start3A_658 = arith.constant 0 : i32
          %dma_start3A_659 = tpu.memref_slice %arg4[%dma_start3A_650, %arg0, %arg1, %mul3A_647, %dma_start3A_658] : memref<2x2x16x160x128xi32, #tpu.memory_space<hbm>> -> memref<1x1x1x8x128xi32, #tpu.memory_space<hbm>>
          %dma_start3A_660 = tpu.memref_squeeze %dma_start3A_659 : memref<1x1x1x8x128xi32, #tpu.memory_space<hbm>> -> memref<8x128xi32, #tpu.memory_space<hbm>>
          tpu.enqueue_dma source(%dma_start3A_660 : memref<8x128xi32, #tpu.memory_space<hbm>>) target(%dma_start3A_657 : memref<8x128xi32, #tpu.memory_space<vmem>>) target_semaphore(%arg15 : memref<!tpu.dma_semaphore, #tpu.memory_space<semaphore_mem>>)
          %mul3A_661 = arith.constant 8 : i32
          %mul3A_662 = arith.muli %add3A_645, %mul3A_661 : i32
          %mul3A_663 = arith.constant 8 : i32
          %mul3A_664 = arith.muli %rem3A_218, %mul3A_663 : i32
          %dma_start3A_665 = arith.constant 1 : i32
          %dma_start3A_666 = arith.constant 0 : i32
          %dma_start3A_667 = tpu.memref_slice %arg8[%mul3A_664, %dma_start3A_666] : memref<24x128xi32, #tpu.memory_space<vmem>> -> memref<8x128xi32, #tpu.memory_space<vmem>>
          %dma_start3A_668 = arith.constant 0 : i32
          %dma_start3A_669 = tpu.memref_slice %arg5[%dma_start3A_665, %arg0, %arg1, %mul3A_662, %dma_start3A_668] : memref<2x2x16x160x128xi32, #tpu.memory_space<hbm>> -> memref<1x1x1x8x128xi32, #tpu.memory_space<hbm>>
          %dma_start3A_670 = tpu.memref_squeeze %dma_start3A_669 : memref<1x1x1x8x128xi32, #tpu.memory_space<hbm>> -> memref<8x128xi32, #tpu.memory_space<hbm>>
          %dma_start3A_671 = arith.constant 0 : i32
          %dma_start3A_672 = tpu.memref_slice %arg8[%mul3A_664, %dma_start3A_671] : memref<24x128xi32, #tpu.memory_space<vmem>> -> memref<8x128xi32, #tpu.memory_space<vmem>>
          %dma_start3A_673 = arith.constant 0 : i32
          %dma_start3A_674 = tpu.memref_slice %arg5[%dma_start3A_665, %arg0, %arg1, %mul3A_662, %dma_start3A_673] : memref<2x2x16x160x128xi32, #tpu.memory_space<hbm>> -> memref<1x1x1x8x128xi32, #tpu.memory_space<hbm>>
          %dma_start3A_675 = tpu.memref_squeeze %dma_start3A_674 : memref<1x1x1x8x128xi32, #tpu.memory_space<hbm>> -> memref<8x128xi32, #tpu.memory_space<hbm>>
          tpu.enqueue_dma source(%dma_start3A_675 : memref<8x128xi32, #tpu.memory_space<hbm>>) target(%dma_start3A_672 : memref<8x128xi32, #tpu.memory_space<vmem>>) target_semaphore(%arg15 : memref<!tpu.dma_semaphore, #tpu.memory_space<semaphore_mem>>)
        } else {
        }
      } else {
      }
    }
    %scan3A_180 = arith.constant 20 : i32
    %dma_wait3A_181 = arith.constant 1 : i32
    %dma_wait3A_182 = arith.constant 0 : i32
    %dma_wait3A_183 = arith.constant 0 : i32
    %dma_wait3A_184 = arith.constant 0 : i32
    %dma_wait3A_185 = tpu.memref_slice %arg9[%dma_wait3A_181, %dma_wait3A_183, %dma_wait3A_184] : memref<2x128x128xf32, #tpu.memory_space<vmem>> -> memref<1x128x128xf32, #tpu.memory_space<vmem>>
    %dma_wait3A_186 = tpu.memref_squeeze %dma_wait3A_185 : memref<1x128x128xf32, #tpu.memory_space<vmem>> -> memref<128x128xf32, #tpu.memory_space<vmem>>
    %dma_wait3A_187 = arith.constant 0 : i32
    %dma_wait3A_188 = tpu.memref_slice %arg8[%dma_wait3A_182, %dma_wait3A_187] : memref<24x128xi32, #tpu.memory_space<vmem>> -> memref<1x128xi32, #tpu.memory_space<vmem>>
    %dma_wait3A_189 = tpu.memref_squeeze %dma_wait3A_188 : memref<1x128xi32, #tpu.memory_space<vmem>> -> memref<128xi32, #tpu.memory_space<vmem>>
    %dma_wait3A_190 = arith.constant 0 : i32
    %dma_wait3A_191 = arith.constant 0 : i32
    %dma_wait3A_192 = tpu.memref_slice %arg10[%dma_wait3A_190, %dma_wait3A_191] : memref<10112x128xf32, #tpu.memory_space<vmem_shared>> -> memref<10112x128xf32, #tpu.memory_space<vmem_shared>>
    tpu.wait_indirect_dma semaphore(%arg14 : memref<!tpu.dma_semaphore, #tpu.memory_space<semaphore_mem>>) src(%dma_wait3A_186 : memref<128x128xf32, #tpu.memory_space<vmem>>) dst(%dma_wait3A_192 : memref<10112x128xf32, #tpu.memory_space<vmem_shared>>)
    %barrier3A_193 = arith.constant 0 : index
    tpu.barrier barrier_id(%barrier3A_193)
    %mul3A_194 = arith.constant 624 : i32
    %mul3A_195 = arith.muli %arg1, %mul3A_194 : i32
    %mul3A_196 = arith.constant 624 : i32
    %mul3A_197 = arith.muli %arg1, %mul3A_196 : i32
    %run_scoped3A_198 = arith.constant 1 : i32
    "tpu.region"() ({
      %run_scoped3A_205 = tpu.sem_alloc : memref<!tpu.dma_semaphore, #tpu.memory_space<semaphore_mem>>
      %dma_start3A_206 = arith.constant 0 : i32
      %dma_start3A_207 = tpu.memref_slice %arg6[%run_scoped3A_198, %arg0, %mul3A_197, %dma_start3A_206] : memref<2x2x10000x128xf32, #tpu.memory_space<hbm>> -> memref<1x1x624x128xf32, #tpu.memory_space<hbm>>
      %dma_start3A_208 = tpu.memref_squeeze %dma_start3A_207 : memref<1x1x624x128xf32, #tpu.memory_space<hbm>> -> memref<624x128xf32, #tpu.memory_space<hbm>>
      %dma_start3A_209 = arith.constant 0 : i32
      %dma_start3A_210 = tpu.memref_slice %arg10[%mul3A_195, %dma_start3A_209] : memref<10112x128xf32, #tpu.memory_space<vmem_shared>> -> memref<624x128xf32, #tpu.memory_space<vmem_shared>>
      tpu.enqueue_dma source(%dma_start3A_210 : memref<624x128xf32, #tpu.memory_space<vmem_shared>>) target(%dma_start3A_208 : memref<624x128xf32, #tpu.memory_space<hbm>>) target_semaphore(%run_scoped3A_205 : memref<!tpu.dma_semaphore, #tpu.memory_space<semaphore_mem>>)
      %dma_wait3A_211 = arith.constant 0 : i32
      %dma_wait3A_212 = tpu.memref_slice %arg6[%run_scoped3A_198, %arg0, %mul3A_197, %dma_wait3A_211] : memref<2x2x10000x128xf32, #tpu.memory_space<hbm>> -> memref<1x1x624x128xf32, #tpu.memory_space<hbm>>
      %dma_wait3A_213 = tpu.memref_squeeze %dma_wait3A_212 : memref<1x1x624x128xf32, #tpu.memory_space<hbm>> -> memref<624x128xf32, #tpu.memory_space<hbm>>
      %dma_wait3A_214 = arith.constant 0 : i32
      %dma_wait3A_215 = tpu.memref_slice %arg10[%mul3A_195, %dma_wait3A_214] : memref<10112x128xf32, #tpu.memory_space<vmem_shared>> -> memref<624x128xf32, #tpu.memory_space<vmem_shared>>
      tpu.wait_dma2 semaphore(%run_scoped3A_205 : memref<!tpu.dma_semaphore, #tpu.memory_space<semaphore_mem>>) src(%dma_wait3A_215 : memref<624x128xf32, #tpu.memory_space<vmem_shared>>) dst(%dma_wait3A_213 : memref<624x128xf32, #tpu.memory_space<hbm>>)
      tpu.yield
    }) : () -> ()
    %eq3A_199 = arith.constant 15 : i32
    %eq3A_200 = arith.cmpi eq, %arg1, %eq3A_199 : i32
    %convert_element_type3A_201 = arith.extui %eq3A_200 : i1 to i32
    %cond3A_202 = arith.constant 0 : i32
    %cond3A_203 = arith.cmpi ne, %convert_element_type3A_201, %cond3A_202 : i32
    scf.if %cond3A_203 {
      %run_scoped3A_205 = arith.constant 1 : i32
      "tpu.region"() ({
        %run_scoped3A_206 = tpu.sem_alloc : memref<!tpu.dma_semaphore, #tpu.memory_space<semaphore_mem>>
        %dma_start3A_207 = arith.constant 9984 : i32
        %dma_start3A_208 = arith.constant 0 : i32
        %dma_start3A_209 = tpu.memref_slice %arg6[%run_scoped3A_205, %arg0, %dma_start3A_207, %dma_start3A_208] : memref<2x2x10000x128xf32, #tpu.memory_space<hbm>> -> memref<1x1x16x128xf32, #tpu.memory_space<hbm>>
        %dma_start3A_210 = tpu.memref_squeeze %dma_start3A_209 : memref<1x1x16x128xf32, #tpu.memory_space<hbm>> -> memref<16x128xf32, #tpu.memory_space<hbm>>
        %dma_start3A_211 = arith.constant 9984 : i32
        %dma_start3A_212 = arith.constant 0 : i32
        %dma_start3A_213 = tpu.memref_slice %arg10[%dma_start3A_211, %dma_start3A_212] : memref<10112x128xf32, #tpu.memory_space<vmem_shared>> -> memref<16x128xf32, #tpu.memory_space<vmem_shared>>
        tpu.enqueue_dma source(%dma_start3A_213 : memref<16x128xf32, #tpu.memory_space<vmem_shared>>) target(%dma_start3A_210 : memref<16x128xf32, #tpu.memory_space<hbm>>) target_semaphore(%run_scoped3A_206 : memref<!tpu.dma_semaphore, #tpu.memory_space<semaphore_mem>>)
        %dma_wait3A_214 = arith.constant 9984 : i32
        %dma_wait3A_215 = arith.constant 0 : i32
        %dma_wait3A_216 = tpu.memref_slice %arg6[%run_scoped3A_205, %arg0, %dma_wait3A_214, %dma_wait3A_215] : memref<2x2x10000x128xf32, #tpu.memory_space<hbm>> -> memref<1x1x16x128xf32, #tpu.memory_space<hbm>>
        %dma_wait3A_217 = tpu.memref_squeeze %dma_wait3A_216 : memref<1x1x16x128xf32, #tpu.memory_space<hbm>> -> memref<16x128xf32, #tpu.memory_space<hbm>>
        %dma_wait3A_218 = arith.constant 9984 : i32
        %dma_wait3A_219 = arith.constant 0 : i32
        %dma_wait3A_220 = tpu.memref_slice %arg10[%dma_wait3A_218, %dma_wait3A_219] : memref<10112x128xf32, #tpu.memory_space<vmem_shared>> -> memref<16x128xf32, #tpu.memory_space<vmem_shared>>
        tpu.wait_dma2 semaphore(%run_scoped3A_206 : memref<!tpu.dma_semaphore, #tpu.memory_space<semaphore_mem>>) src(%dma_wait3A_220 : memref<16x128xf32, #tpu.memory_space<vmem_shared>>) dst(%dma_wait3A_217 : memref<16x128xf32, #tpu.memory_space<hbm>>)
        tpu.yield
      }) : () -> ()
    } else {
    }
    %barrier3A_204 = arith.constant 0 : index
    tpu.barrier barrier_id(%barrier3A_204)
    return
  }
}

module attributes {stable_mosaic.version = 14 : i64} {
  func.func @_mm_body(%arg0: i32, %arg1: memref<1x1x1000x128xf32, #tpu.memory_space<vmem>>, %arg2: memref<1x1x1000x128xf32, #tpu.memory_space<vmem>>, %arg3: memref<128x128xf32, #tpu.memory_space<vmem>>, %arg4: memref<128x128xf32, #tpu.memory_space<vmem>>, %arg5: memref<1000x128xf32, #tpu.memory_space<vmem>>) attributes {dimension_semantics = [#tpu.dimension_semantics<arbitrary>], iteration_bounds = array<i64: 10>, scalar_prefetch = 0 : i64, scratch_operands = 0 : i64, tpu.core_type = #tpu.core_type<tc>, window_params = [{transform_indices = @transform_0, window_bounds = array<i64: 1, 1, 1000, 128>}, {transform_indices = @transform_1, window_bounds = array<i64: 1, 1, 1000, 128>}, {pipeline_mode = #tpu.pipeline_mode<synchronous>, transform_indices = @transform_2, window_bounds = array<i64: 128, 128>}, {pipeline_mode = #tpu.pipeline_mode<synchronous>, transform_indices = @transform_3, window_bounds = array<i64: 128, 128>}, {transform_indices = @transform_4, window_bounds = array<i64: 1000, 128>}]} {
    %get3A = arith.constant 0 : index
    %get3A_0 = arith.constant 0 : index
    %get3A_1 = arith.constant 0 : index
    %get3A_2 = arith.constant 0 : index
    %get3A_3 = vector.load %arg1[%get3A, %get3A_0, %get3A_1, %get3A_2] : memref<1x1x1000x128xf32, #tpu.memory_space<vmem>>, vector<1x1x1000x128xf32>
    %get3A_4 = vector.shape_cast %get3A_3 : vector<1x1x1000x128xf32> to vector<1000x128xf32>
    %get3A_5 = arith.constant 0 : index
    %get3A_6 = arith.constant 0 : index
    %get3A_7 = vector.load %arg3[%get3A_5, %get3A_6] : memref<128x128xf32, #tpu.memory_space<vmem>>, vector<128x128xf32>
    %dot_general3A = arith.constant dense<0.000000e+00> : vector<1000x128xf32>
    %dot_general3A_8 = tpu.matmul %get3A_4, %get3A_7, %dot_general3A {dimension_numbers = #tpu.dot_dimension_numbers<[1], [0], [0], [1], [0, 0, 1, 1], [], []>, precision = #tpu.contract_precision<fp32>, transpose_lhs_hint = false} : vector<1000x128xf32>, vector<128x128xf32>, vector<1000x128xf32> -> vector<1000x128xf32>
    %get3A_9 = arith.constant 0 : index
    %get3A_10 = arith.constant 0 : index
    %get3A_11 = arith.constant 0 : index
    %get3A_12 = arith.constant 0 : index
    %get3A_13 = vector.load %arg2[%get3A_9, %get3A_10, %get3A_11, %get3A_12] : memref<1x1x1000x128xf32, #tpu.memory_space<vmem>>, vector<1x1x1000x128xf32>
    %get3A_14 = vector.shape_cast %get3A_13 : vector<1x1x1000x128xf32> to vector<1000x128xf32>
    %get3A_15 = arith.constant 0 : index
    %get3A_16 = arith.constant 0 : index
    %get3A_17 = vector.load %arg4[%get3A_15, %get3A_16] : memref<128x128xf32, #tpu.memory_space<vmem>>, vector<128x128xf32>
    %dot_general3A_18 = arith.constant dense<0.000000e+00> : vector<1000x128xf32>
    %dot_general3A_19 = tpu.matmul %get3A_14, %get3A_17, %dot_general3A_18 {dimension_numbers = #tpu.dot_dimension_numbers<[1], [0], [0], [1], [0, 0, 1, 1], [], []>, precision = #tpu.contract_precision<fp32>, transpose_lhs_hint = false} : vector<1000x128xf32>, vector<128x128xf32>, vector<1000x128xf32> -> vector<1000x128xf32>
    %add3A = arith.addf %dot_general3A_8, %dot_general3A_19 : vector<1000x128xf32>
    %swap3A = arith.constant 0 : index
    %swap3A_20 = arith.constant 0 : index
    %swap3A_21 = vector.load %arg5[%swap3A, %swap3A_20] : memref<1000x128xf32, #tpu.memory_space<vmem>>, vector<1000x128xf32>
    tpu.vector_store %arg5[%swap3A, %swap3A_20], %add3A {strides = array<i32>} : memref<1000x128xf32, #tpu.memory_space<vmem>>, vector<1000x128xf32>,
    return
  }
  func.func @transform_0(%arg0: i32) -> (i32, i32, i32, i32) {
    %c0_i32 = arith.constant 0 : i32
    %c1_i32 = arith.constant 1 : i32
    %c0_i32_0 = arith.constant 0 : i32
    %c0_i32_1 = arith.constant 0 : i32
    return %c0_i32, %c1_i32, %arg0, %c0_i32_0 : i32, i32, i32, i32
  }
  func.func @transform_1(%arg0: i32) -> (i32, i32, i32, i32) {
    %c1_i32 = arith.constant 1 : i32
    %c1_i32_0 = arith.constant 1 : i32
    %c0_i32 = arith.constant 0 : i32
    %c0_i32_1 = arith.constant 0 : i32
    return %c1_i32, %c1_i32_0, %arg0, %c0_i32 : i32, i32, i32, i32
  }
  func.func @transform_2(%arg0: i32) -> (i32, i32) {
    %c0_i32 = arith.constant 0 : i32
    %c0_i32_0 = arith.constant 0 : i32
    %c0_i32_1 = arith.constant 0 : i32
    return %c0_i32, %c0_i32_0 : i32, i32
  }
  func.func @transform_3(%arg0: i32) -> (i32, i32) {
    %c0_i32 = arith.constant 0 : i32
    %c0_i32_0 = arith.constant 0 : i32
    %c0_i32_1 = arith.constant 0 : i32
    return %c0_i32, %c0_i32_0 : i32, i32
  }
  func.func @transform_4(%arg0: i32) -> (i32, i32) {
    %c0_i32 = arith.constant 0 : i32
    %c0_i32_0 = arith.constant 0 : i32
    return %arg0, %c0_i32 : i32, i32
  }
}

module attributes {stable_mosaic.version = 14 : i64} {
  func.func @_mm_body(%arg0: i32, %arg1: memref<1x1x1000x128xf32, #tpu.memory_space<vmem>>, %arg2: memref<1x1x1000x128xf32, #tpu.memory_space<vmem>>, %arg3: memref<128x128xf32, #tpu.memory_space<vmem>>, %arg4: memref<128x128xf32, #tpu.memory_space<vmem>>, %arg5: memref<1000x128xf32, #tpu.memory_space<vmem>>) attributes {dimension_semantics = [#tpu.dimension_semantics<arbitrary>], iteration_bounds = array<i64: 10>, scalar_prefetch = 0 : i64, scratch_operands = 0 : i64, tpu.core_type = #tpu.core_type<tc>, window_params = [{transform_indices = @transform_0, window_bounds = array<i64: 1, 1, 1000, 128>}, {transform_indices = @transform_1, window_bounds = array<i64: 1, 1, 1000, 128>}, {pipeline_mode = #tpu.pipeline_mode<synchronous>, transform_indices = @transform_2, window_bounds = array<i64: 128, 128>}, {pipeline_mode = #tpu.pipeline_mode<synchronous>, transform_indices = @transform_3, window_bounds = array<i64: 128, 128>}, {transform_indices = @transform_4, window_bounds = array<i64: 1000, 128>}]} {
    %get3A = arith.constant 0 : index
    %get3A_0 = arith.constant 0 : index
    %get3A_1 = arith.constant 0 : index
    %get3A_2 = arith.constant 0 : index
    %get3A_3 = vector.load %arg1[%get3A, %get3A_0, %get3A_1, %get3A_2] : memref<1x1x1000x128xf32, #tpu.memory_space<vmem>>, vector<1x1x1000x128xf32>
    %get3A_4 = vector.shape_cast %get3A_3 : vector<1x1x1000x128xf32> to vector<1000x128xf32>
    %get3A_5 = arith.constant 0 : index
    %get3A_6 = arith.constant 0 : index
    %get3A_7 = vector.load %arg3[%get3A_5, %get3A_6] : memref<128x128xf32, #tpu.memory_space<vmem>>, vector<128x128xf32>
    %dot_general3A = arith.constant dense<0.000000e+00> : vector<1000x128xf32>
    %dot_general3A_8 = tpu.matmul %get3A_4, %get3A_7, %dot_general3A {dimension_numbers = #tpu.dot_dimension_numbers<[1], [0], [0], [1], [0, 0, 1, 1], [], []>, precision = #tpu.contract_precision<fp32>, transpose_lhs_hint = false} : vector<1000x128xf32>, vector<128x128xf32>, vector<1000x128xf32> -> vector<1000x128xf32>
    %get3A_9 = arith.constant 0 : index
    %get3A_10 = arith.constant 0 : index
    %get3A_11 = arith.constant 0 : index
    %get3A_12 = arith.constant 0 : index
    %get3A_13 = vector.load %arg2[%get3A_9, %get3A_10, %get3A_11, %get3A_12] : memref<1x1x1000x128xf32, #tpu.memory_space<vmem>>, vector<1x1x1000x128xf32>
    %get3A_14 = vector.shape_cast %get3A_13 : vector<1x1x1000x128xf32> to vector<1000x128xf32>
    %get3A_15 = arith.constant 0 : index
    %get3A_16 = arith.constant 0 : index
    %get3A_17 = vector.load %arg4[%get3A_15, %get3A_16] : memref<128x128xf32, #tpu.memory_space<vmem>>, vector<128x128xf32>
    %dot_general3A_18 = arith.constant dense<0.000000e+00> : vector<1000x128xf32>
    %dot_general3A_19 = tpu.matmul %get3A_14, %get3A_17, %dot_general3A_18 {dimension_numbers = #tpu.dot_dimension_numbers<[1], [0], [0], [1], [0, 0, 1, 1], [], []>, precision = #tpu.contract_precision<fp32>, transpose_lhs_hint = false} : vector<1000x128xf32>, vector<128x128xf32>, vector<1000x128xf32> -> vector<1000x128xf32>
    %add3A = arith.addf %dot_general3A_8, %dot_general3A_19 : vector<1000x128xf32>
    %swap3A = arith.constant 0 : index
    %swap3A_20 = arith.constant 0 : index
    %swap3A_21 = vector.load %arg5[%swap3A, %swap3A_20] : memref<1000x128xf32, #tpu.memory_space<vmem>>, vector<1000x128xf32>
    tpu.vector_store %arg5[%swap3A, %swap3A_20], %add3A {strides = array<i32>} : memref<1000x128xf32, #tpu.memory_space<vmem>>, vector<1000x128xf32>,
    return
  }
  func.func @transform_0(%arg0: i32) -> (i32, i32, i32, i32) {
    %c0_i32 = arith.constant 0 : i32
    %c0_i32_0 = arith.constant 0 : i32
    %c0_i32_1 = arith.constant 0 : i32
    %c0_i32_2 = arith.constant 0 : i32
    return %c0_i32, %c0_i32_0, %arg0, %c0_i32_1 : i32, i32, i32, i32
  }
  func.func @transform_1(%arg0: i32) -> (i32, i32, i32, i32) {
    %c1_i32 = arith.constant 1 : i32
    %c0_i32 = arith.constant 0 : i32
    %c0_i32_0 = arith.constant 0 : i32
    %c0_i32_1 = arith.constant 0 : i32
    return %c1_i32, %c0_i32, %arg0, %c0_i32_0 : i32, i32, i32, i32
  }
  func.func @transform_2(%arg0: i32) -> (i32, i32) {
    %c0_i32 = arith.constant 0 : i32
    %c0_i32_0 = arith.constant 0 : i32
    %c0_i32_1 = arith.constant 0 : i32
    return %c0_i32, %c0_i32_0 : i32, i32
  }
  func.func @transform_3(%arg0: i32) -> (i32, i32) {
    %c0_i32 = arith.constant 0 : i32
    %c0_i32_0 = arith.constant 0 : i32
    %c0_i32_1 = arith.constant 0 : i32
    return %c0_i32, %c0_i32_0 : i32, i32
  }
  func.func @transform_4(%arg0: i32) -> (i32, i32) {
    %c0_i32 = arith.constant 0 : i32
    %c0_i32_0 = arith.constant 0 : i32
    return %arg0, %c0_i32 : i32, i32
  }
}

</mosaic_0001>

<sc_bundles>
// kernel: kernel.5.cloned.1.call-start
scs
__scs_entry_jumppad:
0x0: {  	(pc) =	sbr.rel $0x88, $3  }
0x1: {  	(tag) =	ssettag $0x0;
	lr =	simm.s32 $0x1  }
0x2: {  	[smem:$0x3F97] =	sst lr;
	_ =	strace $0xD0000000  }
0x3: {  	_ = 	snop  }
0x4: {  	_ = 	snop  }
0x5: {  	_ = 	snop  }
0x6: {  	_ = 	snop  }
0x7: {  	_ = 	snop  }
__scs_overlays_trampoline_lowered:
0x8: {  	[smem:$0x3FA6] =	sst s0  }
0x9: {  	[smem:$0x3FA7] =	sst s1  }
0xa: {  	[smem:$0x3FA8] =	sst s2  }
0xb: {  	[smem:$0x3FA9] =	sst s3  }
0xc: {  	[smem:$0x3FAA] =	sst s4  }
0xd: {  	[smem:$0x3FAB] =	sst s5  }
0xe: {  	[smem:$0x3FAC] =	sst s6  }
0xf: {  	[smem:$0x3FAD] =	sst s7  }
0x10: {  	[smem:$0x3FAE] =	sst s8  }
0x11: {  	[smem:$0x3FAF] =	sst s9;
	s0 =	simm.s32 @!p0 $0x0  }
0x12: {  	s1 =	sld [smem:$0x3F95];
	s0 =	simm.s32 @p0 $0x1  }
0x13: {  	[smem:$0x3FB0] =	sst s0;
	s0 =	simm.s32 @!p1 $0x0  }
0x14: {  	s2 =	sld [smem:$0x3F94];
	s0 =	simm.s32 @p1 $0x1  }
0x15: {  	[smem:$0x3FB1] =	sst s0;
	s0 =	simm.s32 @!p2 $0x0  }
0x16: {  	s3 =	sld [smem:$0x3FDB];
	s0 =	simm.s32 @p2 $0x1  }
0x17: {  	s4 =	simm.s32 $0x1BF5;
	[smem:$0x3FB3] =	sst s0  }
0x18: {  	s0 =	sld [smem:$0x3F96];
	_ =	swait.ge [sflag:s4], $0x0  }
0x19: {  	s7 =	sld [smem:$0x3F97]  }
0x1a: {  	s8 =	sadd.s32 $0xFFFFE003, lr  }
0x1b: {  	s9 =	sadd.s32 $0xFFFFFEF7, lr;
	s5 =	simm.s32 $0xFFFFFFFF;
	p2 =	slt.u32 s8, $0xFFFFF086  }
0x1c: {  	p1 =	slt.u32 s9, $0xF7A;
	s5 =	simm.s32 @!p2 $0x0  }
0x1d: {  	s5 =	simm.s32 @p1 $0x1;
	p0 =	seq.s32 s7, s2  }
0x1e: {  	s7 =	smul.u32 @!p0 $0xF7A, s2;
	p2 =	seq.s32 @!p0 s5, $0x0  }
0x1f: {  	s9 =	smul.u32 $0xF7A, s1;
	s8 =	simm.s32 @!p0 $0x1BF5;
	p2 =	por !p2, p0  }
0x20: {  	[sflag:s8] =	ssyncset.s32 @!p0 $0xFFFFF086;
	s6 =	sadd.s32 @!p0 s3, s7;
	s7 =	simm.s32 @!p0 $0x108  }
0x21: {  	s3 =	sadd.s32 s3, s9;
	s6 =	sadd.s32 @!p0 $0x88, s6;
	s7 =	simm.s32 @p2 $0x1082  }
0x22: {  	[simem:s7], [sflag:s8] =	dma.local @!p0 [hbm:s6], $0xF7A  }
0x23: {  	s9 =	sor.u32 $0xD0000000, s2;
	s6 =	simm.s32 $0x108;
	_ =	swait.ge @!p0 [sflag:s8], $0x0  }
0x24: {  	s3 =	sadd.s32 $0x88, s3;
	s6 =	simm.s32 @!p1 $0x1082;
	[sflag:s4] =	ssyncset.s32 $0xFFFFF086  }
0x25: {  	[simem:s6], [sflag:s4] =	dma.local [hbm:s3], $0xF7A  }
0x26: {  	[smem:$0x3F97] =	sst s1;
	(tag) =	ssettag s2;
	_ =	strace s9  }
0x27: {  	s1 =	sld [smem:$0x3FA7]  }
0x28: {  	s2 =	sld [smem:$0x3FA8]  }
0x29: {  	s4 =	sld [smem:$0x3FAA]  }
0x2a: {  	p0 =	seq.s32 s5, $0x0;
	s5 =	sld [smem:$0x3FAB]  }
0x2b: {  	s6 =	sld [smem:$0x3FAC]  }
0x2c: {  	s7 =	sld [smem:$0x3FAD]  }
0x2d: {  	s3 =	simm.s32 $0x108;
	s8 =	sld [smem:$0x3FAE]  }
0x2e: {  	s3 =	simm.s32 @!p0 $0x1082;
	s9 =	sld [smem:$0x3FAF]  }
0x2f: {  	lr =	sadd.s32 s0, s3;
	s0 =	sld [smem:$0x3FA6]  }
0x30: {  	s3 =	sld [smem:$0x3FA9]  }
0x31: {  	[smem:$0x3FB2] =	sst s10  }
0x32: {  	s10 =	sld [smem:$0x3FB0];
	_ =	sdelay $0x3  }
0x33: {  	p0 =	seq.s32 s10, $0x1;
	s10 =	sld [smem:$0x3FB2];
	_ =	sdelay $0x3  }
0x34: {  	[smem:$0x3FB2] =	sst s10  }
0x35: {  	s10 =	sld [smem:$0x3FB1];
	_ =	sdelay $0x3  }
0x36: {  	p1 =	seq.s32 s10, $0x1;
	s10 =	sld [smem:$0x3FB2];
	_ =	sdelay $0x3  }
0x37: {  	[smem:$0x3FB2] =	sst s10  }
0x38: {  	s10 =	sld [smem:$0x3FB3]  }
0x39: {  	_ = 	snop;
	(pc) =	sbr.ind lr, $3  }
0x3a: {  	_ = 	snop  }
0x3b: {  	_ = 	snop  }
0x3c: {  	p2 =	seq.s32 s10, $0x1;
	s10 =	sld [smem:$0x3FB2]  }
0x3d: {  	_ =	shalt  }
0x3e: {  	_ =	shalt  }
0x3f: {  	_ =	shalt  }
0x40: {  	_ =	shalt  }
0x41: {  	_ =	shalt  }
0x42: {  	_ =	shalt  }
0x43: {  	_ =	shalt  }
0x44: {  	_ =	shalt  }
0x45: {  	_ =	shalt  }
0x46: {  	_ =	shalt  }
0x47: {  	_ =	shalt  }
0x48: {  	_ =	shalt  }
0x49: {  	_ =	shalt  }
0x4a: {  	_ =	shalt  }
0x4b: {  	_ =	shalt  }
0x4c: {  	_ =	shalt  }
0x4d: {  	_ =	shalt  }
0x4e: {  	_ =	shalt  }
0x4f: {  	_ =	shalt  }
0x50: {  	_ =	shalt  }
0x51: {  	_ =	shalt  }
0x52: {  	_ =	shalt  }
0x53: {  	_ =	shalt  }
0x54: {  	_ =	shalt  }
0x55: {  	_ =	shalt  }
0x56: {  	_ =	shalt  }
0x57: {  	_ =	shalt  }
0x58: {  	_ =	shalt  }
0x59: {  	_ =	shalt  }
0x5a: {  	_ =	shalt  }
0x5b: {  	_ =	shalt  }
0x5c: {  	_ =	shalt  }
0x5d: {  	_ =	shalt  }
0x5e: {  	_ =	shalt  }
0x5f: {  	_ =	shalt  }
0x60: {  	_ =	shalt  }
0x61: {  	_ =	shalt  }
0x62: {  	_ =	shalt  }
0x63: {  	_ =	shalt  }
0x64: {  	_ =	shalt  }
0x65: {  	_ =	shalt  }
0x66: {  	_ =	shalt  }
0x67: {  	_ =	shalt  }
0x68: {  	_ =	shalt  }
0x69: {  	_ =	shalt  }
0x6a: {  	_ =	shalt  }
0x6b: {  	_ =	shalt  }
0x6c: {  	_ =	shalt  }
0x6d: {  	_ =	shalt  }
0x6e: {  	_ =	shalt  }
0x6f: {  	_ =	shalt  }
0x70: {  	_ =	shalt  }
0x71: {  	_ =	shalt  }
0x72: {  	_ =	shalt  }
0x73: {  	_ =	shalt  }
0x74: {  	_ =	shalt  }
0x75: {  	_ =	shalt  }
0x76: {  	_ =	shalt  }
0x77: {  	_ =	shalt  }
0x78: {  	_ =	shalt  }
0x79: {  	_ =	shalt  }
0x7a: {  	_ =	shalt  }
0x7b: {  	_ =	shalt  }
0x7c: {  	_ =	shalt  }
0x7d: {  	_ =	shalt  }
0x7e: {  	_ =	shalt  }
0x7f: {  	_ =	shalt  }
0x80: {  	_ =	shalt  }
0x81: {  	_ =	shalt  }
0x82: {  	_ =	shalt  }
0x83: {  	_ =	shalt  }
0x84: {  	_ =	shalt  }
0x85: {  	_ =	shalt  }
0x86: {  	_ =	shalt  }
0x87: {  	_ =	shalt  }
.Lfunc_end0:
.L_simem_size_0:
called_computation_lowered:
.L_overlay_start_0:
0x88: {  	s2 =	sld [smem:$0x3FD9]  }
0x89: {  	s3 =	sld [smem:$0x3FFE];
	_ =	sdelay $0x1  }
0x8a: {  	s1 =	srdreg.scid  }
0x8b: {  	s0 =	sand.u32 $0x1, s1  }
0x8c: {  	s17 =	sshll.u32 s0, $0xA;
	s2 =	sadd.s32 s3, s2  }
0x8d: {  	s2 =	sadd.s32 s2, s17  }
0x8e: {  	[smem:$0x3FBE] =	sst s2  }
0x8f: {  	_ = 	snop  }
0x90: {  	s2 =	sld [smem:$0x3FC9]  }
0x91: {  	s18 =	sld [smem:$0x3FC8];
	(tm) =	ssettm $0x1  }
0x92: {  	s4 =	sld [smem:$0x3FFB];
	_ =	sdelay $0x3  }
0x93: {  	_ =	strace s4  }
0x94: {  	s4 =	sld [smem:$0x3FFC];
	_ =	sdelay $0x3  }
0x95: {  	_ =	strace s4  }
0x96: {  	s4 =	sld [smem:$0x3FFD];
	_ =	sdelay $0x3  }
0x97: {  	_ =	strace s4  }
0x98: {  	_ =	strace $0x8FFFFFFF  }
0x99: {  	s19 =	sld [smem:$0x3FDB];
	_ =	sdelay $0x1  }
0x9a: {  	s5 =	simm.s32 $_scs_section_size  }
0x9b: {  	s6 =	simm.s32 $_size__tile_overlayer_lowered;
	s7 =	simm.s32 $_tile_overlayer_lowered  }
0x9c: {  	s22 =	simm.s32 $0x1BFF;
	s21 =	sshll.u32 s7, $0x1;
	s4 =	sadd.s32 s5, s19  }
0x9d: {  	s8 =	simm.s32 $0x0;
	s20 =	sshll.u32 s6, $0x1;
	s6 =	sadd.s32 s21, s4  }
0x9e: {  	[timem:s8], [sflag:s22] =	dma.local [hbm:s6], s20  }
0x9f: {  	_ =	swait.ge [sflag:s22], s20  }
0xa0: {  	s5 =	ssub.s32 $0x0, s20;
	[sflag:s22] =	ssyncset.done $0x0  }
0xa1: {  	[sflag:s22] =	ssyncadd.s32 s5;
	_ =	sdelay $0x1  }
0xa2: {  	s23 =	simm.s32 $0x1B8B  }
0xa3: {  	_ =	swait.ge [sflag:s23], $0x1  }
0xa4: {  	[sflag:s23] =	ssyncset.done $0x0  }
0xa5: {  	s25 =	simm.s32 $0x1B8E;
	s24 =	sld [smem:$0x3FFE];
	[sflag:s23] =	ssyncadd.s32 $0xFFFFFFFF  }
0xa6: {  	s26 =	simm.s32 $execute0_lowered;
	[smem:$0x3FD2] =	sst s25  }
0xa7: {  	s6 =	sshll.u32 s26, $0x1;
	_ =	strace $0x80000046;
	[dreg:$0x1] =	wrdreg $0xFFFFFFFF  }
0xa8: {  	s28 =	simm.s32 $_size_execute0_lowered;
	s4 =	sadd.s32 s4, s6;
	[dreg:$0x0] =	wrdreg $0x0  }
0xa9: {  	s6 =	sshll.u32 s28, $0x1;
	[dreg:$0x2] =	wrdreg s4  }
0xaa: {  	[dreg:$0x3] =	wrdreg s6  }
0xab: {  	[dreg:$0x4] =	wrdreg $0xC0  }
0xac: {  	_ =	task [dreg:s8], $0x5FFFF  }
0xad: {  	[dreg:$0x1] =	wrdreg $0xFFFFFFFF  }
0xae: {  	[dreg:$0x0] =	wrdreg $0x60  }
0xaf: {  	[dreg:$0x2] =	wrdreg s2  }
0xb0: {  	[dreg:$0x3] =	wrdreg s18  }
0xb1: {  	[dreg:$0x4] =	wrdreg s24  }
0xb2: {  	[dreg:$0x5] =	wrdreg $0x98000  }
0xb3: {  	[dreg:$0x6] =	wrdreg $0x9  }
0xb4: {  	_ =	task.clear_ibuf [dreg:s8], $0x7FFFF;
	_ =	strace $0x90000046  }
0xb5: {  	s29 =	simm.s32 $0x9;
	_ =	strace $0x80000048  }
0xb6: {  	_ =	swait.ge [sflag:s29], $0x1  }
0xb7: {  	[sflag:s29] =	ssyncadd.s32 $0xFFFFFFFF  }
0xb8: {  	_ =	strace $0x90000048  }
0xb9: {  	_ =	sfence  }
0xba: {  	s30 =	sld [smem:$0x0];
	_ =	sdelay $0x2  }
0xbb: {  	s31 =	sshll.u32 s1, $0xD;
	s1 =	sshrl.u32 s1, $0x2  }
0xbc: {  	s3 =	sand.u32 $0x4000, s31;
	s1 =	sadd.s32 s1, s30  }
0xbd: {  	s0 =	sor.u32 s3, s0;
	s1 =	sshll.u32 s1, $0x11  }
0xbe: {  	s0 =	sor.u32 s1, s0  }
0xbf: {  	s0 =	sadd.s32 $0x8F2B, s0  }
0xc0: {  	[sflag:s0] =	ssyncadd.remote.s32 $0x1  }
0xc1: {  	_ =	sfence.sel $0xFFFF  }
0xc2: {  	[dreg:$0x0] =	wrdreg $0xFFFFFFFF;
	(pc) =	sbr.abs _section_cstart, $3  }
0xc3: {  	[dreg:$0x1] =	wrdreg $0xFFFFFFFF  }
0xc4: {  	_ =	task.clear_ibuf [dreg:s8], $0x2FFFF;
	_ =	strace $0x9FFFFFFF  }
0xc5: {  	(tm) =	ssettm $0x7FFFFFFF  }
tec
execute0_lowered:
.L_overlay_start_1:
0x0: {  	(tag) =	ssettag $0x1  }
0x1: {  	s1 =	rddreg [dreg:$0x0]  }
0x2: {  	s2 =	rddreg [dreg:$0x1]  }
0x3: {  	s0 =	rddreg [dreg:$0x2]  }
0x4: {  	s3 =	rddreg [dreg:$0x3];
	s4 =	simm.s32 $0x0;
	s5 =	srdreg.scid  }
0x5: {  	s17 =	stileid.u32;
	s31 =	simm.s32 $0x1800;
	[smem:$0x7FF] =	sst s4  }
0x6: {  	s5 =	sand.u32 $0x1, s5;
	s9 =	sadd.s32 $0x28000, s0;
	s10 =	smul.u32 $0x5000, s17  }
0x7: {  	s11 =	sadd.s32 $0x50000, s0;
	s24 =	sshll.u32 s17, $0xE;
	s14 =	smul.u32 $0x13800, s17  }
0x8: {  	s16 =	smul.u32 $0x4E000, s17;
	p0 =	seq.s32 s17, $0xF;
	p1 =	sne.s32 s17, $0xF  }
0x9: {  	s29 =	sadd.s32 $0x138000, s3;
	s6 =	ssub.s32 $0x2, s5;
	s7 =	smul.u32 $0x50000, s5  }
0xa: {  	s17 =	simm.s32 $0x4;
	s5 =	smul.u32 $0x138800, s5;
	s8 =	sshrl.u32 s6, $0x1  }
0xb: {  	_ =	strace $0x80000047;
	s16 =	sshrl.u32 s16, $0x2;
	s12 =	ssub.s32 s6, s8  }
0xc: {  	s6 =	sadd.s32 s24, s3;
	s10 =	sadd.s32 s10, s7;
	s14 =	sadd.s32 s14, s5  }
0xd: {  	s5 =	sshrl.u32 s5, $0x3;
	s7 =	sadd.s32 $0x40000, s6;
	s13 =	sshrl.u32 s10, $0x3  }
0xe: {  	s8 =	sadd.s32 $0x80000, s6;
	s14 =	sshrl.u32 s14, $0x3;
	s5 =	sadd.s32 s11, s5  }
0xf: {  	s21 =	sor.u32 $0x800, s10;
	s10 =	sadd.s32 $0xA0800, s10;
	s15 =	sadd.s32 s9, s13  }
0x10: {  	s28 =	sadd.s32 $0x100000, s6;
	s25 =	sadd.s32 s0, s13;
	[dreg:$0x5] =	wrdreg s15  }
0x11: {  	s26 =	sor.u32 $0x80, s13;
	s24 =	sadd.s32 $0x27000, s5;
	[dreg:$0x6] =	wrdreg s25  }
0x12: {  	s20 =	sadd.s32 $0x14080, s13;
	s18 =	sadd.s32 s9, s26;
	[dreg:$0x12] =	wrdreg s24  }
0x13: {  	s10 =	sshrl.u32 s10, $0x3;
	s15 =	sadd.s32 s0, s26;
	[dreg:$0x7] =	wrdreg s18  }
0x14: {  	s22 =	sshrl.u32 s21, $0x3;
	s23 =	sadd.s32 s10, s9;
	[dreg:$0x8] =	wrdreg s15  }
0x15: {  	s25 =	sadd.s32 $0x75200, s5;
	s26 =	smax.u32 s12, $0x1;
	[dreg:$0x11] =	wrdreg s23  }
0x16: {  	s12 =	simm.s32 $0x1;
	s15 =	sadd.s32 s11, s14;
	[dreg:$0x13] =	wrdreg s25  }
0x17: {  	s14 =	sadd.s32 s16, s3;
	s18 =	sadd.s32 $0x14000, s13;
	[dreg:$0x14] =	wrdreg s26  }
0x18: {  	s13 =	sadd.s32 s9, s20;
	s26 =	sadd.s32 $0xC0000, s6;
	[dreg:$0x9] =	wrdreg s14  }
0x19: {  	s16 =	simm.s32 $0x3;
	s19 =	sadd.s32 s9, s18;
	[dreg:$0xc] =	wrdreg s13  }
0x1a: {  	s11 =	sadd.s32 s0, s18;
	s13 =	sadd.s32 s22, s0;
	[dreg:$0xa] =	wrdreg s19  }
0x1b: {  	s30 =	sadd.s32 $0x4E200, s15;
	s14 =	simm.s32 $0x5800;
	[dreg:$0xb] =	wrdreg s11  }
0x1c: {  	s11 =	sadd.s32 s0, s20;
	[dreg:$0xe] =	wrdreg s13;
	s0 =	sadd.s32 s10, s0  }
0x1d: {  	s10 =	smov.u32 s15;
	s19 =	simm.s32 $0xC00;
	[dreg:$0xd] =	wrdreg s11  }
0x1e: {  	s15 =	simm.s32 $0x2;
	s11 =	sadd.s32 s22, s9;
	[dreg:$0x10] =	wrdreg s0  }
0x1f: {  	v0 =	vimm.f32 $0.0e+00;
	s0 =	simm.s32 $0x6;
	[dreg:$0xf] =	wrdreg s11;
	s11 =	simm.s32 $0x80  }
.LBB2_1:
0x20: {  	s13 =	simm.s32 $0x0;
	s18 =	simm.s32 $0x200  }
.LBB2_2:
0x21: {  	p2 =	sne.s32 s18, $0xFE00;
	[tilespmem:s13+$0x1870] =	vst v0  }
0x22: {  	[tilespmem:s13+$0x1800] =	vst v0  }
0x23: {  	[tilespmem:s13+$0x1810] =	vst v0  }
.Ltmp0:
0x24: {  	[tilespmem:s13+$0x1820] =	vst v0;
	(pc) =	sbr.rel @p2 .LBB2_2-.Ltmp0, $4  }
0x25: {  	[tilespmem:s13+$0x1830] =	vst v0  }
0x26: {  	[tilespmem:s13+$0x1840] =	vst v0  }
0x27: {  	[tilespmem:s13+$0x1850] =	vst v0  }
0x28: {  	[tilespmem:s13+$0x1860] =	vst v0;
	s13 =	sshra.s32 s18, $0x2;
	s18 =	sadd.s32 $0x200, s18  }
0x29: {  	[tilespmem:s13+$0x1870] =	vst v0  }
0x2a: {  	[tilespmem:s13+$0x1800] =	vst v0  }
0x2b: {  	[tilespmem:s13+$0x1810] =	vst v0  }
0x2c: {  	[tilespmem:s13+$0x1820] =	vst v0  }
0x2d: {  	[tilespmem:s13+$0x1830] =	vst v0  }
0x2e: {  	[tilespmem:s13+$0x1840] =	vst v0  }
0x2f: {  	[tilespmem:s13+$0x1850] =	vst v0  }
0x30: {  	[tilespmem:s13+$0x1860] =	vst v0  }
0x31: {  	[spmem:s6] =	stream.linear.scatter [tilespmem:s31], [sflag:$0x6], $0x4000, $0x38;
	[tilespmem:$0x1D400] =	vst v63  }
0x32: {  	_ =	swait.ge [sflag:s0], $0x4000  }
0x33: {  	[sflag:s0] =	ssyncset.done $0x0  }
0x34: {  	[sflag:s0] =	ssyncadd.s32 $0xFFFFC000  }
0x35: {  	[spmem:s7] =	stream.linear.scatter [tilespmem:s31], [sflag:$0x6], $0x4000, $0x38;
	[tilespmem:$0x1D400] =	vst v63  }
0x36: {  	_ =	swait.ge [sflag:s0], $0x4000  }
0x37: {  	[sflag:s0] =	ssyncset.done $0x0  }
0x38: {  	[sflag:s0] =	ssyncadd.s32 $0xFFFFC000  }
0x39: {  	[spmem:s8] =	stream.linear.scatter [tilespmem:s31], [sflag:$0x6], $0x4000, $0x38;
	[tilespmem:$0x1D400] =	vst v63  }
0x3a: {  	_ =	swait.ge [sflag:s0], $0x4000  }
0x3b: {  	[sflag:s0] =	ssyncset.done $0x0  }
0x3c: {  	[sflag:s0] =	ssyncadd.s32 $0xFFFFC000  }
0x3d: {  	[spmem:s26] =	stream.linear.scatter [tilespmem:s31], [sflag:$0x6], $0x4000, $0x38;
	[tilespmem:$0x1D400] =	vst v63  }
0x3e: {  	_ =	swait.ge [sflag:s0], $0x4000  }
0x3f: {  	[sflag:s0] =	ssyncset.done $0x0  }
0x40: {  	s13 =	simm.s32 @!p0 $0x1800;
	[sflag:s0] =	ssyncadd.s32 $0xFFFFC000  }
0x41: {  	[spmem:s28] =	stream.linear.scatter @!p0 [tilespmem:s13], [sflag:$0x6], $0x4000, $0x38;
	[tilespmem:$0x1D400] =	vst v63  }
0x42: {  	s13 =	simm.s32 @!p0 $0x6  }
0x43: {  	_ =	swait.ge @!p0 [sflag:s13], $0x4000  }
0x44: {  	[sflag:s13] =	ssyncset.done @!p0 $0x0  }
0x45: {  	[sflag:s13] =	ssyncadd.s32 @!p0 $0xFFFFC000  }
0x46: {  	[bflag:$0x0] =	sbarrier.arrive $0xFFFF  }
0x47: {  	s18 =	simm.s32 $0x0;
	s5 =	rddreg [dreg:$0x5]  }
0x48: {  	[tilespmem:s18], [sflag:$0x6] =	stream.linear.gather [hbm4b:s5+s18], $0x400, $0x38;
	[tilespmem:$0x1D400] =	vst v63  }
0x49: {  	_ =	swait.ge [sflag:s0], $0x400  }
0x4a: {  	[sflag:s0] =	ssyncset.done $0x0  }
0x4b: {  	s22 =	rddreg [dreg:$0x6];
	[sflag:s0] =	ssyncadd.s32 $0xFFFFFC00  }
0x4c: {  	[tilespmem:s19], [sflag:$0x6] =	stream.linear.gather [hbm4b:s22+s18], $0x400, $0x38;
	[tilespmem:$0x1D400] =	vst v63  }
0x4d: {  	_ =	swait.ge [sflag:s0], $0x400  }
0x4e: {  	[sflag:s0] =	ssyncset.done $0x0;
	s23 =	rddreg [dreg:$0x7]  }
0x4f: {  	s9 =	simm.s32 $0x400;
	s24 =	rddreg [dreg:$0x8];
	[sflag:s0] =	ssyncadd.s32 $0xFFFFFC00  }
0x50: {  	[tilespmem:s9], [sflag:$0x5] =	stream.linear.gather [hbm4b:s23+s18], $0x400, $0x38;
	[tilespmem:$0x1D400] =	vst v63  }
0x51: {  	s25 =	simm.s32 $0x1000;
	s13 =	rddreg [dreg:$0xf]  }
0x52: {  	[tilespmem:s25], [sflag:$0x5] =	stream.linear.gather [hbm4b:s24+s18], $0x400, $0x38;
	[tilespmem:$0x1D400] =	vst v63  }
0x53: {  	s22 =	rddreg [dreg:$0xe]  }
0x54: {  	[tilespmem:s31], [sflag:$0x1] =	stream.indirect.gather [hbm4b:s1+s11], $0x80, s18, s11, $0xb8;
	[tilespmem:$0x1D400] =	vst v63  }
.LBB2_4:
0x55: {  	s21 =	smul.u32 $0xAB, s18;
	_ =	sdelay $0x1  }
0x56: {  	s20 =	sshrl.u32 s21, $0x9  }
0x57: {  	s20 =	sand.u32 $0x7F, s20  }
0x58: {  	s20 =	smul.u32 $0x3, s20;
	_ =	sdelay $0x1  }
0x59: {  	s20 =	ssub.s32 s18, s20  }
0x5a: {  	_ =	swait.ge [sflag:s12], $0x4000;
	s20 =	sand.u32 $0xFF, s20  }
0x5b: {  	[sflag:s12] =	ssyncset.done $0x0;
	s23 =	sshll.u32 s20, $0xA  }
0x5c: {  	p2 =	seq.s32 s18, $0x0;
	[sflag:s12] =	ssyncadd.s32 $0xFFFFC000;
	s20 =	sadd.s32 $0xC00, s23  }
0x5d: {  	[spmem:s3] =	stream.indirect.scatter.add.f32 [tilespmem:s31], [sflag:$0x3], $0x80, s20, s11, $0xb8;
	[tilespmem:$0x1D400] =	vst v63  }
0x5e: {  	s20 =	simm.s32 @!p2 $0x4  }
0x5f: {  	_ =	swait.ge @!p2 [sflag:s20], $0x4000  }
0x60: {  	[sflag:s20] =	ssyncset.done @!p2 $0x0  }
0x61: {  	s9 =	sor.u32 $0x80, s23;
	[sflag:s20] =	ssyncadd.s32 @!p2 $0xFFFFC000  }
0x62: {  	[tilespmem:s14], [sflag:$0x2] =	stream.indirect.gather [hbm4b:s1+s11], $0x80, s9, s11, $0xb8;
	[tilespmem:$0x1D400] =	vst v63  }
0x63: {  	_ =	swait.ge [sflag:s15], $0x4000  }
0x64: {  	[sflag:s15] =	ssyncset.done $0x0  }
0x65: {  	s24 =	sadd.s32 $0xC80, s23;
	[sflag:s15] =	ssyncadd.s32 $0xFFFFC000  }
0x66: {  	[spmem:s3] =	stream.indirect.scatter.add.f32 [tilespmem:s14], [sflag:$0x4], $0x80, s24, s11, $0xb8;
	[tilespmem:$0x1D400] =	vst v63  }
0x67: {  	_ =	swait.ge [sflag:s16], $0x4000  }
0x68: {  	[sflag:s16] =	ssyncset.done $0x0  }
0x69: {  	s25 =	sor.u32 $0x100, s23;
	[sflag:s16] =	ssyncadd.s32 $0xFFFFC000  }
0x6a: {  	[tilespmem:s31], [sflag:$0x1] =	stream.indirect.gather [hbm4b:s1+s11], $0x80, s25, s11, $0xb8;
	[tilespmem:$0x1D400] =	vst v63  }
0x6b: {  	_ =	swait.ge [sflag:s12], $0x4000  }
0x6c: {  	[sflag:s12] =	ssyncset.done $0x0  }
0x6d: {  	s5 =	sadd.s32 $0xD00, s23;
	[sflag:s12] =	ssyncadd.s32 $0xFFFFC000  }
0x6e: {  	[spmem:s3] =	stream.indirect.scatter.add.f32 [tilespmem:s31], [sflag:$0x3], $0x80, s5, s11, $0xb8;
	[tilespmem:$0x1D400] =	vst v63  }
0x6f: {  	_ =	swait.ge [sflag:s17], $0x4000  }
0x70: {  	[sflag:s17] =	ssyncset.done $0x0  }
0x71: {  	s9 =	sor.u32 $0x180, s23;
	[sflag:s17] =	ssyncadd.s32 $0xFFFFC000  }
0x72: {  	[tilespmem:s14], [sflag:$0x2] =	stream.indirect.gather [hbm4b:s1+s11], $0x80, s9, s11, $0xb8;
	[tilespmem:$0x1D400] =	vst v63  }
0x73: {  	_ =	swait.ge [sflag:s15], $0x4000  }
0x74: {  	[sflag:s15] =	ssyncset.done $0x0  }
0x75: {  	s24 =	sadd.s32 $0xD80, s23;
	[sflag:s15] =	ssyncadd.s32 $0xFFFFC000  }
0x76: {  	[spmem:s3] =	stream.indirect.scatter.add.f32 [tilespmem:s14], [sflag:$0x4], $0x80, s24, s11, $0xb8;
	[tilespmem:$0x1D400] =	vst v63  }
0x77: {  	_ =	swait.ge [sflag:s16], $0x4000  }
0x78: {  	[sflag:s16] =	ssyncset.done $0x0  }
0x79: {  	s25 =	sor.u32 $0x200, s23;
	[sflag:s16] =	ssyncadd.s32 $0xFFFFC000  }
0x7a: {  	[tilespmem:s31], [sflag:$0x1] =	stream.indirect.gather [hbm4b:s1+s11], $0x80, s25, s11, $0xb8;
	[tilespmem:$0x1D400] =	vst v63  }
0x7b: {  	_ =	swait.ge [sflag:s12], $0x4000  }
0x7c: {  	[sflag:s12] =	ssyncset.done $0x0  }
0x7d: {  	s5 =	sadd.s32 $0xE00, s23;
	[sflag:s12] =	ssyncadd.s32 $0xFFFFC000  }
0x7e: {  	[spmem:s3] =	stream.indirect.scatter.add.f32 [tilespmem:s31], [sflag:$0x3], $0x80, s5, s11, $0xb8;
	[tilespmem:$0x1D400] =	vst v63  }
0x7f: {  	_ =	swait.ge [sflag:s17], $0x4000  }
0x80: {  	[sflag:s17] =	ssyncset.done $0x0  }
0x81: {  	s9 =	sor.u32 $0x280, s23;
	[sflag:s17] =	ssyncadd.s32 $0xFFFFC000  }
0x82: {  	[tilespmem:s14], [sflag:$0x2] =	stream.indirect.gather [hbm4b:s1+s11], $0x80, s9, s11, $0xb8;
	[tilespmem:$0x1D400] =	vst v63  }
0x83: {  	_ =	swait.ge [sflag:s15], $0x4000  }
0x84: {  	[sflag:s15] =	ssyncset.done $0x0  }
0x85: {  	s24 =	sadd.s32 $0xE80, s23;
	[sflag:s15] =	ssyncadd.s32 $0xFFFFC000  }
0x86: {  	[spmem:s3] =	stream.indirect.scatter.add.f32 [tilespmem:s14], [sflag:$0x4], $0x80, s24, s11, $0xb8;
	[tilespmem:$0x1D400] =	vst v63  }
0x87: {  	_ =	swait.ge [sflag:s16], $0x4000  }
0x88: {  	[sflag:s16] =	ssyncset.done $0x0  }
0x89: {  	s25 =	sor.u32 $0x300, s23;
	[sflag:s16] =	ssyncadd.s32 $0xFFFFC000  }
0x8a: {  	[tilespmem:s31], [sflag:$0x1] =	stream.indirect.gather [hbm4b:s1+s11], $0x80, s25, s11, $0xb8;
	[tilespmem:$0x1D400] =	vst v63  }
0x8b: {  	_ =	swait.ge [sflag:s12], $0x4000  }
0x8c: {  	[sflag:s12] =	ssyncset.done $0x0  }
0x8d: {  	s5 =	sadd.s32 $0xF00, s23;
	[sflag:s12] =	ssyncadd.s32 $0xFFFFC000  }
0x8e: {  	[spmem:s3] =	stream.indirect.scatter.add.f32 [tilespmem:s31], [sflag:$0x3], $0x80, s5, s11, $0xb8;
	[tilespmem:$0x1D400] =	vst v63  }
0x8f: {  	_ =	swait.ge [sflag:s17], $0x4000  }
0x90: {  	[sflag:s17] =	ssyncset.done $0x0  }
0x91: {  	s9 =	sor.u32 $0x380, s23;
	[sflag:s17] =	ssyncadd.s32 $0xFFFFC000  }
0x92: {  	[tilespmem:s14], [sflag:$0x2] =	stream.indirect.gather [hbm4b:s1+s11], $0x80, s9, s11, $0xb8;
	[tilespmem:$0x1D400] =	vst v63  }
0x93: {  	_ =	swait.ge [sflag:s15], $0x4000  }
0x94: {  	[sflag:s15] =	ssyncset.done $0x0  }
0x95: {  	s23 =	sadd.s32 $0xF80, s23;
	[sflag:s15] =	ssyncadd.s32 $0xFFFFC000  }
0x96: {  	[spmem:s3] =	stream.indirect.scatter.add.f32 [tilespmem:s14], [sflag:$0x4], $0x80, s23, s11, $0xb8;
	[tilespmem:$0x1D400] =	vst v63  }
0x97: {  	p2 =	seq.s32 s18, $0x13;
	_ =	swait.ge [sflag:s16], $0x4000  }
0x98: {  	s24 =	sadd.s32 $0xAB, s21;
	s21 =	sadd.s32 $0x156, s21;
	[sflag:s16] =	ssyncset.done $0x0  }
0x99: {  	s20 =	sshrl.u32 s24, $0x9;
	s23 =	simm.s32 @!p2 $0x5;
	[sflag:s16] =	ssyncadd.s32 $0xFFFFC000  }
0x9a: {  	s21 =	sshrl.u32 s21, $0x9;
	s20 =	sand.u32 $0x7F, s20;
	_ =	swait.ge @!p2 [sflag:s23], $0x400  }
0x9b: {  	s21 =	sand.u32 $0x7F, s21;
	s20 =	smul.u32 $0x3, s20;
	[sflag:s23] =	ssyncset.done @!p2 $0x0  }
0x9c: {  	s24 =	sadd.s32 $0x1, s18;
	s21 =	smul.u32 $0x3, s21;
	[sflag:s23] =	ssyncadd.s32 @!p2 $0xFFFFFC00  }
0x9d: {  	s25 =	simm.s32 @!p2 $0x1800;
	s20 =	ssub.s32 s24, s20;
	_ =	swait.ge @!p2 [sflag:s23], $0x400  }
0x9e: {  	s21 =	ssub.s32 s18, s21;
	s20 =	sand.u32 $0xFF, s20;
	[sflag:s23] =	ssyncset.done @!p2 $0x0  }
0x9f: {  	s20 =	sshll.u32 @!p2 s20, $0xA;
	[sflag:s23] =	ssyncadd.s32 @!p2 $0xFFFFFC00;
	s23 =	simm.s32 @!p2 $0x80  }
0xa0: {  	[tilespmem:s25], [sflag:$0x1] =	stream.indirect.gather @!p2 [hbm4b:s1+s23], $0x80, s20, s23, $0xb8;
	[tilespmem:$0x1D400] =	vst v63  }
0xa1: {  	p3 =	sgt.u32 @!p2 s18, $0x11;
	s25 =	sadd.s32 $0x2, s21  }
0xa2: {  	p3 =	por p3, p2;
	s18 =	sand.u32 $0xFF, s25  }
0xa3: {  	s20 =	simm.s32 @!p3 $0x0;
	s18 =	sshll.u32 @!p3 s18, $0xA  }
0xa4: {  	[tilespmem:s18], [sflag:$0x5] =	stream.linear.gather @!p3 [hbm4b:s13+s20], $0x400, $0x38;
	[tilespmem:$0x1D400] =	vst v63  }
0xa5: {  	s18 =	sadd.s32 @!p3 $0xC00, s18  }
0xa6: {  	[tilespmem:s18], [sflag:$0x5] =	stream.linear.gather @!p3 [hbm4b:s22+s20], $0x400, $0x38;
	[tilespmem:$0x1D400] =	vst v63  }
0xa7: {  	p3 =	sne.s32 @!p2 s24, $0x14  }
0xa8: {  	p3 =	por p2, !p3  }
.Ltmp1:
0xa9: {  	_ = 	snop;
	(pc) =	sbr.rel @!p3 .LBB2_4-.Ltmp1, $2  }
0xaa: {  	_ =	sdelay $0x2  }
0xab: {  	s13 =	sadd.s32 @!p2 $0x80, s13;
	s22 =	sadd.s32 @!p2 $0x80, s22;
	s18 =	smov.u32 s24  }
0xac: {  	_ =	swait.ge [sflag:s17], $0x4000  }
0xad: {  	[sflag:s17] =	ssyncset.done $0x0  }
0xae: {  	[sflag:s17] =	ssyncadd.s32 $0xFFFFC000  }
0xaf: {  	s5 =	stileid.u32;
	[bflag:$0x0] =	sbarrier.arrive $0xFFFF  }
0xb0: {  	s13 =	sshll.u32 s5, $0x6;
	s25 =	rddreg [dreg:$0x9]  }
0xb1: {  	s18 =	sor.u32 $0x1C06, s13;
	s13 =	sshrl.u32 s25, $0x3  }
0xb2: {  	[hbm:s10], [sflag:s18] =	dma.local [spmem:s13], $0x2700  }
0xb3: {  	_ =	swait.ge [sflag:s0], $0x2700  }
0xb4: {  	s23 =	sshrl.u32 @!p1 s29, $0x3;
	[sflag:s0] =	ssyncset.done $0x0  }
0xb5: {  	s20 =	simm.s32 @!p1 $0x6;
	s5 =	rddreg [dreg:$0x12];
	[sflag:s0] =	ssyncadd.s32 $0xFFFFD900  }
0xb6: {  	[hbm:s5], [sflag:s18] =	dma.local @!p1 [spmem:s23], $0x100  }
0xb7: {  	_ =	swait.ge @!p1 [sflag:s20], $0x100  }
0xb8: {  	[sflag:s20] =	ssyncset.done @!p1 $0x0  }
0xb9: {  	[sflag:s20] =	ssyncadd.s32 @!p1 $0xFFFFFF00  }
0xba: {  	s21 =	simm.s32 $0x200;
	s20 =	simm.s32 $0x0;
	[bflag:$0x0] =	sbarrier.arrive $0xFFFF  }
.LBB2_6:
0xbb: {  	p2 =	sne.s32 s21, $0xFE00;
	[tilespmem:s20+$0x1870] =	vst v0  }
0xbc: {  	[tilespmem:s20+$0x1800] =	vst v0  }
0xbd: {  	[tilespmem:s20+$0x1810] =	vst v0  }
.Ltmp2:
0xbe: {  	[tilespmem:s20+$0x1820] =	vst v0;
	(pc) =	sbr.rel @p2 .LBB2_6-.Ltmp2, $4  }
0xbf: {  	[tilespmem:s20+$0x1830] =	vst v0  }
0xc0: {  	[tilespmem:s20+$0x1840] =	vst v0  }
0xc1: {  	[tilespmem:s20+$0x1850] =	vst v0  }
0xc2: {  	[tilespmem:s20+$0x1860] =	vst v0;
	s20 =	sshra.s32 s21, $0x2;
	s21 =	sadd.s32 $0x200, s21  }
0xc3: {  	[tilespmem:s20+$0x1870] =	vst v0  }
0xc4: {  	[tilespmem:s20+$0x1800] =	vst v0  }
0xc5: {  	[tilespmem:s20+$0x1810] =	vst v0  }
0xc6: {  	[tilespmem:s20+$0x1820] =	vst v0  }
0xc7: {  	[tilespmem:s20+$0x1830] =	vst v0  }
0xc8: {  	[tilespmem:s20+$0x1840] =	vst v0  }
0xc9: {  	[tilespmem:s20+$0x1850] =	vst v0  }
0xca: {  	[tilespmem:s20+$0x1860] =	vst v0  }
0xcb: {  	[spmem:s6] =	stream.linear.scatter [tilespmem:s31], [sflag:$0x6], $0x4000, $0x38;
	[tilespmem:$0x1D400] =	vst v63  }
0xcc: {  	_ =	swait.ge [sflag:s0], $0x4000  }
0xcd: {  	[sflag:s0] =	ssyncset.done $0x0  }
0xce: {  	[sflag:s0] =	ssyncadd.s32 $0xFFFFC000  }
0xcf: {  	[spmem:s7] =	stream.linear.scatter [tilespmem:s31], [sflag:$0x6], $0x4000, $0x38;
	[tilespmem:$0x1D400] =	vst v63  }
0xd0: {  	_ =	swait.ge [sflag:s0], $0x4000  }
0xd1: {  	[sflag:s0] =	ssyncset.done $0x0  }
0xd2: {  	[sflag:s0] =	ssyncadd.s32 $0xFFFFC000  }
0xd3: {  	[spmem:s8] =	stream.linear.scatter [tilespmem:s31], [sflag:$0x6], $0x4000, $0x38;
	[tilespmem:$0x1D400] =	vst v63  }
0xd4: {  	_ =	swait.ge [sflag:s0], $0x4000  }
0xd5: {  	[sflag:s0] =	ssyncset.done $0x0  }
0xd6: {  	[sflag:s0] =	ssyncadd.s32 $0xFFFFC000  }
0xd7: {  	[spmem:s26] =	stream.linear.scatter [tilespmem:s31], [sflag:$0x6], $0x4000, $0x38;
	[tilespmem:$0x1D400] =	vst v63  }
0xd8: {  	_ =	swait.ge [sflag:s0], $0x4000  }
0xd9: {  	[sflag:s0] =	ssyncset.done $0x0  }
0xda: {  	s20 =	simm.s32 @!p0 $0x1800;
	[sflag:s0] =	ssyncadd.s32 $0xFFFFC000  }
0xdb: {  	[spmem:s28] =	stream.linear.scatter @!p0 [tilespmem:s20], [sflag:$0x6], $0x4000, $0x38;
	[tilespmem:$0x1D400] =	vst v63  }
0xdc: {  	s20 =	simm.s32 @!p0 $0x6  }
0xdd: {  	_ =	swait.ge @!p0 [sflag:s20], $0x4000  }
0xde: {  	[sflag:s20] =	ssyncset.done @!p0 $0x0  }
0xdf: {  	[sflag:s20] =	ssyncadd.s32 @!p0 $0xFFFFC000  }
0xe0: {  	[bflag:$0x0] =	sbarrier.arrive $0xFFFF  }
0xe1: {  	s5 =	simm.s32 $0x0;
	s9 =	rddreg [dreg:$0xa]  }
0xe2: {  	[tilespmem:s5], [sflag:$0x6] =	stream.linear.gather [hbm4b:s9+s5], $0x400, $0x38;
	[tilespmem:$0x1D400] =	vst v63  }
0xe3: {  	_ =	swait.ge [sflag:s0], $0x400  }
0xe4: {  	[sflag:s0] =	ssyncset.done $0x0  }
0xe5: {  	s20 =	rddreg [dreg:$0xb];
	[sflag:s0] =	ssyncadd.s32 $0xFFFFFC00  }
0xe6: {  	[tilespmem:s19], [sflag:$0x6] =	stream.linear.gather [hbm4b:s20+s5], $0x400, $0x38;
	[tilespmem:$0x1D400] =	vst v63  }
0xe7: {  	_ =	swait.ge [sflag:s0], $0x400  }
0xe8: {  	[sflag:s0] =	ssyncset.done $0x0;
	s21 =	rddreg [dreg:$0xc]  }
0xe9: {  	s22 =	simm.s32 $0x400;
	s24 =	rddreg [dreg:$0xd];
	[sflag:s0] =	ssyncadd.s32 $0xFFFFFC00  }
0xea: {  	[tilespmem:s22], [sflag:$0x5] =	stream.linear.gather [hbm4b:s21+s5], $0x400, $0x38;
	[tilespmem:$0x1D400] =	vst v63  }
0xeb: {  	s25 =	simm.s32 $0x1000;
	s22 =	rddreg [dreg:$0x11]  }
0xec: {  	[tilespmem:s25], [sflag:$0x5] =	stream.linear.gather [hbm4b:s24+s5], $0x400, $0x38;
	[tilespmem:$0x1D400] =	vst v63  }
0xed: {  	s21 =	rddreg [dreg:$0x10]  }
0xee: {  	[tilespmem:s31], [sflag:$0x1] =	stream.indirect.gather [hbm4b:s2+s11], $0x80, s5, s11, $0xb8;
	[tilespmem:$0x1D400] =	vst v63  }
.LBB2_8:
0xef: {  	s25 =	smul.u32 $0xAB, s5;
	_ =	sdelay $0x1  }
0xf0: {  	s20 =	sshrl.u32 s25, $0x9  }
0xf1: {  	s20 =	sand.u32 $0x7F, s20  }
0xf2: {  	s20 =	smul.u32 $0x3, s20;
	_ =	sdelay $0x1  }
0xf3: {  	s20 =	ssub.s32 s5, s20  }
0xf4: {  	_ =	swait.ge [sflag:s12], $0x4000;
	s20 =	sand.u32 $0xFF, s20  }
0xf5: {  	[sflag:s12] =	ssyncset.done $0x0;
	s20 =	sshll.u32 s20, $0xA  }
0xf6: {  	p2 =	seq.s32 s5, $0x0;
	[sflag:s12] =	ssyncadd.s32 $0xFFFFC000;
	s19 =	sadd.s32 $0xC00, s20  }
0xf7: {  	[spmem:s3] =	stream.indirect.scatter.add.f32 [tilespmem:s31], [sflag:$0x3], $0x80, s19, s11, $0xb8;
	[tilespmem:$0x1D400] =	vst v63  }
0xf8: {  	s19 =	simm.s32 @!p2 $0x4  }
0xf9: {  	_ =	swait.ge @!p2 [sflag:s19], $0x4000  }
0xfa: {  	[sflag:s19] =	ssyncset.done @!p2 $0x0  }
0xfb: {  	s9 =	sor.u32 $0x80, s20;
	[sflag:s19] =	ssyncadd.s32 @!p2 $0xFFFFC000  }
0xfc: {  	[tilespmem:s14], [sflag:$0x2] =	stream.indirect.gather [hbm4b:s2+s11], $0x80, s9, s11, $0xb8;
	[tilespmem:$0x1D400] =	vst v63  }
0xfd: {  	_ =	swait.ge [sflag:s15], $0x4000  }
0xfe: {  	[sflag:s15] =	ssyncset.done $0x0  }
0xff: {  	s24 =	sadd.s32 $0xC80, s20;
	[sflag:s15] =	ssyncadd.s32 $0xFFFFC000  }
0x100: {  	[spmem:s3] =	stream.indirect.scatter.add.f32 [tilespmem:s14], [sflag:$0x4], $0x80, s24, s11, $0xb8;
	[tilespmem:$0x1D400] =	vst v63  }
0x101: {  	_ =	swait.ge [sflag:s16], $0x4000  }
0x102: {  	[sflag:s16] =	ssyncset.done $0x0  }
0x103: {  	s9 =	sor.u32 $0x100, s20;
	[sflag:s16] =	ssyncadd.s32 $0xFFFFC000  }
0x104: {  	[tilespmem:s31], [sflag:$0x1] =	stream.indirect.gather [hbm4b:s2+s11], $0x80, s9, s11, $0xb8;
	[tilespmem:$0x1D400] =	vst v63  }
0x105: {  	_ =	swait.ge [sflag:s12], $0x4000  }
0x106: {  	[sflag:s12] =	ssyncset.done $0x0  }
0x107: {  	s24 =	sadd.s32 $0xD00, s20;
	[sflag:s12] =	ssyncadd.s32 $0xFFFFC000  }
0x108: {  	[spmem:s3] =	stream.indirect.scatter.add.f32 [tilespmem:s31], [sflag:$0x3], $0x80, s24, s11, $0xb8;
	[tilespmem:$0x1D400] =	vst v63  }
0x109: {  	_ =	swait.ge [sflag:s17], $0x4000  }
0x10a: {  	[sflag:s17] =	ssyncset.done $0x0  }
0x10b: {  	s9 =	sor.u32 $0x180, s20;
	[sflag:s17] =	ssyncadd.s32 $0xFFFFC000  }
0x10c: {  	[tilespmem:s14], [sflag:$0x2] =	stream.indirect.gather [hbm4b:s2+s11], $0x80, s9, s11, $0xb8;
	[tilespmem:$0x1D400] =	vst v63  }
0x10d: {  	_ =	swait.ge [sflag:s15], $0x4000  }
0x10e: {  	[sflag:s15] =	ssyncset.done $0x0  }
0x10f: {  	s24 =	sadd.s32 $0xD80, s20;
	[sflag:s15] =	ssyncadd.s32 $0xFFFFC000  }
0x110: {  	[spmem:s3] =	stream.indirect.scatter.add.f32 [tilespmem:s14], [sflag:$0x4], $0x80, s24, s11, $0xb8;
	[tilespmem:$0x1D400] =	vst v63  }
0x111: {  	_ =	swait.ge [sflag:s16], $0x4000  }
0x112: {  	[sflag:s16] =	ssyncset.done $0x0  }
0x113: {  	s9 =	sor.u32 $0x200, s20;
	[sflag:s16] =	ssyncadd.s32 $0xFFFFC000  }
0x114: {  	[tilespmem:s31], [sflag:$0x1] =	stream.indirect.gather [hbm4b:s2+s11], $0x80, s9, s11, $0xb8;
	[tilespmem:$0x1D400] =	vst v63  }
0x115: {  	_ =	swait.ge [sflag:s12], $0x4000  }
0x116: {  	[sflag:s12] =	ssyncset.done $0x0  }
0x117: {  	s24 =	sadd.s32 $0xE00, s20;
	[sflag:s12] =	ssyncadd.s32 $0xFFFFC000  }
0x118: {  	[spmem:s3] =	stream.indirect.scatter.add.f32 [tilespmem:s31], [sflag:$0x3], $0x80, s24, s11, $0xb8;
	[tilespmem:$0x1D400] =	vst v63  }
0x119: {  	_ =	swait.ge [sflag:s17], $0x4000  }
0x11a: {  	[sflag:s17] =	ssyncset.done $0x0  }
0x11b: {  	s9 =	sor.u32 $0x280, s20;
	[sflag:s17] =	ssyncadd.s32 $0xFFFFC000  }
0x11c: {  	[tilespmem:s14], [sflag:$0x2] =	stream.indirect.gather [hbm4b:s2+s11], $0x80, s9, s11, $0xb8;
	[tilespmem:$0x1D400] =	vst v63  }
0x11d: {  	_ =	swait.ge [sflag:s15], $0x4000  }
0x11e: {  	[sflag:s15] =	ssyncset.done $0x0  }
0x11f: {  	s24 =	sadd.s32 $0xE80, s20;
	[sflag:s15] =	ssyncadd.s32 $0xFFFFC000  }
0x120: {  	[spmem:s3] =	stream.indirect.scatter.add.f32 [tilespmem:s14], [sflag:$0x4], $0x80, s24, s11, $0xb8;
	[tilespmem:$0x1D400] =	vst v63  }
0x121: {  	_ =	swait.ge [sflag:s16], $0x4000  }
0x122: {  	[sflag:s16] =	ssyncset.done $0x0  }
0x123: {  	s9 =	sor.u32 $0x300, s20;
	[sflag:s16] =	ssyncadd.s32 $0xFFFFC000  }
0x124: {  	[tilespmem:s31], [sflag:$0x1] =	stream.indirect.gather [hbm4b:s2+s11], $0x80, s9, s11, $0xb8;
	[tilespmem:$0x1D400] =	vst v63  }
0x125: {  	_ =	swait.ge [sflag:s12], $0x4000  }
0x126: {  	[sflag:s12] =	ssyncset.done $0x0  }
0x127: {  	s24 =	sadd.s32 $0xF00, s20;
	[sflag:s12] =	ssyncadd.s32 $0xFFFFC000  }
0x128: {  	[spmem:s3] =	stream.indirect.scatter.add.f32 [tilespmem:s31], [sflag:$0x3], $0x80, s24, s11, $0xb8;
	[tilespmem:$0x1D400] =	vst v63  }
0x129: {  	_ =	swait.ge [sflag:s17], $0x4000  }
0x12a: {  	[sflag:s17] =	ssyncset.done $0x0  }
0x12b: {  	s9 =	sor.u32 $0x380, s20;
	[sflag:s17] =	ssyncadd.s32 $0xFFFFC000  }
0x12c: {  	[tilespmem:s14], [sflag:$0x2] =	stream.indirect.gather [hbm4b:s2+s11], $0x80, s9, s11, $0xb8;
	[tilespmem:$0x1D400] =	vst v63  }
0x12d: {  	p2 =	seq.s32 s5, $0x13;
	_ =	swait.ge [sflag:s15], $0x4000  }
0x12e: {  	p3 =	sgt.u32 @!p2 s5, $0x11;
	[sflag:s15] =	ssyncset.done $0x0  }
0x12f: {  	p3 =	por p3, p2;
	s20 =	sadd.s32 $0xF80, s20;
	[sflag:s15] =	ssyncadd.s32 $0xFFFFC000  }
0x130: {  	[spmem:s3] =	stream.indirect.scatter.add.f32 [tilespmem:s14], [sflag:$0x4], $0x80, s20, s11, $0xb8;
	[tilespmem:$0x1D400] =	vst v63  }
0x131: {  	s24 =	sadd.s32 $0xAB, s25;
	s25 =	sadd.s32 $0x156, s25;
	_ =	swait.ge [sflag:s16], $0x4000  }
0x132: {  	s19 =	sshrl.u32 s24, $0x9;
	s25 =	sshrl.u32 s25, $0x9;
	[sflag:s16] =	ssyncset.done $0x0  }
0x133: {  	s19 =	sand.u32 $0x7F, s19;
	s20 =	simm.s32 @!p2 $0x5;
	[sflag:s16] =	ssyncadd.s32 $0xFFFFC000  }
0x134: {  	s25 =	sand.u32 $0x7F, s25;
	s19 =	smul.u32 $0x3, s19;
	_ =	swait.ge @!p2 [sflag:s20], $0x400  }
0x135: {  	s24 =	sadd.s32 $0x1, s5;
	s25 =	smul.u32 $0x3, s25;
	[sflag:s20] =	ssyncset.done @!p2 $0x0  }
0x136: {  	s9 =	simm.s32 @!p2 $0x1800;
	s19 =	ssub.s32 s24, s19;
	[sflag:s20] =	ssyncadd.s32 @!p2 $0xFFFFFC00  }
0x137: {  	s25 =	ssub.s32 s5, s25;
	s19 =	sand.u32 $0xFF, s19;
	_ =	swait.ge @!p2 [sflag:s20], $0x400  }
0x138: {  	s25 =	sadd.s32 $0x2, s25;
	s19 =	sshll.u32 @!p2 s19, $0xA;
	[sflag:s20] =	ssyncset.done @!p2 $0x0  }
0x139: {  	s5 =	sand.u32 $0xFF, s25;
	[sflag:s20] =	ssyncadd.s32 @!p2 $0xFFFFFC00;
	s20 =	simm.s32 @!p2 $0x80  }
0x13a: {  	[tilespmem:s9], [sflag:$0x1] =	stream.indirect.gather @!p2 [hbm4b:s2+s20], $0x80, s19, s20, $0xb8;
	[tilespmem:$0x1D400] =	vst v63  }
0x13b: {  	s5 =	sshll.u32 @!p3 s5, $0xA;
	s9 =	simm.s32 @!p3 $0x0  }
0x13c: {  	[tilespmem:s5], [sflag:$0x5] =	stream.linear.gather @!p3 [hbm4b:s22+s9], $0x400, $0x38;
	[tilespmem:$0x1D400] =	vst v63  }
0x13d: {  	s5 =	sadd.s32 @!p3 $0xC00, s5  }
0x13e: {  	[tilespmem:s5], [sflag:$0x5] =	stream.linear.gather @!p3 [hbm4b:s21+s9], $0x400, $0x38;
	[tilespmem:$0x1D400] =	vst v63  }
0x13f: {  	p3 =	sne.s32 @!p2 s24, $0x14  }
0x140: {  	p3 =	por p2, !p3  }
.Ltmp3:
0x141: {  	_ = 	snop;
	(pc) =	sbr.rel @!p3 .LBB2_8-.Ltmp3, $2  }
0x142: {  	_ =	sdelay $0x2  }
0x143: {  	s22 =	sadd.s32 @!p2 $0x80, s22;
	s21 =	sadd.s32 @!p2 $0x80, s21;
	s5 =	smov.u32 s24  }
0x144: {  	_ =	swait.ge [sflag:s17], $0x4000  }
0x145: {  	[sflag:s17] =	ssyncset.done $0x0  }
0x146: {  	[sflag:s17] =	ssyncadd.s32 $0xFFFFC000  }
0x147: {  	[bflag:$0x0] =	sbarrier.arrive $0xFFFF  }
0x148: {  	[hbm:s30], [sflag:s18] =	dma.local [spmem:s13], $0x2700  }
0x149: {  	_ =	swait.ge [sflag:s0], $0x2700  }
0x14a: {  	[sflag:s0] =	ssyncset.done $0x0  }
0x14b: {  	s5 =	rddreg [dreg:$0x13];
	[sflag:s0] =	ssyncadd.s32 $0xFFFFD900  }
0x14c: {  	[hbm:s5], [sflag:s18] =	dma.local @!p1 [spmem:s23], $0x100  }
0x14d: {  	s5 =	simm.s32 @!p1 $0x6  }
0x14e: {  	_ =	swait.ge @!p1 [sflag:s5], $0x100  }
0x14f: {  	s4 =	sadd.s32 $0x1, s4;
	s25 =	rddreg [dreg:$0x14]  }
0x150: {  	p2 =	sne.s32 s4, s25  }
.Ltmp4:
0x151: {  	_ = 	snop;
	(pc) =	sbr.rel @p2 .LBB2_1-.Ltmp4, $4  }
0x152: {  	[sflag:s5] =	ssyncset.done @!p1 $0x0  }
0x153: {  	[sflag:s5] =	ssyncadd.s32 @!p1 $0xFFFFFF00  }
0x154: {  	[bflag:$0x0] =	sbarrier.arrive $0xFFFF  }
0x155: {  	s19 =	simm.s32 $0xC00  }
0x156: {  	_ =	sfence.sel $0x180000  }
0x157: {  	[bflag:$0x0] =	sbarrier.arrive $0xFFFF  }
0x158: {  	_ =	strace $0x90000047  }
0x159: {  	s0 =	stileid.u32;
	[bflag:$0x2] =	sbarrier.arrive $0xFFFF  }
0x15a: {  	p0 =	sne.s32 s0, $0x0;
	s0 =	rddreg [dreg:$0x4]  }
0x15b: {  	s0 =	sadd.s32 @!p0 $0x100000, s0  }
0x15c: {  	[sflag:s0] =	ssyncadd.tile.s32 @!p0 $0x1;
	_ =	shalt  }
.Lfunc_end2:
_tile_overlayer_lowered:
.L_overlay_start_2:
0x15d: {  	(tag) =	ssettag $0x2  }
0x15e: {  	s0 =	rddreg [dreg:$0x0];
	s2 =	stileid.u32  }
0x15f: {  	s1 =	rddreg [dreg:$0x1];
	p0 =	sne.s32 s2, $0x0  }
0x160: {  	s3 =	rddreg [dreg:$0x2];
	[bflag:$0x3] =	sbarrier.arrive $0xFFFF;
	s2 =	simm.s32 @!p0 $0x1C06  }
0x161: {  	[timem:s3], [sflag:s2] =	dma.local @!p0 [hbm:s0], s1  }
0x162: {  	s0 =	simm.s32 @!p0 $0x6  }
0x163: {  	_ =	swait.ge @!p0 [sflag:s0], s1  }
0x164: {  	s1 =	ssub.s32 @!p0 $0x0, s1;
	[sflag:s0] =	ssyncset.done @!p0 $0x0  }
0x165: {  	[sflag:s0] =	ssyncadd.s32 @!p0 s1  }
0x166: {  	[bflag:$0x3] =	sbarrier.arrive $0xFFFF  }
0x167: {  	_ =	shalt  }

</sc_bundles>
